<compile_context>
chip_gen: v7x
topology: tpu7x:2x2x1
jax: 0.10.2.dev20260603
libtpu: 0.0.44.dev20260713+nightly
codegen_flags: <defaults>
</compile_context>

<pallas_src>
import functools

import jax
import jax.numpy as jnp
import numpy as np
from jax import lax
from jax.experimental import pallas as pl
from jax.experimental.pallas import tpu as pltpu
from jax.experimental.pallas import tpu_sc as plsc

B = 64
N = 32768
K = 128
L = 16
NSLICES = N // L
UNROLL = 8
HBUCKETS = 2048
REP = 8
HSLICES = REP * HBUCKETS // L
MIN32 = np.int32(-(2 ** 31))

_MESH = plsc.VectorSubcoreMesh(
    core_axis_name="c", subcore_axis_name="s", num_cores=2, num_subcores=16
)
NW = 2 * 16
ROWS_PER_W = B // NW


def _keys(xv):
    u = lax.bitcast_convert_type(xv, jnp.int32)
    kb = u ^ ((u >> 31) | MIN32)
    ki = kb ^ MIN32
    return ki, kb


def _unkey_f(ki_v):
    kb = ki_v ^ MIN32
    u = kb ^ (jnp.bitwise_not(kb >> 31) | MIN32)
    return lax.bitcast_convert_type(u, jnp.float32)


def _zero_hist(hist, nslices):
    zeros = jnp.zeros((L,), jnp.int32)

    def it(i, carry):
        hist[pl.ds(i * L, L)] = zeros
        return carry

    lax.fori_loop(0, nslices, it, np.int32(0))


def _hist_pass_a(xbuf, obuf, hist):
    ones = jnp.ones((L,), jnp.int32)
    zf = jnp.zeros((L,), jnp.float32)
    rep_off = (lax.iota(jnp.int32, L) & np.int32(REP - 1)) << 11

    def it(i, carry):
        for u in range(UNROLL):
            s = i * UNROLL + u
            xv = xbuf[pl.ds(s * L, L)]
            _, kb = _keys(xv)
            bucket = lax.shift_right_logical(kb, 21)
            plsc.addupdate_scatter(hist, [bucket + rep_off], ones)
            obuf[pl.ds(s * L, L)] = zf
        return carry

    lax.fori_loop(0, NSLICES // UNROLL, it, np.int32(0))


def _merge_hist(hist):

    def it(j, carry):
        acc = hist[pl.ds(j * L, L)]
        for r in range(1, REP):
            acc = acc + hist[pl.ds(r * HBUCKETS + j * L, L)]
        hist[pl.ds(j * L, L)] = acc
        return carry

    lax.fori_loop(0, HBUCKETS // L, it, np.int32(0))


def _scan_hist(hist, need, nslices):
    iota = lax.iota(jnp.int32, L)

    def it(i, carry):
        found, b, c_above, acc = carry
        j = np.int32(nslices - 1) - i
        h = hist[pl.ds(j * L, L)]
        s = jnp.sum(h)
        incl = plsc.cumsum(h)
        suffix = acc + (s - incl) + h
        hit = jnp.logical_and(found == 0, (acc + s) >= need)
        mv = suffix >= need
        b_in = jnp.sum(jnp.where(mv, 1, 0)) - 1
        strict = suffix - h
        c_new = jnp.sum(jnp.where(iota == b_in, strict, 0))
        b = jnp.where(hit, j * L + b_in, b)
        c_above = jnp.where(hit, c_new, c_above)
        found = jnp.where(hit, np.int32(1), found)
        return found, b, c_above, acc + s

    z = np.int32(0)
    _, b, c_above, _ = lax.fori_loop(0, nslices, it, (z, z, z, z))
    return b, c_above


def _capture_pass(xbuf, cand, hist, t1f_v):
    iota = lax.iota(jnp.int32, L)
    zi = jnp.zeros((L,), jnp.int32)

    def it(i, offm1_v):
        for u in range(UNROLL):
            s = i * UNROLL + u
            xv = xbuf[pl.ds(s * L, L)]
            pm = xv >= t1f_v
            incl = plsc.cumsum(jnp.where(pm, np.int32(1), np.int32(0)))
            plsc.store_scatter(cand, [offm1_v + incl], s * L + iota, mask=pm)
            offm1_v = offm1_v + plsc.all_reduce_population_count(pm)
            hist[pl.ds((s & np.int32(HSLICES - 1)) * L, L)] = zi
        return offm1_v

    offm1_v = lax.fori_loop(
        0, NSLICES // UNROLL, it, jnp.full((L,), np.int32(-1), jnp.int32)
    )
    return offm1_v + 1


def _cand_count(xbuf, cand, trip, nc_v, thrf_v, strict):
    iota = lax.iota(jnp.int32, L)

    def it(t, cnt_v):
        valid = (t * L + iota) < nc_v
        posv = cand[pl.ds(t * L, L)]
        xg = plsc.load_gather(xbuf, [jnp.where(valid, posv, np.int32(0))])
        cmp = (xg > thrf_v) if strict else (xg >= thrf_v)
        m = jnp.logical_and(valid, cmp)
        return cnt_v + plsc.all_reduce_population_count(m)

    return lax.fori_loop(0, trip, it, jnp.zeros((L,), jnp.int32))


def _cand_binsearch(xbuf, cand, trip, nc_v, b1, need):
    lo0 = (b1 << 21) ^ MIN32
    lo_v = jnp.full((L,), np.int32(0), jnp.int32) + lo0
    span_v = jnp.full((L,), np.int32((1 << 21) - 1), jnp.int32)
    hi_v = lo_v + span_v
    need_v = jnp.full((L,), need, jnp.int32)

    def step(i, carry):
        lo_v, hi_v = carry
        mid_v = lo_v + ((hi_v - lo_v + 1) >> 1)
        cnt_v = _cand_count(xbuf, cand, trip, nc_v, _unkey_f(mid_v), False)
        ok = cnt_v >= need_v
        return (jnp.where(ok, mid_v, lo_v), jnp.where(ok, hi_v, mid_v - 1))

    lo_v, _ = lax.fori_loop(0, 21, step, (lo_v, hi_v))
    return _unkey_f(lo_v)


def _fixup_pass(xbuf, obuf, cand, trip, nc_v, tf_v, qv):
    iota = lax.iota(jnp.int32, L)

    def it(t, rv):
        valid = (t * L + iota) < nc_v
        posv = cand[pl.ds(t * L, L)]
        xg = plsc.load_gather(xbuf, [jnp.where(valid, posv, np.int32(0))])
        gt = jnp.logical_and(valid, xg > tf_v)
        eq = jnp.logical_and(valid, xg == tf_v)
        incl = plsc.cumsum(jnp.where(eq, np.int32(1), np.int32(0)))
        take = jnp.logical_or(gt, jnp.logical_and(eq, (rv + incl) <= qv))
        val = jnp.maximum(xg, np.float32(0.0))
        plsc.store_scatter(obuf, [posv], val, mask=take)
        return rv + plsc.all_reduce_population_count(eq)

    lax.fori_loop(0, trip, it, jnp.zeros((L,), jnp.int32))


@functools.partial(
    pl.kernel,
    out_type=jax.ShapeDtypeStruct((B, N), jnp.float32),
    mesh=_MESH,
    compiler_params=pltpu.CompilerParams(needs_layout_passes=False),
    scratch_types=[
        pltpu.VMEM((N,), jnp.float32),
        pltpu.VMEM((N,), jnp.float32),
        pltpu.VMEM((N,), jnp.int32),
        pltpu.VMEM((REP * HBUCKETS,), jnp.int32),
    ],
)
def _topk_sc(x_hbm, o_hbm, xbuf, obuf, cand, hist):
    wid = lax.axis_index("s") * 2 + lax.axis_index("c")
    _zero_hist(hist, HSLICES)
    for r in range(ROWS_PER_W):
        row = wid * ROWS_PER_W + r
        pltpu.sync_copy(x_hbm.at[row], xbuf)

        _hist_pass_a(xbuf, obuf, hist)
        _merge_hist(hist)
        b1, _ = _scan_hist(hist, np.int32(K), HBUCKETS // L)

        lo1_v = jnp.zeros((L,), jnp.int32) + ((b1 << 21) ^ MIN32)
        nc_v = _capture_pass(xbuf, cand, hist, _unkey_f(lo1_v))
        nc = jnp.max(nc_v)
        trip = (nc + np.int32(L - 1)) >> 4

        tf_v = _cand_binsearch(xbuf, cand, trip, nc_v, b1, np.int32(K))
        cgt_v = _cand_count(xbuf, cand, trip, nc_v, tf_v, True)
        qv = jnp.full((L,), np.int32(K), jnp.int32) - cgt_v

        _fixup_pass(xbuf, obuf, cand, trip, nc_v, tf_v, qv)
        pltpu.sync_copy(obuf, o_hbm.at[row])


def kernel(x):
    return _topk_sc(x)

# --- scband reference (transcript-rebuilt; emitter-appended) ---
"""Pipeline reference for scband-top-k-77644418777360 (READ-ONLY COPY).

The authoritative reference and input builder live on the scoring server;
editing this copy changes nothing except your own understanding.
"""

import jax, jax.numpy as jnp
import numpy as np

K = 128

def setup_inputs(seed: int = 0) -> dict:
    key = jax.random.key(seed)
    x = jax.random.normal(key, (64, 32768), dtype=jnp.float32)
    return {"x": x}

def reference(x):
    # torch.topk(x, k, dim=-1)
    values, indices = jax.lax.top_k(x, K)
    # ReLU post-activation
    values = jax.nn.relu(values)
    # result = zeros_like(x); result.scatter_(-1, indices, values)
    B = x.shape[0]
    rows = jnp.arange(B)[:, None]
    result = jnp.zeros_like(x).at[rows, indices].set(values)
    return result

if __name__ == "__main__":
    import jax
    _d = setup_inputs()
    print(jax.jit(kernel)(*tuple(_d.values())))

</pallas_src>

<mosaic_0001>
#map = affine_map<(d0, d1) -> (0, 0)>
module attributes {stable_mosaic.version = 14 : i64} {
  func.func @_topk_sc(%arg0: i32, %arg1: i32, %arg2: memref<64x32768xf32, #tpu.memory_space<hbm>>, %arg3: memref<64x32768xf32, #tpu.memory_space<hbm>>, %arg4: memref<32768xf32, #tpu.memory_space<vmem>>, %arg5: memref<32768xf32, #tpu.memory_space<vmem>>, %arg6: memref<32768xi32, #tpu.memory_space<vmem>>, %arg7: memref<16384xi32, #tpu.memory_space<vmem>>) attributes {dimension_semantics = [#tpu.dimension_semantics<core_parallel>, #tpu.dimension_semantics<subcore_parallel>], iteration_bounds = array<i64: 2, 16>, scalar_prefetch = 0 : i64, scratch_operands = 4 : i64, tpu.core_type = #tpu.core_type<sc_vector_subcore>, window_params = [{transform_indices = #map}, {transform_indices = #map}]} {
    %mul3A = arith.constant 2 : i32
    %mul3A_0 = arith.muli %arg1, %mul3A : i32
    %add3A = arith.addi %mul3A_0, %arg0 : i32
    %broadcast_in_dim3A = arith.constant 0 : i32
    %broadcast_in_dim3A_1 = vector.broadcast %broadcast_in_dim3A : i32 to vector<16xi32>
    %scan3A = arith.constant 0 : i32
    %scan3A_2 = arith.constant 0 : i32
    %scan3A_3 = arith.constant 1024 : i32
    %scan3A_4 = arith.addi %scan3A_2, %scan3A_3 : i32
    %scan3A_5 = arith.constant 1 : i32
    scf.for %scan3A_292 = %scan3A_2 to %scan3A_4 step %scan3A_5  : i32 {
      %mul3A_293 = arith.constant 16 : i32
      %mul3A_294 = arith.muli %scan3A_292, %mul3A_293 : i32
      %swap3A = arith.index_cast %mul3A_294 : i32 to index
      %swap3A_295 = tpu.vector_load %arg7[%swap3A] {strides = array<i32>} : memref<16384xi32, #tpu.memory_space<vmem>>, vector<16xi32>,
      tpu.vector_store %arg7[%swap3A], %broadcast_in_dim3A_1 {strides = array<i32>} : memref<16384xi32, #tpu.memory_space<vmem>>, vector<16xi32>,
    }
    %scan3A_6 = arith.constant 1024 : i32
    %mul3A_7 = arith.constant 2 : i32
    %mul3A_8 = arith.muli %add3A, %mul3A_7 : i32
    %add3A_9 = arith.constant 0 : i32
    %add3A_10 = arith.addi %mul3A_8, %add3A_9 : i32
    "tpu.region"() ({
      %run_scoped3A = tpu.sem_alloc : memref<!tpu.dma_semaphore, #tpu.memory_space<semaphore_mem>>
      %dma_start3A = arith.constant 0 : i32
      %dma_start3A_292 = tpu.memref_slice %arg2[%add3A_10, %dma_start3A] : memref<64x32768xf32, #tpu.memory_space<hbm>> -> memref<1x32768xf32, #tpu.memory_space<hbm>>
      %dma_start3A_293 = tpu.memref_squeeze %dma_start3A_292 : memref<1x32768xf32, #tpu.memory_space<hbm>> -> memref<32768xf32, #tpu.memory_space<hbm>>
      %dma_start3A_294 = arith.constant 0 : i32
      %dma_start3A_295 = tpu.memref_slice %arg2[%add3A_10, %dma_start3A_294] : memref<64x32768xf32, #tpu.memory_space<hbm>> -> memref<1x32768xf32, #tpu.memory_space<hbm>>
      %dma_start3A_296 = tpu.memref_squeeze %dma_start3A_295 : memref<1x32768xf32, #tpu.memory_space<hbm>> -> memref<32768xf32, #tpu.memory_space<hbm>>
      tpu.enqueue_dma source(%dma_start3A_296 : memref<32768xf32, #tpu.memory_space<hbm>>) target(%arg4 : memref<32768xf32, #tpu.memory_space<vmem>>) target_semaphore(%run_scoped3A : memref<!tpu.dma_semaphore, #tpu.memory_space<semaphore_mem>>)
      %dma_wait3A = arith.constant 0 : i32
      %dma_wait3A_297 = tpu.memref_slice %arg2[%add3A_10, %dma_wait3A] : memref<64x32768xf32, #tpu.memory_space<hbm>> -> memref<1x32768xf32, #tpu.memory_space<hbm>>
      %dma_wait3A_298 = tpu.memref_squeeze %dma_wait3A_297 : memref<1x32768xf32, #tpu.memory_space<hbm>> -> memref<32768xf32, #tpu.memory_space<hbm>>
      %dma_wait3A_299 = arith.constant 0 : i32
      %dma_wait3A_300 = tpu.memref_slice %arg2[%add3A_10, %dma_wait3A_299] : memref<64x32768xf32, #tpu.memory_space<hbm>> -> memref<1x32768xf32, #tpu.memory_space<hbm>>
      %dma_wait3A_301 = tpu.memref_squeeze %dma_wait3A_300 : memref<1x32768xf32, #tpu.memory_space<hbm>> -> memref<32768xf32, #tpu.memory_space<hbm>>
      tpu.wait_dma2 semaphore(%run_scoped3A : memref<!tpu.dma_semaphore, #tpu.memory_space<semaphore_mem>>) src(%dma_wait3A_301 : memref<32768xf32, #tpu.memory_space<hbm>>) dst(%arg4 : memref<32768xf32, #tpu.memory_space<vmem>>)
      tpu.yield
    }) : () -> ()
    %broadcast_in_dim3A_11 = arith.constant 1 : i32
    %broadcast_in_dim3A_12 = vector.broadcast %broadcast_in_dim3A_11 : i32 to vector<16xi32>
    %broadcast_in_dim3A_13 = arith.constant 0.000000e+00 : f32
    %broadcast_in_dim3A_14 = vector.broadcast %broadcast_in_dim3A_13 : f32 to vector<16xf32>
    %iota3A = tpu.iota {dimensions = array<i32: 0>} : vector<16xi32>
    %and3A = arith.constant 7 : i32
    %and3A_15 = vector.broadcast %and3A : i32 to vector<16xi32>
    %and3A_16 = arith.andi %iota3A, %and3A_15 : vector<16xi32>
    %shift_left3A = arith.constant 11 : i32
    %shift_left3A_17 = vector.broadcast %shift_left3A : i32 to vector<16xi32>
    %shift_left3A_18 = arith.shli %and3A_16, %shift_left3A_17 : vector<16xi32>
    %scan3A_19 = arith.constant 0 : i32
    %scan3A_20 = arith.constant 0 : i32
    %scan3A_21 = arith.constant 256 : i32
    %scan3A_22 = arith.addi %scan3A_20, %scan3A_21 : i32
    %scan3A_23 = arith.constant 1 : i32
    scf.for %scan3A_292 = %scan3A_20 to %scan3A_22 step %scan3A_23  : i32 {
      %mul3A_293 = arith.constant 8 : i32
      %mul3A_294 = arith.muli %scan3A_292, %mul3A_293 : i32
      %add3A_295 = arith.constant 0 : i32
      %add3A_296 = arith.addi %mul3A_294, %add3A_295 : i32
      %mul3A_297 = arith.constant 16 : i32
      %mul3A_298 = arith.muli %add3A_296, %mul3A_297 : i32
      %get3A = arith.index_cast %mul3A_298 : i32 to index
      %get3A_299 = tpu.vector_load %arg4[%get3A] {strides = array<i32>} : memref<32768xf32, #tpu.memory_space<vmem>>, vector<16xf32>,
      %bitcast_convert_type3A_300 = tpu.bitcast %get3A_299 : vector<16xf32> -> vector<16xi32>
      %shift_right_arithmetic3A_301 = arith.constant 31 : i32
      %shift_right_arithmetic3A_302 = vector.broadcast %shift_right_arithmetic3A_301 : i32 to vector<16xi32>
      %shift_right_arithmetic3A_303 = arith.shrsi %bitcast_convert_type3A_300, %shift_right_arithmetic3A_302 : vector<16xi32>
      %or3A_304 = arith.constant -2147483648 : i32
      %or3A_305 = vector.broadcast %or3A_304 : i32 to vector<16xi32>
      %or3A_306 = arith.ori %shift_right_arithmetic3A_303, %or3A_305 : vector<16xi32>
      %xor3A_307 = arith.xori %bitcast_convert_type3A_300, %or3A_306 : vector<16xi32>
      %xor3A_308 = arith.constant -2147483648 : i32
      %xor3A_309 = vector.broadcast %xor3A_308 : i32 to vector<16xi32>
      %xor3A_310 = arith.xori %xor3A_307, %xor3A_309 : vector<16xi32>
      %shift_right_logical3A = arith.constant 21 : i32
      %shift_right_logical3A_311 = vector.broadcast %shift_right_logical3A : i32 to vector<16xi32>
      %shift_right_logical3A_312 = arith.shrui %xor3A_307, %shift_right_logical3A_311 : vector<16xi32>
      %add3A_313 = arith.addi %shift_right_logical3A_312, %shift_left3A_18 : vector<16xi32>
      tpu.vector_store_idx %arg7[%add3A_313], %broadcast_in_dim3A_12 {add = true} : memref<16384xi32, #tpu.memory_space<vmem>>[vector<16xi32>], vector<16xi32>,
      %mul3A_314 = arith.constant 16 : i32
      %mul3A_315 = arith.muli %add3A_296, %mul3A_314 : i32
      %swap3A = arith.index_cast %mul3A_315 : i32 to index
      %swap3A_316 = tpu.vector_load %arg5[%swap3A] {strides = array<i32>} : memref<32768xf32, #tpu.memory_space<vmem>>, vector<16xf32>,
      tpu.vector_store %arg5[%swap3A], %broadcast_in_dim3A_14 {strides = array<i32>} : memref<32768xf32, #tpu.memory_space<vmem>>, vector<16xf32>,
      %mul3A_317 = arith.constant 8 : i32
      %mul3A_318 = arith.muli %scan3A_292, %mul3A_317 : i32
      %add3A_319 = arith.constant 1 : i32
      %add3A_320 = arith.addi %mul3A_318, %add3A_319 : i32
      %mul3A_321 = arith.constant 16 : i32
      %mul3A_322 = arith.muli %add3A_320, %mul3A_321 : i32
      %get3A_323 = arith.index_cast %mul3A_322 : i32 to index
      %get3A_324 = tpu.vector_load %arg4[%get3A_323] {strides = array<i32>} : memref<32768xf32, #tpu.memory_space<vmem>>, vector<16xf32>,
      %bitcast_convert_type3A_325 = tpu.bitcast %get3A_324 : vector<16xf32> -> vector<16xi32>
      %shift_right_arithmetic3A_326 = arith.constant 31 : i32
      %shift_right_arithmetic3A_327 = vector.broadcast %shift_right_arithmetic3A_326 : i32 to vector<16xi32>
      %shift_right_arithmetic3A_328 = arith.shrsi %bitcast_convert_type3A_325, %shift_right_arithmetic3A_327 : vector<16xi32>
      %or3A_329 = arith.constant -2147483648 : i32
      %or3A_330 = vector.broadcast %or3A_329 : i32 to vector<16xi32>
      %or3A_331 = arith.ori %shift_right_arithmetic3A_328, %or3A_330 : vector<16xi32>
      %xor3A_332 = arith.xori %bitcast_convert_type3A_325, %or3A_331 : vector<16xi32>
      %xor3A_333 = arith.constant -2147483648 : i32
      %xor3A_334 = vector.broadcast %xor3A_333 : i32 to vector<16xi32>
      %xor3A_335 = arith.xori %xor3A_332, %xor3A_334 : vector<16xi32>
      %shift_right_logical3A_336 = arith.constant 21 : i32
      %shift_right_logical3A_337 = vector.broadcast %shift_right_logical3A_336 : i32 to vector<16xi32>
      %shift_right_logical3A_338 = arith.shrui %xor3A_332, %shift_right_logical3A_337 : vector<16xi32>
      %add3A_339 = arith.addi %shift_right_logical3A_338, %shift_left3A_18 : vector<16xi32>
      tpu.vector_store_idx %arg7[%add3A_339], %broadcast_in_dim3A_12 {add = true} : memref<16384xi32, #tpu.memory_space<vmem>>[vector<16xi32>], vector<16xi32>,
      %mul3A_340 = arith.constant 16 : i32
      %mul3A_341 = arith.muli %add3A_320, %mul3A_340 : i32
      %swap3A_342 = arith.index_cast %mul3A_341 : i32 to index
      %swap3A_343 = tpu.vector_load %arg5[%swap3A_342] {strides = array<i32>} : memref<32768xf32, #tpu.memory_space<vmem>>, vector<16xf32>,
      tpu.vector_store %arg5[%swap3A_342], %broadcast_in_dim3A_14 {strides = array<i32>} : memref<32768xf32, #tpu.memory_space<vmem>>, vector<16xf32>,
      %mul3A_344 = arith.constant 8 : i32
      %mul3A_345 = arith.muli %scan3A_292, %mul3A_344 : i32
      %add3A_346 = arith.constant 2 : i32
      %add3A_347 = arith.addi %mul3A_345, %add3A_346 : i32
      %mul3A_348 = arith.constant 16 : i32
      %mul3A_349 = arith.muli %add3A_347, %mul3A_348 : i32
      %get3A_350 = arith.index_cast %mul3A_349 : i32 to index
      %get3A_351 = tpu.vector_load %arg4[%get3A_350] {strides = array<i32>} : memref<32768xf32, #tpu.memory_space<vmem>>, vector<16xf32>,
      %bitcast_convert_type3A_352 = tpu.bitcast %get3A_351 : vector<16xf32> -> vector<16xi32>
      %shift_right_arithmetic3A_353 = arith.constant 31 : i32
      %shift_right_arithmetic3A_354 = vector.broadcast %shift_right_arithmetic3A_353 : i32 to vector<16xi32>
      %shift_right_arithmetic3A_355 = arith.shrsi %bitcast_convert_type3A_352, %shift_right_arithmetic3A_354 : vector<16xi32>
      %or3A_356 = arith.constant -2147483648 : i32
      %or3A_357 = vector.broadcast %or3A_356 : i32 to vector<16xi32>
      %or3A_358 = arith.ori %shift_right_arithmetic3A_355, %or3A_357 : vector<16xi32>
      %xor3A_359 = arith.xori %bitcast_convert_type3A_352, %or3A_358 : vector<16xi32>
      %xor3A_360 = arith.constant -2147483648 : i32
      %xor3A_361 = vector.broadcast %xor3A_360 : i32 to vector<16xi32>
      %xor3A_362 = arith.xori %xor3A_359, %xor3A_361 : vector<16xi32>
      %shift_right_logical3A_363 = arith.constant 21 : i32
      %shift_right_logical3A_364 = vector.broadcast %shift_right_logical3A_363 : i32 to vector<16xi32>
      %shift_right_logical3A_365 = arith.shrui %xor3A_359, %shift_right_logical3A_364 : vector<16xi32>
      %add3A_366 = arith.addi %shift_right_logical3A_365, %shift_left3A_18 : vector<16xi32>
      tpu.vector_store_idx %arg7[%add3A_366], %broadcast_in_dim3A_12 {add = true} : memref<16384xi32, #tpu.memory_space<vmem>>[vector<16xi32>], vector<16xi32>,
      %mul3A_367 = arith.constant 16 : i32
      %mul3A_368 = arith.muli %add3A_347, %mul3A_367 : i32
      %swap3A_369 = arith.index_cast %mul3A_368 : i32 to index
      %swap3A_370 = tpu.vector_load %arg5[%swap3A_369] {strides = array<i32>} : memref<32768xf32, #tpu.memory_space<vmem>>, vector<16xf32>,
      tpu.vector_store %arg5[%swap3A_369], %broadcast_in_dim3A_14 {strides = array<i32>} : memref<32768xf32, #tpu.memory_space<vmem>>, vector<16xf32>,
      %mul3A_371 = arith.constant 8 : i32
      %mul3A_372 = arith.muli %scan3A_292, %mul3A_371 : i32
      %add3A_373 = arith.constant 3 : i32
      %add3A_374 = arith.addi %mul3A_372, %add3A_373 : i32
      %mul3A_375 = arith.constant 16 : i32
      %mul3A_376 = arith.muli %add3A_374, %mul3A_375 : i32
      %get3A_377 = arith.index_cast %mul3A_376 : i32 to index
      %get3A_378 = tpu.vector_load %arg4[%get3A_377] {strides = array<i32>} : memref<32768xf32, #tpu.memory_space<vmem>>, vector<16xf32>,
      %bitcast_convert_type3A_379 = tpu.bitcast %get3A_378 : vector<16xf32> -> vector<16xi32>
      %shift_right_arithmetic3A_380 = arith.constant 31 : i32
      %shift_right_arithmetic3A_381 = vector.broadcast %shift_right_arithmetic3A_380 : i32 to vector<16xi32>
      %shift_right_arithmetic3A_382 = arith.shrsi %bitcast_convert_type3A_379, %shift_right_arithmetic3A_381 : vector<16xi32>
      %or3A_383 = arith.constant -2147483648 : i32
      %or3A_384 = vector.broadcast %or3A_383 : i32 to vector<16xi32>
      %or3A_385 = arith.ori %shift_right_arithmetic3A_382, %or3A_384 : vector<16xi32>
      %xor3A_386 = arith.xori %bitcast_convert_type3A_379, %or3A_385 : vector<16xi32>
      %xor3A_387 = arith.constant -2147483648 : i32
      %xor3A_388 = vector.broadcast %xor3A_387 : i32 to vector<16xi32>
      %xor3A_389 = arith.xori %xor3A_386, %xor3A_388 : vector<16xi32>
      %shift_right_logical3A_390 = arith.constant 21 : i32
      %shift_right_logical3A_391 = vector.broadcast %shift_right_logical3A_390 : i32 to vector<16xi32>
      %shift_right_logical3A_392 = arith.shrui %xor3A_386, %shift_right_logical3A_391 : vector<16xi32>
      %add3A_393 = arith.addi %shift_right_logical3A_392, %shift_left3A_18 : vector<16xi32>
      tpu.vector_store_idx %arg7[%add3A_393], %broadcast_in_dim3A_12 {add = true} : memref<16384xi32, #tpu.memory_space<vmem>>[vector<16xi32>], vector<16xi32>,
      %mul3A_394 = arith.constant 16 : i32
      %mul3A_395 = arith.muli %add3A_374, %mul3A_394 : i32
      %swap3A_396 = arith.index_cast %mul3A_395 : i32 to index
      %swap3A_397 = tpu.vector_load %arg5[%swap3A_396] {strides = array<i32>} : memref<32768xf32, #tpu.memory_space<vmem>>, vector<16xf32>,
      tpu.vector_store %arg5[%swap3A_396], %broadcast_in_dim3A_14 {strides = array<i32>} : memref<32768xf32, #tpu.memory_space<vmem>>, vector<16xf32>,
      %mul3A_398 = arith.constant 8 : i32
      %mul3A_399 = arith.muli %scan3A_292, %mul3A_398 : i32
      %add3A_400 = arith.constant 4 : i32
      %add3A_401 = arith.addi %mul3A_399, %add3A_400 : i32
      %mul3A_402 = arith.constant 16 : i32
      %mul3A_403 = arith.muli %add3A_401, %mul3A_402 : i32
      %get3A_404 = arith.index_cast %mul3A_403 : i32 to index
      %get3A_405 = tpu.vector_load %arg4[%get3A_404] {strides = array<i32>} : memref<32768xf32, #tpu.memory_space<vmem>>, vector<16xf32>,
      %bitcast_convert_type3A_406 = tpu.bitcast %get3A_405 : vector<16xf32> -> vector<16xi32>
      %shift_right_arithmetic3A_407 = arith.constant 31 : i32
      %shift_right_arithmetic3A_408 = vector.broadcast %shift_right_arithmetic3A_407 : i32 to vector<16xi32>
      %shift_right_arithmetic3A_409 = arith.shrsi %bitcast_convert_type3A_406, %shift_right_arithmetic3A_408 : vector<16xi32>
      %or3A_410 = arith.constant -2147483648 : i32
      %or3A_411 = vector.broadcast %or3A_410 : i32 to vector<16xi32>
      %or3A_412 = arith.ori %shift_right_arithmetic3A_409, %or3A_411 : vector<16xi32>
      %xor3A_413 = arith.xori %bitcast_convert_type3A_406, %or3A_412 : vector<16xi32>
      %xor3A_414 = arith.constant -2147483648 : i32
      %xor3A_415 = vector.broadcast %xor3A_414 : i32 to vector<16xi32>
      %xor3A_416 = arith.xori %xor3A_413, %xor3A_415 : vector<16xi32>
      %shift_right_logical3A_417 = arith.constant 21 : i32
      %shift_right_logical3A_418 = vector.broadcast %shift_right_logical3A_417 : i32 to vector<16xi32>
      %shift_right_logical3A_419 = arith.shrui %xor3A_413, %shift_right_logical3A_418 : vector<16xi32>
      %add3A_420 = arith.addi %shift_right_logical3A_419, %shift_left3A_18 : vector<16xi32>
      tpu.vector_store_idx %arg7[%add3A_420], %broadcast_in_dim3A_12 {add = true} : memref<16384xi32, #tpu.memory_space<vmem>>[vector<16xi32>], vector<16xi32>,
      %mul3A_421 = arith.constant 16 : i32
      %mul3A_422 = arith.muli %add3A_401, %mul3A_421 : i32
      %swap3A_423 = arith.index_cast %mul3A_422 : i32 to index
      %swap3A_424 = tpu.vector_load %arg5[%swap3A_423] {strides = array<i32>} : memref<32768xf32, #tpu.memory_space<vmem>>, vector<16xf32>,
      tpu.vector_store %arg5[%swap3A_423], %broadcast_in_dim3A_14 {strides = array<i32>} : memref<32768xf32, #tpu.memory_space<vmem>>, vector<16xf32>,
      %mul3A_425 = arith.constant 8 : i32
      %mul3A_426 = arith.muli %scan3A_292, %mul3A_425 : i32
      %add3A_427 = arith.constant 5 : i32
      %add3A_428 = arith.addi %mul3A_426, %add3A_427 : i32
      %mul3A_429 = arith.constant 16 : i32
      %mul3A_430 = arith.muli %add3A_428, %mul3A_429 : i32
      %get3A_431 = arith.index_cast %mul3A_430 : i32 to index
      %get3A_432 = tpu.vector_load %arg4[%get3A_431] {strides = array<i32>} : memref<32768xf32, #tpu.memory_space<vmem>>, vector<16xf32>,
      %bitcast_convert_type3A_433 = tpu.bitcast %get3A_432 : vector<16xf32> -> vector<16xi32>
      %shift_right_arithmetic3A_434 = arith.constant 31 : i32
      %shift_right_arithmetic3A_435 = vector.broadcast %shift_right_arithmetic3A_434 : i32 to vector<16xi32>
      %shift_right_arithmetic3A_436 = arith.shrsi %bitcast_convert_type3A_433, %shift_right_arithmetic3A_435 : vector<16xi32>
      %or3A_437 = arith.constant -2147483648 : i32
      %or3A_438 = vector.broadcast %or3A_437 : i32 to vector<16xi32>
      %or3A_439 = arith.ori %shift_right_arithmetic3A_436, %or3A_438 : vector<16xi32>
      %xor3A_440 = arith.xori %bitcast_convert_type3A_433, %or3A_439 : vector<16xi32>
      %xor3A_441 = arith.constant -2147483648 : i32
      %xor3A_442 = vector.broadcast %xor3A_441 : i32 to vector<16xi32>
      %xor3A_443 = arith.xori %xor3A_440, %xor3A_442 : vector<16xi32>
      %shift_right_logical3A_444 = arith.constant 21 : i32
      %shift_right_logical3A_445 = vector.broadcast %shift_right_logical3A_444 : i32 to vector<16xi32>
      %shift_right_logical3A_446 = arith.shrui %xor3A_440, %shift_right_logical3A_445 : vector<16xi32>
      %add3A_447 = arith.addi %shift_right_logical3A_446, %shift_left3A_18 : vector<16xi32>
      tpu.vector_store_idx %arg7[%add3A_447], %broadcast_in_dim3A_12 {add = true} : memref<16384xi32, #tpu.memory_space<vmem>>[vector<16xi32>], vector<16xi32>,
      %mul3A_448 = arith.constant 16 : i32
      %mul3A_449 = arith.muli %add3A_428, %mul3A_448 : i32
      %swap3A_450 = arith.index_cast %mul3A_449 : i32 to index
      %swap3A_451 = tpu.vector_load %arg5[%swap3A_450] {strides = array<i32>} : memref<32768xf32, #tpu.memory_space<vmem>>, vector<16xf32>,
      tpu.vector_store %arg5[%swap3A_450], %broadcast_in_dim3A_14 {strides = array<i32>} : memref<32768xf32, #tpu.memory_space<vmem>>, vector<16xf32>,
      %mul3A_452 = arith.constant 8 : i32
      %mul3A_453 = arith.muli %scan3A_292, %mul3A_452 : i32
      %add3A_454 = arith.constant 6 : i32
      %add3A_455 = arith.addi %mul3A_453, %add3A_454 : i32
      %mul3A_456 = arith.constant 16 : i32
      %mul3A_457 = arith.muli %add3A_455, %mul3A_456 : i32
      %get3A_458 = arith.index_cast %mul3A_457 : i32 to index
      %get3A_459 = tpu.vector_load %arg4[%get3A_458] {strides = array<i32>} : memref<32768xf32, #tpu.memory_space<vmem>>, vector<16xf32>,
      %bitcast_convert_type3A_460 = tpu.bitcast %get3A_459 : vector<16xf32> -> vector<16xi32>
      %shift_right_arithmetic3A_461 = arith.constant 31 : i32
      %shift_right_arithmetic3A_462 = vector.broadcast %shift_right_arithmetic3A_461 : i32 to vector<16xi32>
      %shift_right_arithmetic3A_463 = arith.shrsi %bitcast_convert_type3A_460, %shift_right_arithmetic3A_462 : vector<16xi32>
      %or3A_464 = arith.constant -2147483648 : i32
      %or3A_465 = vector.broadcast %or3A_464 : i32 to vector<16xi32>
      %or3A_466 = arith.ori %shift_right_arithmetic3A_463, %or3A_465 : vector<16xi32>
      %xor3A_467 = arith.xori %bitcast_convert_type3A_460, %or3A_466 : vector<16xi32>
      %xor3A_468 = arith.constant -2147483648 : i32
      %xor3A_469 = vector.broadcast %xor3A_468 : i32 to vector<16xi32>
      %xor3A_470 = arith.xori %xor3A_467, %xor3A_469 : vector<16xi32>
      %shift_right_logical3A_471 = arith.constant 21 : i32
      %shift_right_logical3A_472 = vector.broadcast %shift_right_logical3A_471 : i32 to vector<16xi32>
      %shift_right_logical3A_473 = arith.shrui %xor3A_467, %shift_right_logical3A_472 : vector<16xi32>
      %add3A_474 = arith.addi %shift_right_logical3A_473, %shift_left3A_18 : vector<16xi32>
      tpu.vector_store_idx %arg7[%add3A_474], %broadcast_in_dim3A_12 {add = true} : memref<16384xi32, #tpu.memory_space<vmem>>[vector<16xi32>], vector<16xi32>,
      %mul3A_475 = arith.constant 16 : i32
      %mul3A_476 = arith.muli %add3A_455, %mul3A_475 : i32
      %swap3A_477 = arith.index_cast %mul3A_476 : i32 to index
      %swap3A_478 = tpu.vector_load %arg5[%swap3A_477] {strides = array<i32>} : memref<32768xf32, #tpu.memory_space<vmem>>, vector<16xf32>,
      tpu.vector_store %arg5[%swap3A_477], %broadcast_in_dim3A_14 {strides = array<i32>} : memref<32768xf32, #tpu.memory_space<vmem>>, vector<16xf32>,
      %mul3A_479 = arith.constant 8 : i32
      %mul3A_480 = arith.muli %scan3A_292, %mul3A_479 : i32
      %add3A_481 = arith.constant 7 : i32
      %add3A_482 = arith.addi %mul3A_480, %add3A_481 : i32
      %mul3A_483 = arith.constant 16 : i32
      %mul3A_484 = arith.muli %add3A_482, %mul3A_483 : i32
      %get3A_485 = arith.index_cast %mul3A_484 : i32 to index
      %get3A_486 = tpu.vector_load %arg4[%get3A_485] {strides = array<i32>} : memref<32768xf32, #tpu.memory_space<vmem>>, vector<16xf32>,
      %bitcast_convert_type3A_487 = tpu.bitcast %get3A_486 : vector<16xf32> -> vector<16xi32>
      %shift_right_arithmetic3A_488 = arith.constant 31 : i32
      %shift_right_arithmetic3A_489 = vector.broadcast %shift_right_arithmetic3A_488 : i32 to vector<16xi32>
      %shift_right_arithmetic3A_490 = arith.shrsi %bitcast_convert_type3A_487, %shift_right_arithmetic3A_489 : vector<16xi32>
      %or3A_491 = arith.constant -2147483648 : i32
      %or3A_492 = vector.broadcast %or3A_491 : i32 to vector<16xi32>
      %or3A_493 = arith.ori %shift_right_arithmetic3A_490, %or3A_492 : vector<16xi32>
      %xor3A_494 = arith.xori %bitcast_convert_type3A_487, %or3A_493 : vector<16xi32>
      %xor3A_495 = arith.constant -2147483648 : i32
      %xor3A_496 = vector.broadcast %xor3A_495 : i32 to vector<16xi32>
      %xor3A_497 = arith.xori %xor3A_494, %xor3A_496 : vector<16xi32>
      %shift_right_logical3A_498 = arith.constant 21 : i32
      %shift_right_logical3A_499 = vector.broadcast %shift_right_logical3A_498 : i32 to vector<16xi32>
      %shift_right_logical3A_500 = arith.shrui %xor3A_494, %shift_right_logical3A_499 : vector<16xi32>
      %add3A_501 = arith.addi %shift_right_logical3A_500, %shift_left3A_18 : vector<16xi32>
      tpu.vector_store_idx %arg7[%add3A_501], %broadcast_in_dim3A_12 {add = true} : memref<16384xi32, #tpu.memory_space<vmem>>[vector<16xi32>], vector<16xi32>,
      %mul3A_502 = arith.constant 16 : i32
      %mul3A_503 = arith.muli %add3A_482, %mul3A_502 : i32
      %swap3A_504 = arith.index_cast %mul3A_503 : i32 to index
      %swap3A_505 = tpu.vector_load %arg5[%swap3A_504] {strides = array<i32>} : memref<32768xf32, #tpu.memory_space<vmem>>, vector<16xf32>,
      tpu.vector_store %arg5[%swap3A_504], %broadcast_in_dim3A_14 {strides = array<i32>} : memref<32768xf32, #tpu.memory_space<vmem>>, vector<16xf32>,
    }
    %scan3A_24 = arith.constant 256 : i32
    %scan3A_25 = arith.constant 0 : i32
    %scan3A_26 = arith.constant 0 : i32
    %scan3A_27 = arith.constant 128 : i32
    %scan3A_28 = arith.addi %scan3A_26, %scan3A_27 : i32
    %scan3A_29 = arith.constant 1 : i32
    scf.for %scan3A_292 = %scan3A_26 to %scan3A_28 step %scan3A_29  : i32 {
      %mul3A_293 = arith.constant 16 : i32
      %mul3A_294 = arith.muli %scan3A_292, %mul3A_293 : i32
      %get3A = arith.index_cast %mul3A_294 : i32 to index
      %get3A_295 = tpu.vector_load %arg7[%get3A] {strides = array<i32>} : memref<16384xi32, #tpu.memory_space<vmem>>, vector<16xi32>,
      %mul3A_296 = arith.constant 16 : i32
      %mul3A_297 = arith.muli %scan3A_292, %mul3A_296 : i32
      %add3A_298 = arith.constant 2048 : i32
      %add3A_299 = arith.addi %add3A_298, %mul3A_297 : i32
      %get3A_300 = arith.index_cast %add3A_299 : i32 to index
      %get3A_301 = tpu.vector_load %arg7[%get3A_300] {strides = array<i32>} : memref<16384xi32, #tpu.memory_space<vmem>>, vector<16xi32>,
      %add3A_302 = arith.addi %get3A_295, %get3A_301 : vector<16xi32>
      %mul3A_303 = arith.constant 16 : i32
      %mul3A_304 = arith.muli %scan3A_292, %mul3A_303 : i32
      %add3A_305 = arith.constant 4096 : i32
      %add3A_306 = arith.addi %add3A_305, %mul3A_304 : i32
      %get3A_307 = arith.index_cast %add3A_306 : i32 to index
      %get3A_308 = tpu.vector_load %arg7[%get3A_307] {strides = array<i32>} : memref<16384xi32, #tpu.memory_space<vmem>>, vector<16xi32>,
      %add3A_309 = arith.addi %add3A_302, %get3A_308 : vector<16xi32>
      %mul3A_310 = arith.constant 16 : i32
      %mul3A_311 = arith.muli %scan3A_292, %mul3A_310 : i32
      %add3A_312 = arith.constant 6144 : i32
      %add3A_313 = arith.addi %add3A_312, %mul3A_311 : i32
      %get3A_314 = arith.index_cast %add3A_313 : i32 to index
      %get3A_315 = tpu.vector_load %arg7[%get3A_314] {strides = array<i32>} : memref<16384xi32, #tpu.memory_space<vmem>>, vector<16xi32>,
      %add3A_316 = arith.addi %add3A_309, %get3A_315 : vector<16xi32>
      %mul3A_317 = arith.constant 16 : i32
      %mul3A_318 = arith.muli %scan3A_292, %mul3A_317 : i32
      %add3A_319 = arith.constant 8192 : i32
      %add3A_320 = arith.addi %add3A_319, %mul3A_318 : i32
      %get3A_321 = arith.index_cast %add3A_320 : i32 to index
      %get3A_322 = tpu.vector_load %arg7[%get3A_321] {strides = array<i32>} : memref<16384xi32, #tpu.memory_space<vmem>>, vector<16xi32>,
      %add3A_323 = arith.addi %add3A_316, %get3A_322 : vector<16xi32>
      %mul3A_324 = arith.constant 16 : i32
      %mul3A_325 = arith.muli %scan3A_292, %mul3A_324 : i32
      %add3A_326 = arith.constant 10240 : i32
      %add3A_327 = arith.addi %add3A_326, %mul3A_325 : i32
      %get3A_328 = arith.index_cast %add3A_327 : i32 to index
      %get3A_329 = tpu.vector_load %arg7[%get3A_328] {strides = array<i32>} : memref<16384xi32, #tpu.memory_space<vmem>>, vector<16xi32>,
      %add3A_330 = arith.addi %add3A_323, %get3A_329 : vector<16xi32>
      %mul3A_331 = arith.constant 16 : i32
      %mul3A_332 = arith.muli %scan3A_292, %mul3A_331 : i32
      %add3A_333 = arith.constant 12288 : i32
      %add3A_334 = arith.addi %add3A_333, %mul3A_332 : i32
      %get3A_335 = arith.index_cast %add3A_334 : i32 to index
      %get3A_336 = tpu.vector_load %arg7[%get3A_335] {strides = array<i32>} : memref<16384xi32, #tpu.memory_space<vmem>>, vector<16xi32>,
      %add3A_337 = arith.addi %add3A_330, %get3A_336 : vector<16xi32>
      %mul3A_338 = arith.constant 16 : i32
      %mul3A_339 = arith.muli %scan3A_292, %mul3A_338 : i32
      %add3A_340 = arith.constant 14336 : i32
      %add3A_341 = arith.addi %add3A_340, %mul3A_339 : i32
      %get3A_342 = arith.index_cast %add3A_341 : i32 to index
      %get3A_343 = tpu.vector_load %arg7[%get3A_342] {strides = array<i32>} : memref<16384xi32, #tpu.memory_space<vmem>>, vector<16xi32>,
      %add3A_344 = arith.addi %add3A_337, %get3A_343 : vector<16xi32>
      %mul3A_345 = arith.constant 16 : i32
      %mul3A_346 = arith.muli %scan3A_292, %mul3A_345 : i32
      %swap3A = arith.index_cast %mul3A_346 : i32 to index
      %swap3A_347 = tpu.vector_load %arg7[%swap3A] {strides = array<i32>} : memref<16384xi32, #tpu.memory_space<vmem>>, vector<16xi32>,
      tpu.vector_store %arg7[%swap3A], %add3A_344 {strides = array<i32>} : memref<16384xi32, #tpu.memory_space<vmem>>, vector<16xi32>,
    }
    %scan3A_30 = arith.constant 128 : i32
    %iota3A_31 = tpu.iota {dimensions = array<i32: 0>} : vector<16xi32>
    %scan3A_32 = arith.constant 0 : i32
    %scan3A_33 = arith.constant 0 : i32
    %scan3A_34 = arith.constant 0 : i32
    %scan3A_35 = arith.constant 0 : i32
    %scan3A_36 = arith.constant 0 : i32
    %scan3A_37 = arith.constant 128 : i32
    %scan3A_38 = arith.addi %scan3A_36, %scan3A_37 : i32
    %scan3A_39 = arith.constant 1 : i32
    %scan3A_40:4 = scf.for %scan3A_292 = %scan3A_36 to %scan3A_38 step %scan3A_39 iter_args(%scan3A_293 = %scan3A_32, %scan3A_294 = %scan3A_33, %scan3A_295 = %scan3A_34, %scan3A_296 = %scan3A_35) -> (i32, i32, i32, i32)  : i32 {
      %sub3A_297 = arith.constant 127 : i32
      %sub3A_298 = arith.subi %sub3A_297, %scan3A_292 : i32
      %mul3A_299 = arith.constant 16 : i32
      %mul3A_300 = arith.muli %sub3A_298, %mul3A_299 : i32
      %get3A = arith.index_cast %mul3A_300 : i32 to index
      %get3A_301 = tpu.vector_load %arg7[%get3A] {strides = array<i32>} : memref<16384xi32, #tpu.memory_space<vmem>>, vector<16xi32>,
      %reduce_sum3A = arith.constant true
      %reduce_sum3A_302 = vector.broadcast %reduce_sum3A : i1 to vector<16xi1>
      %reduce_sum3A_303 = tpu.scan <sum>, %get3A_301 masked %reduce_sum3A_302 : vector<16xi32>, vector<16xi1> -> vector<16xi32>
      %reduce_sum3A_304 = vector.extract %reduce_sum3A_303[15] : i32 from vector<16xi32>
      %broadcast_in_dim3A_305 = arith.constant true
      %broadcast_in_dim3A_306 = vector.broadcast %broadcast_in_dim3A_305 : i1 to vector<16xi1>
      %masked_cumsum3A = tpu.scan <sum>, %get3A_301 masked %broadcast_in_dim3A_306 : vector<16xi32>, vector<16xi1> -> vector<16xi32>
      %sub3A_307 = vector.broadcast %reduce_sum3A_304 : i32 to vector<16xi32>
      %sub3A_308 = arith.subi %sub3A_307, %masked_cumsum3A : vector<16xi32>
      %add3A_309 = vector.broadcast %scan3A_296 : i32 to vector<16xi32>
      %add3A_310 = arith.addi %add3A_309, %sub3A_308 : vector<16xi32>
      %add3A_311 = arith.addi %add3A_310, %get3A_301 : vector<16xi32>
      %eq3A = arith.constant 0 : i32
      %eq3A_312 = arith.cmpi eq, %scan3A_293, %eq3A : i32
      %add3A_313 = arith.addi %scan3A_296, %reduce_sum3A_304 : i32
      %ge3A = arith.constant 128 : i32
      %ge3A_314 = arith.cmpi sge, %add3A_313, %ge3A : i32
      %and3A_315 = arith.andi %eq3A_312, %ge3A_314 : i1
      %ge3A_316 = arith.constant 128 : i32
      %ge3A_317 = vector.broadcast %ge3A_316 : i32 to vector<16xi32>
      %ge3A_318 = arith.cmpi sge, %add3A_311, %ge3A_317 : vector<16xi32>
      %jit3A = arith.constant 1 : i32
      %jit3A_319 = arith.constant 0 : i32
      %broadcast_in_dim3A_320 = vector.broadcast %jit3A : i32 to vector<16xi32>
      %broadcast_in_dim3A_321 = vector.broadcast %jit3A_319 : i32 to vector<16xi32>
      %select_n3A = arith.select %ge3A_318, %broadcast_in_dim3A_320, %broadcast_in_dim3A_321 : vector<16xi1>, vector<16xi32>
      %reduce_sum3A_322 = arith.constant true
      %reduce_sum3A_323 = vector.broadcast %reduce_sum3A_322 : i1 to vector<16xi1>
      %reduce_sum3A_324 = tpu.scan <sum>, %select_n3A masked %reduce_sum3A_323 : vector<16xi32>, vector<16xi1> -> vector<16xi32>
      %reduce_sum3A_325 = vector.extract %reduce_sum3A_324[15] : i32 from vector<16xi32>
      %sub3A_326 = arith.constant 1 : i32
      %sub3A_327 = arith.subi %reduce_sum3A_325, %sub3A_326 : i32
      %sub3A_328 = arith.subi %add3A_311, %get3A_301 : vector<16xi32>
      %eq3A_329 = vector.broadcast %sub3A_327 : i32 to vector<16xi32>
      %eq3A_330 = arith.cmpi eq, %iota3A_31, %eq3A_329 : vector<16xi32>
      %jit3A_331 = arith.constant 0 : i32
      %broadcast_in_dim3A_332 = vector.broadcast %jit3A_331 : i32 to vector<16xi32>
      %select_n3A_333 = arith.select %eq3A_330, %sub3A_328, %broadcast_in_dim3A_332 : vector<16xi1>, vector<16xi32>
      %reduce_sum3A_334 = arith.constant true
      %reduce_sum3A_335 = vector.broadcast %reduce_sum3A_334 : i1 to vector<16xi1>
      %reduce_sum3A_336 = tpu.scan <sum>, %select_n3A_333 masked %reduce_sum3A_335 : vector<16xi32>, vector<16xi1> -> vector<16xi32>
      %reduce_sum3A_337 = vector.extract %reduce_sum3A_336[15] : i32 from vector<16xi32>
      %mul3A_338 = arith.constant 16 : i32
      %mul3A_339 = arith.muli %sub3A_298, %mul3A_338 : i32
      %add3A_340 = arith.addi %mul3A_339, %sub3A_327 : i32
      %select_n3A_341 = arith.select %and3A_315, %add3A_340, %scan3A_294 : i32
      %select_n3A_342 = arith.select %and3A_315, %reduce_sum3A_337, %scan3A_295 : i32
      %jit3A_343 = arith.constant 1 : i32
      %select_n3A_344 = arith.select %and3A_315, %jit3A_343, %scan3A_293 : i32
      %add3A_345 = arith.addi %scan3A_296, %reduce_sum3A_304 : i32
      scf.yield %select_n3A_344, %select_n3A_341, %select_n3A_342, %add3A_345 : i32, i32, i32, i32
    }
    %scan3A_41 = arith.constant 128 : i32
    %broadcast_in_dim3A_42 = arith.constant 0 : i32
    %broadcast_in_dim3A_43 = vector.broadcast %broadcast_in_dim3A_42 : i32 to vector<16xi32>
    %shift_left3A_44 = arith.constant 21 : i32
    %shift_left3A_45 = arith.shli %scan3A_40#1, %shift_left3A_44 : i32
    %xor3A = arith.constant -2147483648 : i32
    %xor3A_46 = arith.xori %shift_left3A_45, %xor3A : i32
    %add3A_47 = vector.broadcast %xor3A_46 : i32 to vector<16xi32>
    %add3A_48 = arith.addi %broadcast_in_dim3A_43, %add3A_47 : vector<16xi32>
    %xor3A_49 = arith.constant -2147483648 : i32
    %xor3A_50 = vector.broadcast %xor3A_49 : i32 to vector<16xi32>
    %xor3A_51 = arith.xori %add3A_48, %xor3A_50 : vector<16xi32>
    %shift_right_arithmetic3A = arith.constant 31 : i32
    %shift_right_arithmetic3A_52 = vector.broadcast %shift_right_arithmetic3A : i32 to vector<16xi32>
    %shift_right_arithmetic3A_53 = arith.shrsi %xor3A_51, %shift_right_arithmetic3A_52 : vector<16xi32>
    %not3A = arith.constant dense<-1> : vector<16xi32>
    %not3A_54 = arith.xori %shift_right_arithmetic3A_53, %not3A : vector<16xi32>
    %or3A = arith.constant -2147483648 : i32
    %or3A_55 = vector.broadcast %or3A : i32 to vector<16xi32>
    %or3A_56 = arith.ori %not3A_54, %or3A_55 : vector<16xi32>
    %xor3A_57 = arith.xori %xor3A_51, %or3A_56 : vector<16xi32>
    %bitcast_convert_type3A = tpu.bitcast %xor3A_57 : vector<16xi32> -> vector<16xf32>
    %iota3A_58 = tpu.iota {dimensions = array<i32: 0>} : vector<16xi32>
    %broadcast_in_dim3A_59 = arith.constant 0 : i32
    %broadcast_in_dim3A_60 = vector.broadcast %broadcast_in_dim3A_59 : i32 to vector<16xi32>
    %broadcast_in_dim3A_61 = arith.constant -1 : i32
    %broadcast_in_dim3A_62 = vector.broadcast %broadcast_in_dim3A_61 : i32 to vector<16xi32>
    %scan3A_63 = arith.constant 0 : i32
    %scan3A_64 = arith.constant 256 : i32
    %scan3A_65 = arith.addi %scan3A_63, %scan3A_64 : i32
    %scan3A_66 = arith.constant 1 : i32
    %scan3A_67 = scf.for %scan3A_292 = %scan3A_63 to %scan3A_65 step %scan3A_66 iter_args(%scan3A_293 = %broadcast_in_dim3A_62) -> (vector<16xi32>)  : i32 {
      %mul3A_294 = arith.constant 8 : i32
      %mul3A_295 = arith.muli %scan3A_292, %mul3A_294 : i32
      %add3A_296 = arith.constant 0 : i32
      %add3A_297 = arith.addi %mul3A_295, %add3A_296 : i32
      %mul3A_298 = arith.constant 16 : i32
      %mul3A_299 = arith.muli %add3A_297, %mul3A_298 : i32
      %get3A = arith.index_cast %mul3A_299 : i32 to index
      %get3A_300 = tpu.vector_load %arg4[%get3A] {strides = array<i32>} : memref<32768xf32, #tpu.memory_space<vmem>>, vector<16xf32>,
      %ge3A = arith.cmpf oge, %get3A_300, %bitcast_convert_type3A : vector<16xf32>
      %jit3A = arith.constant 1 : i32
      %jit3A_301 = arith.constant 0 : i32
      %broadcast_in_dim3A_302 = vector.broadcast %jit3A : i32 to vector<16xi32>
      %broadcast_in_dim3A_303 = vector.broadcast %jit3A_301 : i32 to vector<16xi32>
      %select_n3A = arith.select %ge3A, %broadcast_in_dim3A_302, %broadcast_in_dim3A_303 : vector<16xi1>, vector<16xi32>
      %broadcast_in_dim3A_304 = arith.constant true
      %broadcast_in_dim3A_305 = vector.broadcast %broadcast_in_dim3A_304 : i1 to vector<16xi1>
      %masked_cumsum3A = tpu.scan <sum>, %select_n3A masked %broadcast_in_dim3A_305 : vector<16xi32>, vector<16xi1> -> vector<16xi32>
      %add3A_306 = arith.addi %scan3A_293, %masked_cumsum3A : vector<16xi32>
      %mul3A_307 = arith.constant 16 : i32
      %mul3A_308 = arith.muli %add3A_297, %mul3A_307 : i32
      %add3A_309 = vector.broadcast %mul3A_308 : i32 to vector<16xi32>
      %add3A_310 = arith.addi %add3A_309, %iota3A_58 : vector<16xi32>
      tpu.vector_store_idx %arg6[%add3A_306], %add3A_310 masked %ge3A : memref<32768xi32, #tpu.memory_space<vmem>>[vector<16xi32>], vector<16xi32>, vector<16xi1>
      %all_reduce_population_count3A = tpu.all_reduce %ge3A {dim = 0 : i64, kind = #tpu.reduction_kind<sum>} : vector<16xi1> -> vector<16xi32>
      %add3A_311 = arith.addi %scan3A_293, %all_reduce_population_count3A : vector<16xi32>
      %and3A_312 = arith.constant 1023 : i32
      %and3A_313 = arith.andi %add3A_297, %and3A_312 : i32
      %mul3A_314 = arith.constant 16 : i32
      %mul3A_315 = arith.muli %and3A_313, %mul3A_314 : i32
      %swap3A = arith.index_cast %mul3A_315 : i32 to index
      %swap3A_316 = tpu.vector_load %arg7[%swap3A] {strides = array<i32>} : memref<16384xi32, #tpu.memory_space<vmem>>, vector<16xi32>,
      tpu.vector_store %arg7[%swap3A], %broadcast_in_dim3A_60 {strides = array<i32>} : memref<16384xi32, #tpu.memory_space<vmem>>, vector<16xi32>,
      %mul3A_317 = arith.constant 8 : i32
      %mul3A_318 = arith.muli %scan3A_292, %mul3A_317 : i32
      %add3A_319 = arith.constant 1 : i32
      %add3A_320 = arith.addi %mul3A_318, %add3A_319 : i32
      %mul3A_321 = arith.constant 16 : i32
      %mul3A_322 = arith.muli %add3A_320, %mul3A_321 : i32
      %get3A_323 = arith.index_cast %mul3A_322 : i32 to index
      %get3A_324 = tpu.vector_load %arg4[%get3A_323] {strides = array<i32>} : memref<32768xf32, #tpu.memory_space<vmem>>, vector<16xf32>,
      %ge3A_325 = arith.cmpf oge, %get3A_324, %bitcast_convert_type3A : vector<16xf32>
      %jit3A_326 = arith.constant 1 : i32
      %jit3A_327 = arith.constant 0 : i32
      %broadcast_in_dim3A_328 = vector.broadcast %jit3A_326 : i32 to vector<16xi32>
      %broadcast_in_dim3A_329 = vector.broadcast %jit3A_327 : i32 to vector<16xi32>
      %select_n3A_330 = arith.select %ge3A_325, %broadcast_in_dim3A_328, %broadcast_in_dim3A_329 : vector<16xi1>, vector<16xi32>
      %broadcast_in_dim3A_331 = arith.constant true
      %broadcast_in_dim3A_332 = vector.broadcast %broadcast_in_dim3A_331 : i1 to vector<16xi1>
      %masked_cumsum3A_333 = tpu.scan <sum>, %select_n3A_330 masked %broadcast_in_dim3A_332 : vector<16xi32>, vector<16xi1> -> vector<16xi32>
      %add3A_334 = arith.addi %add3A_311, %masked_cumsum3A_333 : vector<16xi32>
      %mul3A_335 = arith.constant 16 : i32
      %mul3A_336 = arith.muli %add3A_320, %mul3A_335 : i32
      %add3A_337 = vector.broadcast %mul3A_336 : i32 to vector<16xi32>
      %add3A_338 = arith.addi %add3A_337, %iota3A_58 : vector<16xi32>
      tpu.vector_store_idx %arg6[%add3A_334], %add3A_338 masked %ge3A_325 : memref<32768xi32, #tpu.memory_space<vmem>>[vector<16xi32>], vector<16xi32>, vector<16xi1>
      %all_reduce_population_count3A_339 = tpu.all_reduce %ge3A_325 {dim = 0 : i64, kind = #tpu.reduction_kind<sum>} : vector<16xi1> -> vector<16xi32>
      %add3A_340 = arith.addi %add3A_311, %all_reduce_population_count3A_339 : vector<16xi32>
      %and3A_341 = arith.constant 1023 : i32
      %and3A_342 = arith.andi %add3A_320, %and3A_341 : i32
      %mul3A_343 = arith.constant 16 : i32
      %mul3A_344 = arith.muli %and3A_342, %mul3A_343 : i32
      %swap3A_345 = arith.index_cast %mul3A_344 : i32 to index
      %swap3A_346 = tpu.vector_load %arg7[%swap3A_345] {strides = array<i32>} : memref<16384xi32, #tpu.memory_space<vmem>>, vector<16xi32>,
      tpu.vector_store %arg7[%swap3A_345], %broadcast_in_dim3A_60 {strides = array<i32>} : memref<16384xi32, #tpu.memory_space<vmem>>, vector<16xi32>,
      %mul3A_347 = arith.constant 8 : i32
      %mul3A_348 = arith.muli %scan3A_292, %mul3A_347 : i32
      %add3A_349 = arith.constant 2 : i32
      %add3A_350 = arith.addi %mul3A_348, %add3A_349 : i32
      %mul3A_351 = arith.constant 16 : i32
      %mul3A_352 = arith.muli %add3A_350, %mul3A_351 : i32
      %get3A_353 = arith.index_cast %mul3A_352 : i32 to index
      %get3A_354 = tpu.vector_load %arg4[%get3A_353] {strides = array<i32>} : memref<32768xf32, #tpu.memory_space<vmem>>, vector<16xf32>,
      %ge3A_355 = arith.cmpf oge, %get3A_354, %bitcast_convert_type3A : vector<16xf32>
      %jit3A_356 = arith.constant 1 : i32
      %jit3A_357 = arith.constant 0 : i32
      %broadcast_in_dim3A_358 = vector.broadcast %jit3A_356 : i32 to vector<16xi32>
      %broadcast_in_dim3A_359 = vector.broadcast %jit3A_357 : i32 to vector<16xi32>
      %select_n3A_360 = arith.select %ge3A_355, %broadcast_in_dim3A_358, %broadcast_in_dim3A_359 : vector<16xi1>, vector<16xi32>
      %broadcast_in_dim3A_361 = arith.constant true
      %broadcast_in_dim3A_362 = vector.broadcast %broadcast_in_dim3A_361 : i1 to vector<16xi1>
      %masked_cumsum3A_363 = tpu.scan <sum>, %select_n3A_360 masked %broadcast_in_dim3A_362 : vector<16xi32>, vector<16xi1> -> vector<16xi32>
      %add3A_364 = arith.addi %add3A_340, %masked_cumsum3A_363 : vector<16xi32>
      %mul3A_365 = arith.constant 16 : i32
      %mul3A_366 = arith.muli %add3A_350, %mul3A_365 : i32
      %add3A_367 = vector.broadcast %mul3A_366 : i32 to vector<16xi32>
      %add3A_368 = arith.addi %add3A_367, %iota3A_58 : vector<16xi32>
      tpu.vector_store_idx %arg6[%add3A_364], %add3A_368 masked %ge3A_355 : memref<32768xi32, #tpu.memory_space<vmem>>[vector<16xi32>], vector<16xi32>, vector<16xi1>
      %all_reduce_population_count3A_369 = tpu.all_reduce %ge3A_355 {dim = 0 : i64, kind = #tpu.reduction_kind<sum>} : vector<16xi1> -> vector<16xi32>
      %add3A_370 = arith.addi %add3A_340, %all_reduce_population_count3A_369 : vector<16xi32>
      %and3A_371 = arith.constant 1023 : i32
      %and3A_372 = arith.andi %add3A_350, %and3A_371 : i32
      %mul3A_373 = arith.constant 16 : i32
      %mul3A_374 = arith.muli %and3A_372, %mul3A_373 : i32
      %swap3A_375 = arith.index_cast %mul3A_374 : i32 to index
      %swap3A_376 = tpu.vector_load %arg7[%swap3A_375] {strides = array<i32>} : memref<16384xi32, #tpu.memory_space<vmem>>, vector<16xi32>,
      tpu.vector_store %arg7[%swap3A_375], %broadcast_in_dim3A_60 {strides = array<i32>} : memref<16384xi32, #tpu.memory_space<vmem>>, vector<16xi32>,
      %mul3A_377 = arith.constant 8 : i32
      %mul3A_378 = arith.muli %scan3A_292, %mul3A_377 : i32
      %add3A_379 = arith.constant 3 : i32
      %add3A_380 = arith.addi %mul3A_378, %add3A_379 : i32
      %mul3A_381 = arith.constant 16 : i32
      %mul3A_382 = arith.muli %add3A_380, %mul3A_381 : i32
      %get3A_383 = arith.index_cast %mul3A_382 : i32 to index
      %get3A_384 = tpu.vector_load %arg4[%get3A_383] {strides = array<i32>} : memref<32768xf32, #tpu.memory_space<vmem>>, vector<16xf32>,
      %ge3A_385 = arith.cmpf oge, %get3A_384, %bitcast_convert_type3A : vector<16xf32>
      %jit3A_386 = arith.constant 1 : i32
      %jit3A_387 = arith.constant 0 : i32
      %broadcast_in_dim3A_388 = vector.broadcast %jit3A_386 : i32 to vector<16xi32>
      %broadcast_in_dim3A_389 = vector.broadcast %jit3A_387 : i32 to vector<16xi32>
      %select_n3A_390 = arith.select %ge3A_385, %broadcast_in_dim3A_388, %broadcast_in_dim3A_389 : vector<16xi1>, vector<16xi32>
      %broadcast_in_dim3A_391 = arith.constant true
      %broadcast_in_dim3A_392 = vector.broadcast %broadcast_in_dim3A_391 : i1 to vector<16xi1>
      %masked_cumsum3A_393 = tpu.scan <sum>, %select_n3A_390 masked %broadcast_in_dim3A_392 : vector<16xi32>, vector<16xi1> -> vector<16xi32>
      %add3A_394 = arith.addi %add3A_370, %masked_cumsum3A_393 : vector<16xi32>
      %mul3A_395 = arith.constant 16 : i32
      %mul3A_396 = arith.muli %add3A_380, %mul3A_395 : i32
      %add3A_397 = vector.broadcast %mul3A_396 : i32 to vector<16xi32>
      %add3A_398 = arith.addi %add3A_397, %iota3A_58 : vector<16xi32>
      tpu.vector_store_idx %arg6[%add3A_394], %add3A_398 masked %ge3A_385 : memref<32768xi32, #tpu.memory_space<vmem>>[vector<16xi32>], vector<16xi32>, vector<16xi1>
      %all_reduce_population_count3A_399 = tpu.all_reduce %ge3A_385 {dim = 0 : i64, kind = #tpu.reduction_kind<sum>} : vector<16xi1> -> vector<16xi32>
      %add3A_400 = arith.addi %add3A_370, %all_reduce_population_count3A_399 : vector<16xi32>
      %and3A_401 = arith.constant 1023 : i32
      %and3A_402 = arith.andi %add3A_380, %and3A_401 : i32
      %mul3A_403 = arith.constant 16 : i32
      %mul3A_404 = arith.muli %and3A_402, %mul3A_403 : i32
      %swap3A_405 = arith.index_cast %mul3A_404 : i32 to index
      %swap3A_406 = tpu.vector_load %arg7[%swap3A_405] {strides = array<i32>} : memref<16384xi32, #tpu.memory_space<vmem>>, vector<16xi32>,
      tpu.vector_store %arg7[%swap3A_405], %broadcast_in_dim3A_60 {strides = array<i32>} : memref<16384xi32, #tpu.memory_space<vmem>>, vector<16xi32>,
      %mul3A_407 = arith.constant 8 : i32
      %mul3A_408 = arith.muli %scan3A_292, %mul3A_407 : i32
      %add3A_409 = arith.constant 4 : i32
      %add3A_410 = arith.addi %mul3A_408, %add3A_409 : i32
      %mul3A_411 = arith.constant 16 : i32
      %mul3A_412 = arith.muli %add3A_410, %mul3A_411 : i32
      %get3A_413 = arith.index_cast %mul3A_412 : i32 to index
      %get3A_414 = tpu.vector_load %arg4[%get3A_413] {strides = array<i32>} : memref<32768xf32, #tpu.memory_space<vmem>>, vector<16xf32>,
      %ge3A_415 = arith.cmpf oge, %get3A_414, %bitcast_convert_type3A : vector<16xf32>
      %jit3A_416 = arith.constant 1 : i32
      %jit3A_417 = arith.constant 0 : i32
      %broadcast_in_dim3A_418 = vector.broadcast %jit3A_416 : i32 to vector<16xi32>
      %broadcast_in_dim3A_419 = vector.broadcast %jit3A_417 : i32 to vector<16xi32>
      %select_n3A_420 = arith.select %ge3A_415, %broadcast_in_dim3A_418, %broadcast_in_dim3A_419 : vector<16xi1>, vector<16xi32>
      %broadcast_in_dim3A_421 = arith.constant true
      %broadcast_in_dim3A_422 = vector.broadcast %broadcast_in_dim3A_421 : i1 to vector<16xi1>
      %masked_cumsum3A_423 = tpu.scan <sum>, %select_n3A_420 masked %broadcast_in_dim3A_422 : vector<16xi32>, vector<16xi1> -> vector<16xi32>
      %add3A_424 = arith.addi %add3A_400, %masked_cumsum3A_423 : vector<16xi32>
      %mul3A_425 = arith.constant 16 : i32
      %mul3A_426 = arith.muli %add3A_410, %mul3A_425 : i32
      %add3A_427 = vector.broadcast %mul3A_426 : i32 to vector<16xi32>
      %add3A_428 = arith.addi %add3A_427, %iota3A_58 : vector<16xi32>
      tpu.vector_store_idx %arg6[%add3A_424], %add3A_428 masked %ge3A_415 : memref<32768xi32, #tpu.memory_space<vmem>>[vector<16xi32>], vector<16xi32>, vector<16xi1>
      %all_reduce_population_count3A_429 = tpu.all_reduce %ge3A_415 {dim = 0 : i64, kind = #tpu.reduction_kind<sum>} : vector<16xi1> -> vector<16xi32>
      %add3A_430 = arith.addi %add3A_400, %all_reduce_population_count3A_429 : vector<16xi32>
      %and3A_431 = arith.constant 1023 : i32
      %and3A_432 = arith.andi %add3A_410, %and3A_431 : i32
      %mul3A_433 = arith.constant 16 : i32
      %mul3A_434 = arith.muli %and3A_432, %mul3A_433 : i32
      %swap3A_435 = arith.index_cast %mul3A_434 : i32 to index
      %swap3A_436 = tpu.vector_load %arg7[%swap3A_435] {strides = array<i32>} : memref<16384xi32, #tpu.memory_space<vmem>>, vector<16xi32>,
      tpu.vector_store %arg7[%swap3A_435], %broadcast_in_dim3A_60 {strides = array<i32>} : memref<16384xi32, #tpu.memory_space<vmem>>, vector<16xi32>,
      %mul3A_437 = arith.constant 8 : i32
      %mul3A_438 = arith.muli %scan3A_292, %mul3A_437 : i32
      %add3A_439 = arith.constant 5 : i32
      %add3A_440 = arith.addi %mul3A_438, %add3A_439 : i32
      %mul3A_441 = arith.constant 16 : i32
      %mul3A_442 = arith.muli %add3A_440, %mul3A_441 : i32
      %get3A_443 = arith.index_cast %mul3A_442 : i32 to index
      %get3A_444 = tpu.vector_load %arg4[%get3A_443] {strides = array<i32>} : memref<32768xf32, #tpu.memory_space<vmem>>, vector<16xf32>,
      %ge3A_445 = arith.cmpf oge, %get3A_444, %bitcast_convert_type3A : vector<16xf32>
      %jit3A_446 = arith.constant 1 : i32
      %jit3A_447 = arith.constant 0 : i32
      %broadcast_in_dim3A_448 = vector.broadcast %jit3A_446 : i32 to vector<16xi32>
      %broadcast_in_dim3A_449 = vector.broadcast %jit3A_447 : i32 to vector<16xi32>
      %select_n3A_450 = arith.select %ge3A_445, %broadcast_in_dim3A_448, %broadcast_in_dim3A_449 : vector<16xi1>, vector<16xi32>
      %broadcast_in_dim3A_451 = arith.constant true
      %broadcast_in_dim3A_452 = vector.broadcast %broadcast_in_dim3A_451 : i1 to vector<16xi1>
      %masked_cumsum3A_453 = tpu.scan <sum>, %select_n3A_450 masked %broadcast_in_dim3A_452 : vector<16xi32>, vector<16xi1> -> vector<16xi32>
      %add3A_454 = arith.addi %add3A_430, %masked_cumsum3A_453 : vector<16xi32>
      %mul3A_455 = arith.constant 16 : i32
      %mul3A_456 = arith.muli %add3A_440, %mul3A_455 : i32
      %add3A_457 = vector.broadcast %mul3A_456 : i32 to vector<16xi32>
      %add3A_458 = arith.addi %add3A_457, %iota3A_58 : vector<16xi32>
      tpu.vector_store_idx %arg6[%add3A_454], %add3A_458 masked %ge3A_445 : memref<32768xi32, #tpu.memory_space<vmem>>[vector<16xi32>], vector<16xi32>, vector<16xi1>
      %all_reduce_population_count3A_459 = tpu.all_reduce %ge3A_445 {dim = 0 : i64, kind = #tpu.reduction_kind<sum>} : vector<16xi1> -> vector<16xi32>
      %add3A_460 = arith.addi %add3A_430, %all_reduce_population_count3A_459 : vector<16xi32>
      %and3A_461 = arith.constant 1023 : i32
      %and3A_462 = arith.andi %add3A_440, %and3A_461 : i32
      %mul3A_463 = arith.constant 16 : i32
      %mul3A_464 = arith.muli %and3A_462, %mul3A_463 : i32
      %swap3A_465 = arith.index_cast %mul3A_464 : i32 to index
      %swap3A_466 = tpu.vector_load %arg7[%swap3A_465] {strides = array<i32>} : memref<16384xi32, #tpu.memory_space<vmem>>, vector<16xi32>,
      tpu.vector_store %arg7[%swap3A_465], %broadcast_in_dim3A_60 {strides = array<i32>} : memref<16384xi32, #tpu.memory_space<vmem>>, vector<16xi32>,
      %mul3A_467 = arith.constant 8 : i32
      %mul3A_468 = arith.muli %scan3A_292, %mul3A_467 : i32
      %add3A_469 = arith.constant 6 : i32
      %add3A_470 = arith.addi %mul3A_468, %add3A_469 : i32
      %mul3A_471 = arith.constant 16 : i32
      %mul3A_472 = arith.muli %add3A_470, %mul3A_471 : i32
      %get3A_473 = arith.index_cast %mul3A_472 : i32 to index
      %get3A_474 = tpu.vector_load %arg4[%get3A_473] {strides = array<i32>} : memref<32768xf32, #tpu.memory_space<vmem>>, vector<16xf32>,
      %ge3A_475 = arith.cmpf oge, %get3A_474, %bitcast_convert_type3A : vector<16xf32>
      %jit3A_476 = arith.constant 1 : i32
      %jit3A_477 = arith.constant 0 : i32
      %broadcast_in_dim3A_478 = vector.broadcast %jit3A_476 : i32 to vector<16xi32>
      %broadcast_in_dim3A_479 = vector.broadcast %jit3A_477 : i32 to vector<16xi32>
      %select_n3A_480 = arith.select %ge3A_475, %broadcast_in_dim3A_478, %broadcast_in_dim3A_479 : vector<16xi1>, vector<16xi32>
      %broadcast_in_dim3A_481 = arith.constant true
      %broadcast_in_dim3A_482 = vector.broadcast %broadcast_in_dim3A_481 : i1 to vector<16xi1>
      %masked_cumsum3A_483 = tpu.scan <sum>, %select_n3A_480 masked %broadcast_in_dim3A_482 : vector<16xi32>, vector<16xi1> -> vector<16xi32>
      %add3A_484 = arith.addi %add3A_460, %masked_cumsum3A_483 : vector<16xi32>
      %mul3A_485 = arith.constant 16 : i32
      %mul3A_486 = arith.muli %add3A_470, %mul3A_485 : i32
      %add3A_487 = vector.broadcast %mul3A_486 : i32 to vector<16xi32>
      %add3A_488 = arith.addi %add3A_487, %iota3A_58 : vector<16xi32>
      tpu.vector_store_idx %arg6[%add3A_484], %add3A_488 masked %ge3A_475 : memref<32768xi32, #tpu.memory_space<vmem>>[vector<16xi32>], vector<16xi32>, vector<16xi1>
      %all_reduce_population_count3A_489 = tpu.all_reduce %ge3A_475 {dim = 0 : i64, kind = #tpu.reduction_kind<sum>} : vector<16xi1> -> vector<16xi32>
      %add3A_490 = arith.addi %add3A_460, %all_reduce_population_count3A_489 : vector<16xi32>
      %and3A_491 = arith.constant 1023 : i32
      %and3A_492 = arith.andi %add3A_470, %and3A_491 : i32
      %mul3A_493 = arith.constant 16 : i32
      %mul3A_494 = arith.muli %and3A_492, %mul3A_493 : i32
      %swap3A_495 = arith.index_cast %mul3A_494 : i32 to index
      %swap3A_496 = tpu.vector_load %arg7[%swap3A_495] {strides = array<i32>} : memref<16384xi32, #tpu.memory_space<vmem>>, vector<16xi32>,
      tpu.vector_store %arg7[%swap3A_495], %broadcast_in_dim3A_60 {strides = array<i32>} : memref<16384xi32, #tpu.memory_space<vmem>>, vector<16xi32>,
      %mul3A_497 = arith.constant 8 : i32
      %mul3A_498 = arith.muli %scan3A_292, %mul3A_497 : i32
      %add3A_499 = arith.constant 7 : i32
      %add3A_500 = arith.addi %mul3A_498, %add3A_499 : i32
      %mul3A_501 = arith.constant 16 : i32
      %mul3A_502 = arith.muli %add3A_500, %mul3A_501 : i32
      %get3A_503 = arith.index_cast %mul3A_502 : i32 to index
      %get3A_504 = tpu.vector_load %arg4[%get3A_503] {strides = array<i32>} : memref<32768xf32, #tpu.memory_space<vmem>>, vector<16xf32>,
      %ge3A_505 = arith.cmpf oge, %get3A_504, %bitcast_convert_type3A : vector<16xf32>
      %jit3A_506 = arith.constant 1 : i32
      %jit3A_507 = arith.constant 0 : i32
      %broadcast_in_dim3A_508 = vector.broadcast %jit3A_506 : i32 to vector<16xi32>
      %broadcast_in_dim3A_509 = vector.broadcast %jit3A_507 : i32 to vector<16xi32>
      %select_n3A_510 = arith.select %ge3A_505, %broadcast_in_dim3A_508, %broadcast_in_dim3A_509 : vector<16xi1>, vector<16xi32>
      %broadcast_in_dim3A_511 = arith.constant true
      %broadcast_in_dim3A_512 = vector.broadcast %broadcast_in_dim3A_511 : i1 to vector<16xi1>
      %masked_cumsum3A_513 = tpu.scan <sum>, %select_n3A_510 masked %broadcast_in_dim3A_512 : vector<16xi32>, vector<16xi1> -> vector<16xi32>
      %add3A_514 = arith.addi %add3A_490, %masked_cumsum3A_513 : vector<16xi32>
      %mul3A_515 = arith.constant 16 : i32
      %mul3A_516 = arith.muli %add3A_500, %mul3A_515 : i32
      %add3A_517 = vector.broadcast %mul3A_516 : i32 to vector<16xi32>
      %add3A_518 = arith.addi %add3A_517, %iota3A_58 : vector<16xi32>
      tpu.vector_store_idx %arg6[%add3A_514], %add3A_518 masked %ge3A_505 : memref<32768xi32, #tpu.memory_space<vmem>>[vector<16xi32>], vector<16xi32>, vector<16xi1>
      %all_reduce_population_count3A_519 = tpu.all_reduce %ge3A_505 {dim = 0 : i64, kind = #tpu.reduction_kind<sum>} : vector<16xi1> -> vector<16xi32>
      %add3A_520 = arith.addi %add3A_490, %all_reduce_population_count3A_519 : vector<16xi32>
      %and3A_521 = arith.constant 1023 : i32
      %and3A_522 = arith.andi %add3A_500, %and3A_521 : i32
      %mul3A_523 = arith.constant 16 : i32
      %mul3A_524 = arith.muli %and3A_522, %mul3A_523 : i32
      %swap3A_525 = arith.index_cast %mul3A_524 : i32 to index
      %swap3A_526 = tpu.vector_load %arg7[%swap3A_525] {strides = array<i32>} : memref<16384xi32, #tpu.memory_space<vmem>>, vector<16xi32>,
      tpu.vector_store %arg7[%swap3A_525], %broadcast_in_dim3A_60 {strides = array<i32>} : memref<16384xi32, #tpu.memory_space<vmem>>, vector<16xi32>,
      scf.yield %add3A_520 : vector<16xi32>
    }
    %scan3A_68 = arith.constant 256 : i32
    %add3A_69 = arith.constant 1 : i32
    %add3A_70 = vector.broadcast %add3A_69 : i32 to vector<16xi32>
    %add3A_71 = arith.addi %scan3A_67, %add3A_70 : vector<16xi32>
    %reduce_max3A = arith.constant true
    %reduce_max3A_72 = vector.broadcast %reduce_max3A : i1 to vector<16xi1>
    %reduce_max3A_73 = arith.constant -2147483648 : i32
    %reduce_max3A_74 = vector.broadcast %reduce_max3A_73 : i32 to vector<16xi32>
    %reduce_max3A_75 = arith.xori %add3A_71, %reduce_max3A_74 : vector<16xi32>
    %reduce_max3A_76 = tpu.scan <max>, %reduce_max3A_75 masked %reduce_max3A_72 : vector<16xi32>, vector<16xi1> -> vector<16xi32>
    %reduce_max3A_77 = arith.xori %reduce_max3A_76, %reduce_max3A_74 : vector<16xi32>
    %reduce_max3A_78 = vector.extract %reduce_max3A_77[15] : i32 from vector<16xi32>
    %add3A_79 = arith.constant 15 : i32
    %add3A_80 = arith.addi %reduce_max3A_78, %add3A_79 : i32
    %shift_right_arithmetic3A_81 = arith.constant 4 : i32
    %shift_right_arithmetic3A_82 = arith.shrsi %add3A_80, %shift_right_arithmetic3A_81 : i32
    %shift_left3A_83 = arith.constant 21 : i32
    %shift_left3A_84 = arith.shli %scan3A_40#1, %shift_left3A_83 : i32
    %xor3A_85 = arith.constant -2147483648 : i32
    %xor3A_86 = arith.xori %shift_left3A_84, %xor3A_85 : i32
    %broadcast_in_dim3A_87 = arith.constant 0 : i32
    %broadcast_in_dim3A_88 = vector.broadcast %broadcast_in_dim3A_87 : i32 to vector<16xi32>
    %add3A_89 = vector.broadcast %xor3A_86 : i32 to vector<16xi32>
    %add3A_90 = arith.addi %broadcast_in_dim3A_88, %add3A_89 : vector<16xi32>
    %broadcast_in_dim3A_91 = arith.constant 2097151 : i32
    %broadcast_in_dim3A_92 = vector.broadcast %broadcast_in_dim3A_91 : i32 to vector<16xi32>
    %add3A_93 = arith.addi %add3A_90, %broadcast_in_dim3A_92 : vector<16xi32>
    %broadcast_in_dim3A_94 = arith.constant 128 : i32
    %broadcast_in_dim3A_95 = vector.broadcast %broadcast_in_dim3A_94 : i32 to vector<16xi32>
    %scan3A_96 = arith.constant 0 : i32
    %scan3A_97 = arith.constant 21 : i32
    %scan3A_98 = arith.addi %scan3A_96, %scan3A_97 : i32
    %scan3A_99 = arith.constant 1 : i32
    %scan3A_100:2 = scf.for %scan3A_292 = %scan3A_96 to %scan3A_98 step %scan3A_99 iter_args(%scan3A_293 = %add3A_90, %scan3A_294 = %add3A_93) -> (vector<16xi32>, vector<16xi32>)  : i32 {
      %sub3A_295 = arith.subi %scan3A_294, %scan3A_293 : vector<16xi32>
      %add3A_296 = arith.constant 1 : i32
      %add3A_297 = vector.broadcast %add3A_296 : i32 to vector<16xi32>
      %add3A_298 = arith.addi %sub3A_295, %add3A_297 : vector<16xi32>
      %shift_right_arithmetic3A_299 = arith.constant 1 : i32
      %shift_right_arithmetic3A_300 = vector.broadcast %shift_right_arithmetic3A_299 : i32 to vector<16xi32>
      %shift_right_arithmetic3A_301 = arith.shrsi %add3A_298, %shift_right_arithmetic3A_300 : vector<16xi32>
      %add3A_302 = arith.addi %scan3A_293, %shift_right_arithmetic3A_301 : vector<16xi32>
      %xor3A_303 = arith.constant -2147483648 : i32
      %xor3A_304 = vector.broadcast %xor3A_303 : i32 to vector<16xi32>
      %xor3A_305 = arith.xori %add3A_302, %xor3A_304 : vector<16xi32>
      %shift_right_arithmetic3A_306 = arith.constant 31 : i32
      %shift_right_arithmetic3A_307 = vector.broadcast %shift_right_arithmetic3A_306 : i32 to vector<16xi32>
      %shift_right_arithmetic3A_308 = arith.shrsi %xor3A_305, %shift_right_arithmetic3A_307 : vector<16xi32>
      %not3A_309 = arith.constant dense<-1> : vector<16xi32>
      %not3A_310 = arith.xori %shift_right_arithmetic3A_308, %not3A_309 : vector<16xi32>
      %or3A_311 = arith.constant -2147483648 : i32
      %or3A_312 = vector.broadcast %or3A_311 : i32 to vector<16xi32>
      %or3A_313 = arith.ori %not3A_310, %or3A_312 : vector<16xi32>
      %xor3A_314 = arith.xori %xor3A_305, %or3A_313 : vector<16xi32>
      %bitcast_convert_type3A_315 = tpu.bitcast %xor3A_314 : vector<16xi32> -> vector<16xf32>
      %iota3A_316 = tpu.iota {dimensions = array<i32: 0>} : vector<16xi32>
      %broadcast_in_dim3A_317 = arith.constant 0 : i32
      %broadcast_in_dim3A_318 = vector.broadcast %broadcast_in_dim3A_317 : i32 to vector<16xi32>
      %while3A_319 = arith.constant 0 : i32
      %while3A_320 = arith.subi %shift_right_arithmetic3A_82, %while3A_319 : i32
      %while3A_321 = arith.addi %while3A_319, %while3A_320 : i32
      %while3A_322 = arith.constant 1 : i32
      %while3A_323 = arith.divsi %while3A_320, %while3A_322 : i32
      %while3A_324 = arith.muli %while3A_323, %while3A_322 : i32
      %while3A_325 = arith.addi %while3A_319, %while3A_324 : i32
      %while3A_326 = arith.constant 1 : i32
      %while3A_327 = scf.for %while3A_334 = %while3A_319 to %while3A_325 step %while3A_326 iter_args(%while3A_335 = %broadcast_in_dim3A_318) -> (vector<16xi32>)  : i32 {
        %mul3A_336 = arith.constant 16 : i32
        %mul3A_337 = arith.muli %while3A_334, %mul3A_336 : i32
        %add3A_338 = vector.broadcast %mul3A_337 : i32 to vector<16xi32>
        %add3A_339 = arith.addi %add3A_338, %iota3A_316 : vector<16xi32>
        %lt3A = arith.cmpi slt, %add3A_339, %add3A_71 : vector<16xi32>
        %mul3A_340 = arith.constant 16 : i32
        %mul3A_341 = arith.muli %while3A_334, %mul3A_340 : i32
        %get3A = arith.index_cast %mul3A_341 : i32 to index
        %get3A_342 = tpu.vector_load %arg6[%get3A] {strides = array<i32>} : memref<32768xi32, #tpu.memory_space<vmem>>, vector<16xi32>,
        %jit3A = arith.constant 0 : i32
        %broadcast_in_dim3A_343 = vector.broadcast %jit3A : i32 to vector<16xi32>
        %select_n3A_344 = arith.select %lt3A, %get3A_342, %broadcast_in_dim3A_343 : vector<16xi1>, vector<16xi32>
        %gather3A = tpu.vector_load_idx %arg4[%select_n3A_344] : memref<32768xf32, #tpu.memory_space<vmem>>[vector<16xi32>], vector<16xf32>,
        %ge3A_345 = arith.cmpf oge, %gather3A, %bitcast_convert_type3A_315 : vector<16xf32>
        %and3A_346 = arith.andi %lt3A, %ge3A_345 : vector<16xi1>
        %all_reduce_population_count3A = tpu.all_reduce %and3A_346 {dim = 0 : i64, kind = #tpu.reduction_kind<sum>} : vector<16xi1> -> vector<16xi32>
        %add3A_347 = arith.addi %while3A_335, %all_reduce_population_count3A : vector<16xi32>
        scf.yield %add3A_347 : vector<16xi32>
      }
      %while3A_328 = arith.constant 1 : i32
      %while3A_329 = scf.for %while3A_334 = %while3A_325 to %while3A_321 step %while3A_328 iter_args(%while3A_335 = %while3A_327) -> (vector<16xi32>)  : i32 {
        %mul3A_336 = arith.constant 16 : i32
        %mul3A_337 = arith.muli %while3A_334, %mul3A_336 : i32
        %add3A_338 = vector.broadcast %mul3A_337 : i32 to vector<16xi32>
        %add3A_339 = arith.addi %add3A_338, %iota3A_316 : vector<16xi32>
        %lt3A = arith.cmpi slt, %add3A_339, %add3A_71 : vector<16xi32>
        %mul3A_340 = arith.constant 16 : i32
        %mul3A_341 = arith.muli %while3A_334, %mul3A_340 : i32
        %get3A = arith.index_cast %mul3A_341 : i32 to index
        %get3A_342 = tpu.vector_load %arg6[%get3A] {strides = array<i32>} : memref<32768xi32, #tpu.memory_space<vmem>>, vector<16xi32>,
        %jit3A = arith.constant 0 : i32
        %broadcast_in_dim3A_343 = vector.broadcast %jit3A : i32 to vector<16xi32>
        %select_n3A_344 = arith.select %lt3A, %get3A_342, %broadcast_in_dim3A_343 : vector<16xi1>, vector<16xi32>
        %gather3A = tpu.vector_load_idx %arg4[%select_n3A_344] : memref<32768xf32, #tpu.memory_space<vmem>>[vector<16xi32>], vector<16xf32>,
        %ge3A_345 = arith.cmpf oge, %gather3A, %bitcast_convert_type3A_315 : vector<16xf32>
        %and3A_346 = arith.andi %lt3A, %ge3A_345 : vector<16xi1>
        %all_reduce_population_count3A = tpu.all_reduce %and3A_346 {dim = 0 : i64, kind = #tpu.reduction_kind<sum>} : vector<16xi1> -> vector<16xi32>
        %add3A_347 = arith.addi %while3A_335, %all_reduce_population_count3A : vector<16xi32>
        scf.yield %add3A_347 : vector<16xi32>
      }
      %ge3A = arith.cmpi sge, %while3A_329, %broadcast_in_dim3A_95 : vector<16xi32>
      %select_n3A = arith.select %ge3A, %add3A_302, %scan3A_293 : vector<16xi1>, vector<16xi32>
      %sub3A_330 = arith.constant 1 : i32
      %sub3A_331 = vector.broadcast %sub3A_330 : i32 to vector<16xi32>
      %sub3A_332 = arith.subi %add3A_302, %sub3A_331 : vector<16xi32>
      %select_n3A_333 = arith.select %ge3A, %scan3A_294, %sub3A_332 : vector<16xi1>, vector<16xi32>
      scf.yield %select_n3A, %select_n3A_333 : vector<16xi32>, vector<16xi32>
    }
    %scan3A_101 = arith.constant 21 : i32
    %xor3A_102 = arith.constant -2147483648 : i32
    %xor3A_103 = vector.broadcast %xor3A_102 : i32 to vector<16xi32>
    %xor3A_104 = arith.xori %scan3A_100#0, %xor3A_103 : vector<16xi32>
    %shift_right_arithmetic3A_105 = arith.constant 31 : i32
    %shift_right_arithmetic3A_106 = vector.broadcast %shift_right_arithmetic3A_105 : i32 to vector<16xi32>
    %shift_right_arithmetic3A_107 = arith.shrsi %xor3A_104, %shift_right_arithmetic3A_106 : vector<16xi32>
    %not3A_108 = arith.constant dense<-1> : vector<16xi32>
    %not3A_109 = arith.xori %shift_right_arithmetic3A_107, %not3A_108 : vector<16xi32>
    %or3A_110 = arith.constant -2147483648 : i32
    %or3A_111 = vector.broadcast %or3A_110 : i32 to vector<16xi32>
    %or3A_112 = arith.ori %not3A_109, %or3A_111 : vector<16xi32>
    %xor3A_113 = arith.xori %xor3A_104, %or3A_112 : vector<16xi32>
    %bitcast_convert_type3A_114 = tpu.bitcast %xor3A_113 : vector<16xi32> -> vector<16xf32>
    %iota3A_115 = tpu.iota {dimensions = array<i32: 0>} : vector<16xi32>
    %broadcast_in_dim3A_116 = arith.constant 0 : i32
    %broadcast_in_dim3A_117 = vector.broadcast %broadcast_in_dim3A_116 : i32 to vector<16xi32>
    %while3A = arith.constant 0 : i32
    %while3A_118 = arith.subi %shift_right_arithmetic3A_82, %while3A : i32
    %while3A_119 = arith.addi %while3A, %while3A_118 : i32
    %while3A_120 = arith.constant 1 : i32
    %while3A_121 = arith.divsi %while3A_118, %while3A_120 : i32
    %while3A_122 = arith.muli %while3A_121, %while3A_120 : i32
    %while3A_123 = arith.addi %while3A, %while3A_122 : i32
    %while3A_124 = arith.constant 1 : i32
    %while3A_125 = scf.for %while3A_292 = %while3A to %while3A_123 step %while3A_124 iter_args(%while3A_293 = %broadcast_in_dim3A_117) -> (vector<16xi32>)  : i32 {
      %mul3A_294 = arith.constant 16 : i32
      %mul3A_295 = arith.muli %while3A_292, %mul3A_294 : i32
      %add3A_296 = vector.broadcast %mul3A_295 : i32 to vector<16xi32>
      %add3A_297 = arith.addi %add3A_296, %iota3A_115 : vector<16xi32>
      %lt3A = arith.cmpi slt, %add3A_297, %add3A_71 : vector<16xi32>
      %mul3A_298 = arith.constant 16 : i32
      %mul3A_299 = arith.muli %while3A_292, %mul3A_298 : i32
      %get3A = arith.index_cast %mul3A_299 : i32 to index
      %get3A_300 = tpu.vector_load %arg6[%get3A] {strides = array<i32>} : memref<32768xi32, #tpu.memory_space<vmem>>, vector<16xi32>,
      %jit3A = arith.constant 0 : i32
      %broadcast_in_dim3A_301 = vector.broadcast %jit3A : i32 to vector<16xi32>
      %select_n3A = arith.select %lt3A, %get3A_300, %broadcast_in_dim3A_301 : vector<16xi1>, vector<16xi32>
      %gather3A = tpu.vector_load_idx %arg4[%select_n3A] : memref<32768xf32, #tpu.memory_space<vmem>>[vector<16xi32>], vector<16xf32>,
      %gt3A = arith.cmpf ogt, %gather3A, %bitcast_convert_type3A_114 : vector<16xf32>
      %and3A_302 = arith.andi %lt3A, %gt3A : vector<16xi1>
      %all_reduce_population_count3A = tpu.all_reduce %and3A_302 {dim = 0 : i64, kind = #tpu.reduction_kind<sum>} : vector<16xi1> -> vector<16xi32>
      %add3A_303 = arith.addi %while3A_293, %all_reduce_population_count3A : vector<16xi32>
      scf.yield %add3A_303 : vector<16xi32>
    }
    %while3A_126 = arith.constant 1 : i32
    %while3A_127 = scf.for %while3A_292 = %while3A_123 to %while3A_119 step %while3A_126 iter_args(%while3A_293 = %while3A_125) -> (vector<16xi32>)  : i32 {
      %mul3A_294 = arith.constant 16 : i32
      %mul3A_295 = arith.muli %while3A_292, %mul3A_294 : i32
      %add3A_296 = vector.broadcast %mul3A_295 : i32 to vector<16xi32>
      %add3A_297 = arith.addi %add3A_296, %iota3A_115 : vector<16xi32>
      %lt3A = arith.cmpi slt, %add3A_297, %add3A_71 : vector<16xi32>
      %mul3A_298 = arith.constant 16 : i32
      %mul3A_299 = arith.muli %while3A_292, %mul3A_298 : i32
      %get3A = arith.index_cast %mul3A_299 : i32 to index
      %get3A_300 = tpu.vector_load %arg6[%get3A] {strides = array<i32>} : memref<32768xi32, #tpu.memory_space<vmem>>, vector<16xi32>,
      %jit3A = arith.constant 0 : i32
      %broadcast_in_dim3A_301 = vector.broadcast %jit3A : i32 to vector<16xi32>
      %select_n3A = arith.select %lt3A, %get3A_300, %broadcast_in_dim3A_301 : vector<16xi1>, vector<16xi32>
      %gather3A = tpu.vector_load_idx %arg4[%select_n3A] : memref<32768xf32, #tpu.memory_space<vmem>>[vector<16xi32>], vector<16xf32>,
      %gt3A = arith.cmpf ogt, %gather3A, %bitcast_convert_type3A_114 : vector<16xf32>
      %and3A_302 = arith.andi %lt3A, %gt3A : vector<16xi1>
      %all_reduce_population_count3A = tpu.all_reduce %and3A_302 {dim = 0 : i64, kind = #tpu.reduction_kind<sum>} : vector<16xi1> -> vector<16xi32>
      %add3A_303 = arith.addi %while3A_293, %all_reduce_population_count3A : vector<16xi32>
      scf.yield %add3A_303 : vector<16xi32>
    }
    %broadcast_in_dim3A_128 = arith.constant 128 : i32
    %broadcast_in_dim3A_129 = vector.broadcast %broadcast_in_dim3A_128 : i32 to vector<16xi32>
    %sub3A = arith.subi %broadcast_in_dim3A_129, %while3A_127 : vector<16xi32>
    %iota3A_130 = tpu.iota {dimensions = array<i32: 0>} : vector<16xi32>
    %broadcast_in_dim3A_131 = arith.constant 0 : i32
    %broadcast_in_dim3A_132 = vector.broadcast %broadcast_in_dim3A_131 : i32 to vector<16xi32>
    %while3A_133 = arith.constant 0 : i32
    %while3A_134 = arith.subi %shift_right_arithmetic3A_82, %while3A_133 : i32
    %while3A_135 = arith.addi %while3A_133, %while3A_134 : i32
    %while3A_136 = arith.constant 1 : i32
    %while3A_137 = arith.divsi %while3A_134, %while3A_136 : i32
    %while3A_138 = arith.muli %while3A_137, %while3A_136 : i32
    %while3A_139 = arith.addi %while3A_133, %while3A_138 : i32
    %while3A_140 = arith.constant 1 : i32
    %while3A_141 = scf.for %while3A_292 = %while3A_133 to %while3A_139 step %while3A_140 iter_args(%while3A_293 = %broadcast_in_dim3A_132) -> (vector<16xi32>)  : i32 {
      %mul3A_294 = arith.constant 16 : i32
      %mul3A_295 = arith.muli %while3A_292, %mul3A_294 : i32
      %add3A_296 = vector.broadcast %mul3A_295 : i32 to vector<16xi32>
      %add3A_297 = arith.addi %add3A_296, %iota3A_130 : vector<16xi32>
      %lt3A = arith.cmpi slt, %add3A_297, %add3A_71 : vector<16xi32>
      %mul3A_298 = arith.constant 16 : i32
      %mul3A_299 = arith.muli %while3A_292, %mul3A_298 : i32
      %get3A = arith.index_cast %mul3A_299 : i32 to index
      %get3A_300 = tpu.vector_load %arg6[%get3A] {strides = array<i32>} : memref<32768xi32, #tpu.memory_space<vmem>>, vector<16xi32>,
      %jit3A = arith.constant 0 : i32
      %broadcast_in_dim3A_301 = vector.broadcast %jit3A : i32 to vector<16xi32>
      %select_n3A = arith.select %lt3A, %get3A_300, %broadcast_in_dim3A_301 : vector<16xi1>, vector<16xi32>
      %gather3A = tpu.vector_load_idx %arg4[%select_n3A] : memref<32768xf32, #tpu.memory_space<vmem>>[vector<16xi32>], vector<16xf32>,
      %gt3A = arith.cmpf ogt, %gather3A, %bitcast_convert_type3A_114 : vector<16xf32>
      %and3A_302 = arith.andi %lt3A, %gt3A : vector<16xi1>
      %eq3A = arith.cmpf oeq, %gather3A, %bitcast_convert_type3A_114 : vector<16xf32>
      %and3A_303 = arith.andi %lt3A, %eq3A : vector<16xi1>
      %jit3A_304 = arith.constant 1 : i32
      %jit3A_305 = arith.constant 0 : i32
      %broadcast_in_dim3A_306 = vector.broadcast %jit3A_304 : i32 to vector<16xi32>
      %broadcast_in_dim3A_307 = vector.broadcast %jit3A_305 : i32 to vector<16xi32>
      %select_n3A_308 = arith.select %and3A_303, %broadcast_in_dim3A_306, %broadcast_in_dim3A_307 : vector<16xi1>, vector<16xi32>
      %broadcast_in_dim3A_309 = arith.constant true
      %broadcast_in_dim3A_310 = vector.broadcast %broadcast_in_dim3A_309 : i1 to vector<16xi1>
      %masked_cumsum3A = tpu.scan <sum>, %select_n3A_308 masked %broadcast_in_dim3A_310 : vector<16xi32>, vector<16xi1> -> vector<16xi32>
      %add3A_311 = arith.addi %while3A_293, %masked_cumsum3A : vector<16xi32>
      %le3A = arith.cmpi sle, %add3A_311, %sub3A : vector<16xi32>
      %and3A_312 = arith.andi %and3A_303, %le3A : vector<16xi1>
      %or3A_313 = arith.ori %and3A_302, %and3A_312 : vector<16xi1>
      %max3A = arith.constant 0.000000e+00 : f32
      %max3A_314 = vector.broadcast %max3A : f32 to vector<16xf32>
      %max3A_315 = arith.maximumf %gather3A, %max3A_314 : vector<16xf32>
      tpu.vector_store_idx %arg5[%get3A_300], %max3A_315 masked %or3A_313 : memref<32768xf32, #tpu.memory_space<vmem>>[vector<16xi32>], vector<16xf32>, vector<16xi1>
      %all_reduce_population_count3A = tpu.all_reduce %and3A_303 {dim = 0 : i64, kind = #tpu.reduction_kind<sum>} : vector<16xi1> -> vector<16xi32>
      %add3A_316 = arith.addi %while3A_293, %all_reduce_population_count3A : vector<16xi32>
      scf.yield %add3A_316 : vector<16xi32>
    }
    %while3A_142 = arith.constant 1 : i32
    %while3A_143 = scf.for %while3A_292 = %while3A_139 to %while3A_135 step %while3A_142 iter_args(%while3A_293 = %while3A_141) -> (vector<16xi32>)  : i32 {
      %mul3A_294 = arith.constant 16 : i32
      %mul3A_295 = arith.muli %while3A_292, %mul3A_294 : i32
      %add3A_296 = vector.broadcast %mul3A_295 : i32 to vector<16xi32>
      %add3A_297 = arith.addi %add3A_296, %iota3A_130 : vector<16xi32>
      %lt3A = arith.cmpi slt, %add3A_297, %add3A_71 : vector<16xi32>
      %mul3A_298 = arith.constant 16 : i32
      %mul3A_299 = arith.muli %while3A_292, %mul3A_298 : i32
      %get3A = arith.index_cast %mul3A_299 : i32 to index
      %get3A_300 = tpu.vector_load %arg6[%get3A] {strides = array<i32>} : memref<32768xi32, #tpu.memory_space<vmem>>, vector<16xi32>,
      %jit3A = arith.constant 0 : i32
      %broadcast_in_dim3A_301 = vector.broadcast %jit3A : i32 to vector<16xi32>
      %select_n3A = arith.select %lt3A, %get3A_300, %broadcast_in_dim3A_301 : vector<16xi1>, vector<16xi32>
      %gather3A = tpu.vector_load_idx %arg4[%select_n3A] : memref<32768xf32, #tpu.memory_space<vmem>>[vector<16xi32>], vector<16xf32>,
      %gt3A = arith.cmpf ogt, %gather3A, %bitcast_convert_type3A_114 : vector<16xf32>
      %and3A_302 = arith.andi %lt3A, %gt3A : vector<16xi1>
      %eq3A = arith.cmpf oeq, %gather3A, %bitcast_convert_type3A_114 : vector<16xf32>
      %and3A_303 = arith.andi %lt3A, %eq3A : vector<16xi1>
      %jit3A_304 = arith.constant 1 : i32
      %jit3A_305 = arith.constant 0 : i32
      %broadcast_in_dim3A_306 = vector.broadcast %jit3A_304 : i32 to vector<16xi32>
      %broadcast_in_dim3A_307 = vector.broadcast %jit3A_305 : i32 to vector<16xi32>
      %select_n3A_308 = arith.select %and3A_303, %broadcast_in_dim3A_306, %broadcast_in_dim3A_307 : vector<16xi1>, vector<16xi32>
      %broadcast_in_dim3A_309 = arith.constant true
      %broadcast_in_dim3A_310 = vector.broadcast %broadcast_in_dim3A_309 : i1 to vector<16xi1>
      %masked_cumsum3A = tpu.scan <sum>, %select_n3A_308 masked %broadcast_in_dim3A_310 : vector<16xi32>, vector<16xi1> -> vector<16xi32>
      %add3A_311 = arith.addi %while3A_293, %masked_cumsum3A : vector<16xi32>
      %le3A = arith.cmpi sle, %add3A_311, %sub3A : vector<16xi32>
      %and3A_312 = arith.andi %and3A_303, %le3A : vector<16xi1>
      %or3A_313 = arith.ori %and3A_302, %and3A_312 : vector<16xi1>
      %max3A = arith.constant 0.000000e+00 : f32
      %max3A_314 = vector.broadcast %max3A : f32 to vector<16xf32>
      %max3A_315 = arith.maximumf %gather3A, %max3A_314 : vector<16xf32>
      tpu.vector_store_idx %arg5[%get3A_300], %max3A_315 masked %or3A_313 : memref<32768xf32, #tpu.memory_space<vmem>>[vector<16xi32>], vector<16xf32>, vector<16xi1>
      %all_reduce_population_count3A = tpu.all_reduce %and3A_303 {dim = 0 : i64, kind = #tpu.reduction_kind<sum>} : vector<16xi1> -> vector<16xi32>
      %add3A_316 = arith.addi %while3A_293, %all_reduce_population_count3A : vector<16xi32>
      scf.yield %add3A_316 : vector<16xi32>
    }
    "tpu.region"() ({
      %run_scoped3A = tpu.sem_alloc : memref<!tpu.dma_semaphore, #tpu.memory_space<semaphore_mem>>
      %dma_start3A = arith.constant 0 : i32
      %dma_start3A_292 = tpu.memref_slice %arg3[%add3A_10, %dma_start3A] : memref<64x32768xf32, #tpu.memory_space<hbm>> -> memref<1x32768xf32, #tpu.memory_space<hbm>>
      %dma_start3A_293 = tpu.memref_squeeze %dma_start3A_292 : memref<1x32768xf32, #tpu.memory_space<hbm>> -> memref<32768xf32, #tpu.memory_space<hbm>>
      %dma_start3A_294 = arith.constant 0 : i32
      %dma_start3A_295 = tpu.memref_slice %arg3[%add3A_10, %dma_start3A_294] : memref<64x32768xf32, #tpu.memory_space<hbm>> -> memref<1x32768xf32, #tpu.memory_space<hbm>>
      %dma_start3A_296 = tpu.memref_squeeze %dma_start3A_295 : memref<1x32768xf32, #tpu.memory_space<hbm>> -> memref<32768xf32, #tpu.memory_space<hbm>>
      tpu.enqueue_dma source(%arg5 : memref<32768xf32, #tpu.memory_space<vmem>>) target(%dma_start3A_296 : memref<32768xf32, #tpu.memory_space<hbm>>) target_semaphore(%run_scoped3A : memref<!tpu.dma_semaphore, #tpu.memory_space<semaphore_mem>>)
      %dma_wait3A = arith.constant 0 : i32
      %dma_wait3A_297 = tpu.memref_slice %arg3[%add3A_10, %dma_wait3A] : memref<64x32768xf32, #tpu.memory_space<hbm>> -> memref<1x32768xf32, #tpu.memory_space<hbm>>
      %dma_wait3A_298 = tpu.memref_squeeze %dma_wait3A_297 : memref<1x32768xf32, #tpu.memory_space<hbm>> -> memref<32768xf32, #tpu.memory_space<hbm>>
      %dma_wait3A_299 = arith.constant 0 : i32
      %dma_wait3A_300 = tpu.memref_slice %arg3[%add3A_10, %dma_wait3A_299] : memref<64x32768xf32, #tpu.memory_space<hbm>> -> memref<1x32768xf32, #tpu.memory_space<hbm>>
      %dma_wait3A_301 = tpu.memref_squeeze %dma_wait3A_300 : memref<1x32768xf32, #tpu.memory_space<hbm>> -> memref<32768xf32, #tpu.memory_space<hbm>>
      tpu.wait_dma2 semaphore(%run_scoped3A : memref<!tpu.dma_semaphore, #tpu.memory_space<semaphore_mem>>) src(%arg5 : memref<32768xf32, #tpu.memory_space<vmem>>) dst(%dma_wait3A_301 : memref<32768xf32, #tpu.memory_space<hbm>>)
      tpu.yield
    }) : () -> ()
    %mul3A_144 = arith.constant 2 : i32
    %mul3A_145 = arith.muli %add3A, %mul3A_144 : i32
    %add3A_146 = arith.constant 1 : i32
    %add3A_147 = arith.addi %mul3A_145, %add3A_146 : i32
    "tpu.region"() ({
      %run_scoped3A = tpu.sem_alloc : memref<!tpu.dma_semaphore, #tpu.memory_space<semaphore_mem>>
      %dma_start3A = arith.constant 0 : i32
      %dma_start3A_292 = tpu.memref_slice %arg2[%add3A_147, %dma_start3A] : memref<64x32768xf32, #tpu.memory_space<hbm>> -> memref<1x32768xf32, #tpu.memory_space<hbm>>
      %dma_start3A_293 = tpu.memref_squeeze %dma_start3A_292 : memref<1x32768xf32, #tpu.memory_space<hbm>> -> memref<32768xf32, #tpu.memory_space<hbm>>
      %dma_start3A_294 = arith.constant 0 : i32
      %dma_start3A_295 = tpu.memref_slice %arg2[%add3A_147, %dma_start3A_294] : memref<64x32768xf32, #tpu.memory_space<hbm>> -> memref<1x32768xf32, #tpu.memory_space<hbm>>
      %dma_start3A_296 = tpu.memref_squeeze %dma_start3A_295 : memref<1x32768xf32, #tpu.memory_space<hbm>> -> memref<32768xf32, #tpu.memory_space<hbm>>
      tpu.enqueue_dma source(%dma_start3A_296 : memref<32768xf32, #tpu.memory_space<hbm>>) target(%arg4 : memref<32768xf32, #tpu.memory_space<vmem>>) target_semaphore(%run_scoped3A : memref<!tpu.dma_semaphore, #tpu.memory_space<semaphore_mem>>)
      %dma_wait3A = arith.constant 0 : i32
      %dma_wait3A_297 = tpu.memref_slice %arg2[%add3A_147, %dma_wait3A] : memref<64x32768xf32, #tpu.memory_space<hbm>> -> memref<1x32768xf32, #tpu.memory_space<hbm>>
      %dma_wait3A_298 = tpu.memref_squeeze %dma_wait3A_297 : memref<1x32768xf32, #tpu.memory_space<hbm>> -> memref<32768xf32, #tpu.memory_space<hbm>>
      %dma_wait3A_299 = arith.constant 0 : i32
      %dma_wait3A_300 = tpu.memref_slice %arg2[%add3A_147, %dma_wait3A_299] : memref<64x32768xf32, #tpu.memory_space<hbm>> -> memref<1x32768xf32, #tpu.memory_space<hbm>>
      %dma_wait3A_301 = tpu.memref_squeeze %dma_wait3A_300 : memref<1x32768xf32, #tpu.memory_space<hbm>> -> memref<32768xf32, #tpu.memory_space<hbm>>
      tpu.wait_dma2 semaphore(%run_scoped3A : memref<!tpu.dma_semaphore, #tpu.memory_space<semaphore_mem>>) src(%dma_wait3A_301 : memref<32768xf32, #tpu.memory_space<hbm>>) dst(%arg4 : memref<32768xf32, #tpu.memory_space<vmem>>)
      tpu.yield
    }) : () -> ()
    %broadcast_in_dim3A_148 = arith.constant 1 : i32
    %broadcast_in_dim3A_149 = vector.broadcast %broadcast_in_dim3A_148 : i32 to vector<16xi32>
    %broadcast_in_dim3A_150 = arith.constant 0.000000e+00 : f32
    %broadcast_in_dim3A_151 = vector.broadcast %broadcast_in_dim3A_150 : f32 to vector<16xf32>
    %iota3A_152 = tpu.iota {dimensions = array<i32: 0>} : vector<16xi32>
    %and3A_153 = arith.constant 7 : i32
    %and3A_154 = vector.broadcast %and3A_153 : i32 to vector<16xi32>
    %and3A_155 = arith.andi %iota3A_152, %and3A_154 : vector<16xi32>
    %shift_left3A_156 = arith.constant 11 : i32
    %shift_left3A_157 = vector.broadcast %shift_left3A_156 : i32 to vector<16xi32>
    %shift_left3A_158 = arith.shli %and3A_155, %shift_left3A_157 : vector<16xi32>
    %scan3A_159 = arith.constant 0 : i32
    %scan3A_160 = arith.constant 0 : i32
    %scan3A_161 = arith.constant 256 : i32
    %scan3A_162 = arith.addi %scan3A_160, %scan3A_161 : i32
    %scan3A_163 = arith.constant 1 : i32
    scf.for %scan3A_292 = %scan3A_160 to %scan3A_162 step %scan3A_163  : i32 {
      %mul3A_293 = arith.constant 8 : i32
      %mul3A_294 = arith.muli %scan3A_292, %mul3A_293 : i32
      %add3A_295 = arith.constant 0 : i32
      %add3A_296 = arith.addi %mul3A_294, %add3A_295 : i32
      %mul3A_297 = arith.constant 16 : i32
      %mul3A_298 = arith.muli %add3A_296, %mul3A_297 : i32
      %get3A = arith.index_cast %mul3A_298 : i32 to index
      %get3A_299 = tpu.vector_load %arg4[%get3A] {strides = array<i32>} : memref<32768xf32, #tpu.memory_space<vmem>>, vector<16xf32>,
      %bitcast_convert_type3A_300 = tpu.bitcast %get3A_299 : vector<16xf32> -> vector<16xi32>
      %shift_right_arithmetic3A_301 = arith.constant 31 : i32
      %shift_right_arithmetic3A_302 = vector.broadcast %shift_right_arithmetic3A_301 : i32 to vector<16xi32>
      %shift_right_arithmetic3A_303 = arith.shrsi %bitcast_convert_type3A_300, %shift_right_arithmetic3A_302 : vector<16xi32>
      %or3A_304 = arith.constant -2147483648 : i32
      %or3A_305 = vector.broadcast %or3A_304 : i32 to vector<16xi32>
      %or3A_306 = arith.ori %shift_right_arithmetic3A_303, %or3A_305 : vector<16xi32>
      %xor3A_307 = arith.xori %bitcast_convert_type3A_300, %or3A_306 : vector<16xi32>
      %xor3A_308 = arith.constant -2147483648 : i32
      %xor3A_309 = vector.broadcast %xor3A_308 : i32 to vector<16xi32>
      %xor3A_310 = arith.xori %xor3A_307, %xor3A_309 : vector<16xi32>
      %shift_right_logical3A = arith.constant 21 : i32
      %shift_right_logical3A_311 = vector.broadcast %shift_right_logical3A : i32 to vector<16xi32>
      %shift_right_logical3A_312 = arith.shrui %xor3A_307, %shift_right_logical3A_311 : vector<16xi32>
      %add3A_313 = arith.addi %shift_right_logical3A_312, %shift_left3A_158 : vector<16xi32>
      tpu.vector_store_idx %arg7[%add3A_313], %broadcast_in_dim3A_149 {add = true} : memref<16384xi32, #tpu.memory_space<vmem>>[vector<16xi32>], vector<16xi32>,
      %mul3A_314 = arith.constant 16 : i32
      %mul3A_315 = arith.muli %add3A_296, %mul3A_314 : i32
      %swap3A = arith.index_cast %mul3A_315 : i32 to index
      %swap3A_316 = tpu.vector_load %arg5[%swap3A] {strides = array<i32>} : memref<32768xf32, #tpu.memory_space<vmem>>, vector<16xf32>,
      tpu.vector_store %arg5[%swap3A], %broadcast_in_dim3A_151 {strides = array<i32>} : memref<32768xf32, #tpu.memory_space<vmem>>, vector<16xf32>,
      %mul3A_317 = arith.constant 8 : i32
      %mul3A_318 = arith.muli %scan3A_292, %mul3A_317 : i32
      %add3A_319 = arith.constant 1 : i32
      %add3A_320 = arith.addi %mul3A_318, %add3A_319 : i32
      %mul3A_321 = arith.constant 16 : i32
      %mul3A_322 = arith.muli %add3A_320, %mul3A_321 : i32
      %get3A_323 = arith.index_cast %mul3A_322 : i32 to index
      %get3A_324 = tpu.vector_load %arg4[%get3A_323] {strides = array<i32>} : memref<32768xf32, #tpu.memory_space<vmem>>, vector<16xf32>,
      %bitcast_convert_type3A_325 = tpu.bitcast %get3A_324 : vector<16xf32> -> vector<16xi32>
      %shift_right_arithmetic3A_326 = arith.constant 31 : i32
      %shift_right_arithmetic3A_327 = vector.broadcast %shift_right_arithmetic3A_326 : i32 to vector<16xi32>
      %shift_right_arithmetic3A_328 = arith.shrsi %bitcast_convert_type3A_325, %shift_right_arithmetic3A_327 : vector<16xi32>
      %or3A_329 = arith.constant -2147483648 : i32
      %or3A_330 = vector.broadcast %or3A_329 : i32 to vector<16xi32>
      %or3A_331 = arith.ori %shift_right_arithmetic3A_328, %or3A_330 : vector<16xi32>
      %xor3A_332 = arith.xori %bitcast_convert_type3A_325, %or3A_331 : vector<16xi32>
      %xor3A_333 = arith.constant -2147483648 : i32
      %xor3A_334 = vector.broadcast %xor3A_333 : i32 to vector<16xi32>
      %xor3A_335 = arith.xori %xor3A_332, %xor3A_334 : vector<16xi32>
      %shift_right_logical3A_336 = arith.constant 21 : i32
      %shift_right_logical3A_337 = vector.broadcast %shift_right_logical3A_336 : i32 to vector<16xi32>
      %shift_right_logical3A_338 = arith.shrui %xor3A_332, %shift_right_logical3A_337 : vector<16xi32>
      %add3A_339 = arith.addi %shift_right_logical3A_338, %shift_left3A_158 : vector<16xi32>
      tpu.vector_store_idx %arg7[%add3A_339], %broadcast_in_dim3A_149 {add = true} : memref<16384xi32, #tpu.memory_space<vmem>>[vector<16xi32>], vector<16xi32>,
      %mul3A_340 = arith.constant 16 : i32
      %mul3A_341 = arith.muli %add3A_320, %mul3A_340 : i32
      %swap3A_342 = arith.index_cast %mul3A_341 : i32 to index
      %swap3A_343 = tpu.vector_load %arg5[%swap3A_342] {strides = array<i32>} : memref<32768xf32, #tpu.memory_space<vmem>>, vector<16xf32>,
      tpu.vector_store %arg5[%swap3A_342], %broadcast_in_dim3A_151 {strides = array<i32>} : memref<32768xf32, #tpu.memory_space<vmem>>, vector<16xf32>,
      %mul3A_344 = arith.constant 8 : i32
      %mul3A_345 = arith.muli %scan3A_292, %mul3A_344 : i32
      %add3A_346 = arith.constant 2 : i32
      %add3A_347 = arith.addi %mul3A_345, %add3A_346 : i32
      %mul3A_348 = arith.constant 16 : i32
      %mul3A_349 = arith.muli %add3A_347, %mul3A_348 : i32
      %get3A_350 = arith.index_cast %mul3A_349 : i32 to index
      %get3A_351 = tpu.vector_load %arg4[%get3A_350] {strides = array<i32>} : memref<32768xf32, #tpu.memory_space<vmem>>, vector<16xf32>,
      %bitcast_convert_type3A_352 = tpu.bitcast %get3A_351 : vector<16xf32> -> vector<16xi32>
      %shift_right_arithmetic3A_353 = arith.constant 31 : i32
      %shift_right_arithmetic3A_354 = vector.broadcast %shift_right_arithmetic3A_353 : i32 to vector<16xi32>
      %shift_right_arithmetic3A_355 = arith.shrsi %bitcast_convert_type3A_352, %shift_right_arithmetic3A_354 : vector<16xi32>
      %or3A_356 = arith.constant -2147483648 : i32
      %or3A_357 = vector.broadcast %or3A_356 : i32 to vector<16xi32>
      %or3A_358 = arith.ori %shift_right_arithmetic3A_355, %or3A_357 : vector<16xi32>
      %xor3A_359 = arith.xori %bitcast_convert_type3A_352, %or3A_358 : vector<16xi32>
      %xor3A_360 = arith.constant -2147483648 : i32
      %xor3A_361 = vector.broadcast %xor3A_360 : i32 to vector<16xi32>
      %xor3A_362 = arith.xori %xor3A_359, %xor3A_361 : vector<16xi32>
      %shift_right_logical3A_363 = arith.constant 21 : i32
      %shift_right_logical3A_364 = vector.broadcast %shift_right_logical3A_363 : i32 to vector<16xi32>
      %shift_right_logical3A_365 = arith.shrui %xor3A_359, %shift_right_logical3A_364 : vector<16xi32>
      %add3A_366 = arith.addi %shift_right_logical3A_365, %shift_left3A_158 : vector<16xi32>
      tpu.vector_store_idx %arg7[%add3A_366], %broadcast_in_dim3A_149 {add = true} : memref<16384xi32, #tpu.memory_space<vmem>>[vector<16xi32>], vector<16xi32>,
      %mul3A_367 = arith.constant 16 : i32
      %mul3A_368 = arith.muli %add3A_347, %mul3A_367 : i32
      %swap3A_369 = arith.index_cast %mul3A_368 : i32 to index
      %swap3A_370 = tpu.vector_load %arg5[%swap3A_369] {strides = array<i32>} : memref<32768xf32, #tpu.memory_space<vmem>>, vector<16xf32>,
      tpu.vector_store %arg5[%swap3A_369], %broadcast_in_dim3A_151 {strides = array<i32>} : memref<32768xf32, #tpu.memory_space<vmem>>, vector<16xf32>,
      %mul3A_371 = arith.constant 8 : i32
      %mul3A_372 = arith.muli %scan3A_292, %mul3A_371 : i32
      %add3A_373 = arith.constant 3 : i32
      %add3A_374 = arith.addi %mul3A_372, %add3A_373 : i32
      %mul3A_375 = arith.constant 16 : i32
      %mul3A_376 = arith.muli %add3A_374, %mul3A_375 : i32
      %get3A_377 = arith.index_cast %mul3A_376 : i32 to index
      %get3A_378 = tpu.vector_load %arg4[%get3A_377] {strides = array<i32>} : memref<32768xf32, #tpu.memory_space<vmem>>, vector<16xf32>,
      %bitcast_convert_type3A_379 = tpu.bitcast %get3A_378 : vector<16xf32> -> vector<16xi32>
      %shift_right_arithmetic3A_380 = arith.constant 31 : i32
      %shift_right_arithmetic3A_381 = vector.broadcast %shift_right_arithmetic3A_380 : i32 to vector<16xi32>
      %shift_right_arithmetic3A_382 = arith.shrsi %bitcast_convert_type3A_379, %shift_right_arithmetic3A_381 : vector<16xi32>
      %or3A_383 = arith.constant -2147483648 : i32
      %or3A_384 = vector.broadcast %or3A_383 : i32 to vector<16xi32>
      %or3A_385 = arith.ori %shift_right_arithmetic3A_382, %or3A_384 : vector<16xi32>
      %xor3A_386 = arith.xori %bitcast_convert_type3A_379, %or3A_385 : vector<16xi32>
      %xor3A_387 = arith.constant -2147483648 : i32
      %xor3A_388 = vector.broadcast %xor3A_387 : i32 to vector<16xi32>
      %xor3A_389 = arith.xori %xor3A_386, %xor3A_388 : vector<16xi32>
      %shift_right_logical3A_390 = arith.constant 21 : i32
      %shift_right_logical3A_391 = vector.broadcast %shift_right_logical3A_390 : i32 to vector<16xi32>
      %shift_right_logical3A_392 = arith.shrui %xor3A_386, %shift_right_logical3A_391 : vector<16xi32>
      %add3A_393 = arith.addi %shift_right_logical3A_392, %shift_left3A_158 : vector<16xi32>
      tpu.vector_store_idx %arg7[%add3A_393], %broadcast_in_dim3A_149 {add = true} : memref<16384xi32, #tpu.memory_space<vmem>>[vector<16xi32>], vector<16xi32>,
      %mul3A_394 = arith.constant 16 : i32
      %mul3A_395 = arith.muli %add3A_374, %mul3A_394 : i32
      %swap3A_396 = arith.index_cast %mul3A_395 : i32 to index
      %swap3A_397 = tpu.vector_load %arg5[%swap3A_396] {strides = array<i32>} : memref<32768xf32, #tpu.memory_space<vmem>>, vector<16xf32>,
      tpu.vector_store %arg5[%swap3A_396], %broadcast_in_dim3A_151 {strides = array<i32>} : memref<32768xf32, #tpu.memory_space<vmem>>, vector<16xf32>,
      %mul3A_398 = arith.constant 8 : i32
      %mul3A_399 = arith.muli %scan3A_292, %mul3A_398 : i32
      %add3A_400 = arith.constant 4 : i32
      %add3A_401 = arith.addi %mul3A_399, %add3A_400 : i32
      %mul3A_402 = arith.constant 16 : i32
      %mul3A_403 = arith.muli %add3A_401, %mul3A_402 : i32
      %get3A_404 = arith.index_cast %mul3A_403 : i32 to index
      %get3A_405 = tpu.vector_load %arg4[%get3A_404] {strides = array<i32>} : memref<32768xf32, #tpu.memory_space<vmem>>, vector<16xf32>,
      %bitcast_convert_type3A_406 = tpu.bitcast %get3A_405 : vector<16xf32> -> vector<16xi32>
      %shift_right_arithmetic3A_407 = arith.constant 31 : i32
      %shift_right_arithmetic3A_408 = vector.broadcast %shift_right_arithmetic3A_407 : i32 to vector<16xi32>
      %shift_right_arithmetic3A_409 = arith.shrsi %bitcast_convert_type3A_406, %shift_right_arithmetic3A_408 : vector<16xi32>
      %or3A_410 = arith.constant -2147483648 : i32
      %or3A_411 = vector.broadcast %or3A_410 : i32 to vector<16xi32>
      %or3A_412 = arith.ori %shift_right_arithmetic3A_409, %or3A_411 : vector<16xi32>
      %xor3A_413 = arith.xori %bitcast_convert_type3A_406, %or3A_412 : vector<16xi32>
      %xor3A_414 = arith.constant -2147483648 : i32
      %xor3A_415 = vector.broadcast %xor3A_414 : i32 to vector<16xi32>
      %xor3A_416 = arith.xori %xor3A_413, %xor3A_415 : vector<16xi32>
      %shift_right_logical3A_417 = arith.constant 21 : i32
      %shift_right_logical3A_418 = vector.broadcast %shift_right_logical3A_417 : i32 to vector<16xi32>
      %shift_right_logical3A_419 = arith.shrui %xor3A_413, %shift_right_logical3A_418 : vector<16xi32>
      %add3A_420 = arith.addi %shift_right_logical3A_419, %shift_left3A_158 : vector<16xi32>
      tpu.vector_store_idx %arg7[%add3A_420], %broadcast_in_dim3A_149 {add = true} : memref<16384xi32, #tpu.memory_space<vmem>>[vector<16xi32>], vector<16xi32>,
      %mul3A_421 = arith.constant 16 : i32
      %mul3A_422 = arith.muli %add3A_401, %mul3A_421 : i32
      %swap3A_423 = arith.index_cast %mul3A_422 : i32 to index
      %swap3A_424 = tpu.vector_load %arg5[%swap3A_423] {strides = array<i32>} : memref<32768xf32, #tpu.memory_space<vmem>>, vector<16xf32>,
      tpu.vector_store %arg5[%swap3A_423], %broadcast_in_dim3A_151 {strides = array<i32>} : memref<32768xf32, #tpu.memory_space<vmem>>, vector<16xf32>,
      %mul3A_425 = arith.constant 8 : i32
      %mul3A_426 = arith.muli %scan3A_292, %mul3A_425 : i32
      %add3A_427 = arith.constant 5 : i32
      %add3A_428 = arith.addi %mul3A_426, %add3A_427 : i32
      %mul3A_429 = arith.constant 16 : i32
      %mul3A_430 = arith.muli %add3A_428, %mul3A_429 : i32
      %get3A_431 = arith.index_cast %mul3A_430 : i32 to index
      %get3A_432 = tpu.vector_load %arg4[%get3A_431] {strides = array<i32>} : memref<32768xf32, #tpu.memory_space<vmem>>, vector<16xf32>,
      %bitcast_convert_type3A_433 = tpu.bitcast %get3A_432 : vector<16xf32> -> vector<16xi32>
      %shift_right_arithmetic3A_434 = arith.constant 31 : i32
      %shift_right_arithmetic3A_435 = vector.broadcast %shift_right_arithmetic3A_434 : i32 to vector<16xi32>
      %shift_right_arithmetic3A_436 = arith.shrsi %bitcast_convert_type3A_433, %shift_right_arithmetic3A_435 : vector<16xi32>
      %or3A_437 = arith.constant -2147483648 : i32
      %or3A_438 = vector.broadcast %or3A_437 : i32 to vector<16xi32>
      %or3A_439 = arith.ori %shift_right_arithmetic3A_436, %or3A_438 : vector<16xi32>
      %xor3A_440 = arith.xori %bitcast_convert_type3A_433, %or3A_439 : vector<16xi32>
      %xor3A_441 = arith.constant -2147483648 : i32
      %xor3A_442 = vector.broadcast %xor3A_441 : i32 to vector<16xi32>
      %xor3A_443 = arith.xori %xor3A_440, %xor3A_442 : vector<16xi32>
      %shift_right_logical3A_444 = arith.constant 21 : i32
      %shift_right_logical3A_445 = vector.broadcast %shift_right_logical3A_444 : i32 to vector<16xi32>
      %shift_right_logical3A_446 = arith.shrui %xor3A_440, %shift_right_logical3A_445 : vector<16xi32>
      %add3A_447 = arith.addi %shift_right_logical3A_446, %shift_left3A_158 : vector<16xi32>
      tpu.vector_store_idx %arg7[%add3A_447], %broadcast_in_dim3A_149 {add = true} : memref<16384xi32, #tpu.memory_space<vmem>>[vector<16xi32>], vector<16xi32>,
      %mul3A_448 = arith.constant 16 : i32
      %mul3A_449 = arith.muli %add3A_428, %mul3A_448 : i32
      %swap3A_450 = arith.index_cast %mul3A_449 : i32 to index
      %swap3A_451 = tpu.vector_load %arg5[%swap3A_450] {strides = array<i32>} : memref<32768xf32, #tpu.memory_space<vmem>>, vector<16xf32>,
      tpu.vector_store %arg5[%swap3A_450], %broadcast_in_dim3A_151 {strides = array<i32>} : memref<32768xf32, #tpu.memory_space<vmem>>, vector<16xf32>,
      %mul3A_452 = arith.constant 8 : i32
      %mul3A_453 = arith.muli %scan3A_292, %mul3A_452 : i32
      %add3A_454 = arith.constant 6 : i32
      %add3A_455 = arith.addi %mul3A_453, %add3A_454 : i32
      %mul3A_456 = arith.constant 16 : i32
      %mul3A_457 = arith.muli %add3A_455, %mul3A_456 : i32
      %get3A_458 = arith.index_cast %mul3A_457 : i32 to index
      %get3A_459 = tpu.vector_load %arg4[%get3A_458] {strides = array<i32>} : memref<32768xf32, #tpu.memory_space<vmem>>, vector<16xf32>,
      %bitcast_convert_type3A_460 = tpu.bitcast %get3A_459 : vector<16xf32> -> vector<16xi32>
      %shift_right_arithmetic3A_461 = arith.constant 31 : i32
      %shift_right_arithmetic3A_462 = vector.broadcast %shift_right_arithmetic3A_461 : i32 to vector<16xi32>
      %shift_right_arithmetic3A_463 = arith.shrsi %bitcast_convert_type3A_460, %shift_right_arithmetic3A_462 : vector<16xi32>
      %or3A_464 = arith.constant -2147483648 : i32
      %or3A_465 = vector.broadcast %or3A_464 : i32 to vector<16xi32>
      %or3A_466 = arith.ori %shift_right_arithmetic3A_463, %or3A_465 : vector<16xi32>
      %xor3A_467 = arith.xori %bitcast_convert_type3A_460, %or3A_466 : vector<16xi32>
      %xor3A_468 = arith.constant -2147483648 : i32
      %xor3A_469 = vector.broadcast %xor3A_468 : i32 to vector<16xi32>
      %xor3A_470 = arith.xori %xor3A_467, %xor3A_469 : vector<16xi32>
      %shift_right_logical3A_471 = arith.constant 21 : i32
      %shift_right_logical3A_472 = vector.broadcast %shift_right_logical3A_471 : i32 to vector<16xi32>
      %shift_right_logical3A_473 = arith.shrui %xor3A_467, %shift_right_logical3A_472 : vector<16xi32>
      %add3A_474 = arith.addi %shift_right_logical3A_473, %shift_left3A_158 : vector<16xi32>
      tpu.vector_store_idx %arg7[%add3A_474], %broadcast_in_dim3A_149 {add = true} : memref<16384xi32, #tpu.memory_space<vmem>>[vector<16xi32>], vector<16xi32>,
      %mul3A_475 = arith.constant 16 : i32
      %mul3A_476 = arith.muli %add3A_455, %mul3A_475 : i32
      %swap3A_477 = arith.index_cast %mul3A_476 : i32 to index
      %swap3A_478 = tpu.vector_load %arg5[%swap3A_477] {strides = array<i32>} : memref<32768xf32, #tpu.memory_space<vmem>>, vector<16xf32>,
      tpu.vector_store %arg5[%swap3A_477], %broadcast_in_dim3A_151 {strides = array<i32>} : memref<32768xf32, #tpu.memory_space<vmem>>, vector<16xf32>,
      %mul3A_479 = arith.constant 8 : i32
      %mul3A_480 = arith.muli %scan3A_292, %mul3A_479 : i32
      %add3A_481 = arith.constant 7 : i32
      %add3A_482 = arith.addi %mul3A_480, %add3A_481 : i32
      %mul3A_483 = arith.constant 16 : i32
      %mul3A_484 = arith.muli %add3A_482, %mul3A_483 : i32
      %get3A_485 = arith.index_cast %mul3A_484 : i32 to index
      %get3A_486 = tpu.vector_load %arg4[%get3A_485] {strides = array<i32>} : memref<32768xf32, #tpu.memory_space<vmem>>, vector<16xf32>,
      %bitcast_convert_type3A_487 = tpu.bitcast %get3A_486 : vector<16xf32> -> vector<16xi32>
      %shift_right_arithmetic3A_488 = arith.constant 31 : i32
      %shift_right_arithmetic3A_489 = vector.broadcast %shift_right_arithmetic3A_488 : i32 to vector<16xi32>
      %shift_right_arithmetic3A_490 = arith.shrsi %bitcast_convert_type3A_487, %shift_right_arithmetic3A_489 : vector<16xi32>
      %or3A_491 = arith.constant -2147483648 : i32
      %or3A_492 = vector.broadcast %or3A_491 : i32 to vector<16xi32>
      %or3A_493 = arith.ori %shift_right_arithmetic3A_490, %or3A_492 : vector<16xi32>
      %xor3A_494 = arith.xori %bitcast_convert_type3A_487, %or3A_493 : vector<16xi32>
      %xor3A_495 = arith.constant -2147483648 : i32
      %xor3A_496 = vector.broadcast %xor3A_495 : i32 to vector<16xi32>
      %xor3A_497 = arith.xori %xor3A_494, %xor3A_496 : vector<16xi32>
      %shift_right_logical3A_498 = arith.constant 21 : i32
      %shift_right_logical3A_499 = vector.broadcast %shift_right_logical3A_498 : i32 to vector<16xi32>
      %shift_right_logical3A_500 = arith.shrui %xor3A_494, %shift_right_logical3A_499 : vector<16xi32>
      %add3A_501 = arith.addi %shift_right_logical3A_500, %shift_left3A_158 : vector<16xi32>
      tpu.vector_store_idx %arg7[%add3A_501], %broadcast_in_dim3A_149 {add = true} : memref<16384xi32, #tpu.memory_space<vmem>>[vector<16xi32>], vector<16xi32>,
      %mul3A_502 = arith.constant 16 : i32
      %mul3A_503 = arith.muli %add3A_482, %mul3A_502 : i32
      %swap3A_504 = arith.index_cast %mul3A_503 : i32 to index
      %swap3A_505 = tpu.vector_load %arg5[%swap3A_504] {strides = array<i32>} : memref<32768xf32, #tpu.memory_space<vmem>>, vector<16xf32>,
      tpu.vector_store %arg5[%swap3A_504], %broadcast_in_dim3A_151 {strides = array<i32>} : memref<32768xf32, #tpu.memory_space<vmem>>, vector<16xf32>,
    }
    %scan3A_164 = arith.constant 256 : i32
    %scan3A_165 = arith.constant 0 : i32
    %scan3A_166 = arith.constant 0 : i32
    %scan3A_167 = arith.constant 128 : i32
    %scan3A_168 = arith.addi %scan3A_166, %scan3A_167 : i32
    %scan3A_169 = arith.constant 1 : i32
    scf.for %scan3A_292 = %scan3A_166 to %scan3A_168 step %scan3A_169  : i32 {
      %mul3A_293 = arith.constant 16 : i32
      %mul3A_294 = arith.muli %scan3A_292, %mul3A_293 : i32
      %get3A = arith.index_cast %mul3A_294 : i32 to index
      %get3A_295 = tpu.vector_load %arg7[%get3A] {strides = array<i32>} : memref<16384xi32, #tpu.memory_space<vmem>>, vector<16xi32>,
      %mul3A_296 = arith.constant 16 : i32
      %mul3A_297 = arith.muli %scan3A_292, %mul3A_296 : i32
      %add3A_298 = arith.constant 2048 : i32
      %add3A_299 = arith.addi %add3A_298, %mul3A_297 : i32
      %get3A_300 = arith.index_cast %add3A_299 : i32 to index
      %get3A_301 = tpu.vector_load %arg7[%get3A_300] {strides = array<i32>} : memref<16384xi32, #tpu.memory_space<vmem>>, vector<16xi32>,
      %add3A_302 = arith.addi %get3A_295, %get3A_301 : vector<16xi32>
      %mul3A_303 = arith.constant 16 : i32
      %mul3A_304 = arith.muli %scan3A_292, %mul3A_303 : i32
      %add3A_305 = arith.constant 4096 : i32
      %add3A_306 = arith.addi %add3A_305, %mul3A_304 : i32
      %get3A_307 = arith.index_cast %add3A_306 : i32 to index
      %get3A_308 = tpu.vector_load %arg7[%get3A_307] {strides = array<i32>} : memref<16384xi32, #tpu.memory_space<vmem>>, vector<16xi32>,
      %add3A_309 = arith.addi %add3A_302, %get3A_308 : vector<16xi32>
      %mul3A_310 = arith.constant 16 : i32
      %mul3A_311 = arith.muli %scan3A_292, %mul3A_310 : i32
      %add3A_312 = arith.constant 6144 : i32
      %add3A_313 = arith.addi %add3A_312, %mul3A_311 : i32
      %get3A_314 = arith.index_cast %add3A_313 : i32 to index
      %get3A_315 = tpu.vector_load %arg7[%get3A_314] {strides = array<i32>} : memref<16384xi32, #tpu.memory_space<vmem>>, vector<16xi32>,
      %add3A_316 = arith.addi %add3A_309, %get3A_315 : vector<16xi32>
      %mul3A_317 = arith.constant 16 : i32
      %mul3A_318 = arith.muli %scan3A_292, %mul3A_317 : i32
      %add3A_319 = arith.constant 8192 : i32
      %add3A_320 = arith.addi %add3A_319, %mul3A_318 : i32
      %get3A_321 = arith.index_cast %add3A_320 : i32 to index
      %get3A_322 = tpu.vector_load %arg7[%get3A_321] {strides = array<i32>} : memref<16384xi32, #tpu.memory_space<vmem>>, vector<16xi32>,
      %add3A_323 = arith.addi %add3A_316, %get3A_322 : vector<16xi32>
      %mul3A_324 = arith.constant 16 : i32
      %mul3A_325 = arith.muli %scan3A_292, %mul3A_324 : i32
      %add3A_326 = arith.constant 10240 : i32
      %add3A_327 = arith.addi %add3A_326, %mul3A_325 : i32
      %get3A_328 = arith.index_cast %add3A_327 : i32 to index
      %get3A_329 = tpu.vector_load %arg7[%get3A_328] {strides = array<i32>} : memref<16384xi32, #tpu.memory_space<vmem>>, vector<16xi32>,
      %add3A_330 = arith.addi %add3A_323, %get3A_329 : vector<16xi32>
      %mul3A_331 = arith.constant 16 : i32
      %mul3A_332 = arith.muli %scan3A_292, %mul3A_331 : i32
      %add3A_333 = arith.constant 12288 : i32
      %add3A_334 = arith.addi %add3A_333, %mul3A_332 : i32
      %get3A_335 = arith.index_cast %add3A_334 : i32 to index
      %get3A_336 = tpu.vector_load %arg7[%get3A_335] {strides = array<i32>} : memref<16384xi32, #tpu.memory_space<vmem>>, vector<16xi32>,
      %add3A_337 = arith.addi %add3A_330, %get3A_336 : vector<16xi32>
      %mul3A_338 = arith.constant 16 : i32
      %mul3A_339 = arith.muli %scan3A_292, %mul3A_338 : i32
      %add3A_340 = arith.constant 14336 : i32
      %add3A_341 = arith.addi %add3A_340, %mul3A_339 : i32
      %get3A_342 = arith.index_cast %add3A_341 : i32 to index
      %get3A_343 = tpu.vector_load %arg7[%get3A_342] {strides = array<i32>} : memref<16384xi32, #tpu.memory_space<vmem>>, vector<16xi32>,
      %add3A_344 = arith.addi %add3A_337, %get3A_343 : vector<16xi32>
      %mul3A_345 = arith.constant 16 : i32
      %mul3A_346 = arith.muli %scan3A_292, %mul3A_345 : i32
      %swap3A = arith.index_cast %mul3A_346 : i32 to index
      %swap3A_347 = tpu.vector_load %arg7[%swap3A] {strides = array<i32>} : memref<16384xi32, #tpu.memory_space<vmem>>, vector<16xi32>,
      tpu.vector_store %arg7[%swap3A], %add3A_344 {strides = array<i32>} : memref<16384xi32, #tpu.memory_space<vmem>>, vector<16xi32>,
    }
    %scan3A_170 = arith.constant 128 : i32
    %iota3A_171 = tpu.iota {dimensions = array<i32: 0>} : vector<16xi32>
    %scan3A_172 = arith.constant 0 : i32
    %scan3A_173 = arith.constant 0 : i32
    %scan3A_174 = arith.constant 0 : i32
    %scan3A_175 = arith.constant 0 : i32
    %scan3A_176 = arith.constant 0 : i32
    %scan3A_177 = arith.constant 128 : i32
    %scan3A_178 = arith.addi %scan3A_176, %scan3A_177 : i32
    %scan3A_179 = arith.constant 1 : i32
    %scan3A_180:4 = scf.for %scan3A_292 = %scan3A_176 to %scan3A_178 step %scan3A_179 iter_args(%scan3A_293 = %scan3A_172, %scan3A_294 = %scan3A_173, %scan3A_295 = %scan3A_174, %scan3A_296 = %scan3A_175) -> (i32, i32, i32, i32)  : i32 {
      %sub3A_297 = arith.constant 127 : i32
      %sub3A_298 = arith.subi %sub3A_297, %scan3A_292 : i32
      %mul3A_299 = arith.constant 16 : i32
      %mul3A_300 = arith.muli %sub3A_298, %mul3A_299 : i32
      %get3A = arith.index_cast %mul3A_300 : i32 to index
      %get3A_301 = tpu.vector_load %arg7[%get3A] {strides = array<i32>} : memref<16384xi32, #tpu.memory_space<vmem>>, vector<16xi32>,
      %reduce_sum3A = arith.constant true
      %reduce_sum3A_302 = vector.broadcast %reduce_sum3A : i1 to vector<16xi1>
      %reduce_sum3A_303 = tpu.scan <sum>, %get3A_301 masked %reduce_sum3A_302 : vector<16xi32>, vector<16xi1> -> vector<16xi32>
      %reduce_sum3A_304 = vector.extract %reduce_sum3A_303[15] : i32 from vector<16xi32>
      %broadcast_in_dim3A_305 = arith.constant true
      %broadcast_in_dim3A_306 = vector.broadcast %broadcast_in_dim3A_305 : i1 to vector<16xi1>
      %masked_cumsum3A = tpu.scan <sum>, %get3A_301 masked %broadcast_in_dim3A_306 : vector<16xi32>, vector<16xi1> -> vector<16xi32>
      %sub3A_307 = vector.broadcast %reduce_sum3A_304 : i32 to vector<16xi32>
      %sub3A_308 = arith.subi %sub3A_307, %masked_cumsum3A : vector<16xi32>
      %add3A_309 = vector.broadcast %scan3A_296 : i32 to vector<16xi32>
      %add3A_310 = arith.addi %add3A_309, %sub3A_308 : vector<16xi32>
      %add3A_311 = arith.addi %add3A_310, %get3A_301 : vector<16xi32>
      %eq3A = arith.constant 0 : i32
      %eq3A_312 = arith.cmpi eq, %scan3A_293, %eq3A : i32
      %add3A_313 = arith.addi %scan3A_296, %reduce_sum3A_304 : i32
      %ge3A = arith.constant 128 : i32
      %ge3A_314 = arith.cmpi sge, %add3A_313, %ge3A : i32
      %and3A_315 = arith.andi %eq3A_312, %ge3A_314 : i1
      %ge3A_316 = arith.constant 128 : i32
      %ge3A_317 = vector.broadcast %ge3A_316 : i32 to vector<16xi32>
      %ge3A_318 = arith.cmpi sge, %add3A_311, %ge3A_317 : vector<16xi32>
      %jit3A = arith.constant 1 : i32
      %jit3A_319 = arith.constant 0 : i32
      %broadcast_in_dim3A_320 = vector.broadcast %jit3A : i32 to vector<16xi32>
      %broadcast_in_dim3A_321 = vector.broadcast %jit3A_319 : i32 to vector<16xi32>
      %select_n3A = arith.select %ge3A_318, %broadcast_in_dim3A_320, %broadcast_in_dim3A_321 : vector<16xi1>, vector<16xi32>
      %reduce_sum3A_322 = arith.constant true
      %reduce_sum3A_323 = vector.broadcast %reduce_sum3A_322 : i1 to vector<16xi1>
      %reduce_sum3A_324 = tpu.scan <sum>, %select_n3A masked %reduce_sum3A_323 : vector<16xi32>, vector<16xi1> -> vector<16xi32>
      %reduce_sum3A_325 = vector.extract %reduce_sum3A_324[15] : i32 from vector<16xi32>
      %sub3A_326 = arith.constant 1 : i32
      %sub3A_327 = arith.subi %reduce_sum3A_325, %sub3A_326 : i32
      %sub3A_328 = arith.subi %add3A_311, %get3A_301 : vector<16xi32>
      %eq3A_329 = vector.broadcast %sub3A_327 : i32 to vector<16xi32>
      %eq3A_330 = arith.cmpi eq, %iota3A_171, %eq3A_329 : vector<16xi32>
      %jit3A_331 = arith.constant 0 : i32
      %broadcast_in_dim3A_332 = vector.broadcast %jit3A_331 : i32 to vector<16xi32>
      %select_n3A_333 = arith.select %eq3A_330, %sub3A_328, %broadcast_in_dim3A_332 : vector<16xi1>, vector<16xi32>
      %reduce_sum3A_334 = arith.constant true
      %reduce_sum3A_335 = vector.broadcast %reduce_sum3A_334 : i1 to vector<16xi1>
      %reduce_sum3A_336 = tpu.scan <sum>, %select_n3A_333 masked %reduce_sum3A_335 : vector<16xi32>, vector<16xi1> -> vector<16xi32>
      %reduce_sum3A_337 = vector.extract %reduce_sum3A_336[15] : i32 from vector<16xi32>
      %mul3A_338 = arith.constant 16 : i32
      %mul3A_339 = arith.muli %sub3A_298, %mul3A_338 : i32
      %add3A_340 = arith.addi %mul3A_339, %sub3A_327 : i32
      %select_n3A_341 = arith.select %and3A_315, %add3A_340, %scan3A_294 : i32
      %select_n3A_342 = arith.select %and3A_315, %reduce_sum3A_337, %scan3A_295 : i32
      %jit3A_343 = arith.constant 1 : i32
      %select_n3A_344 = arith.select %and3A_315, %jit3A_343, %scan3A_293 : i32
      %add3A_345 = arith.addi %scan3A_296, %reduce_sum3A_304 : i32
      scf.yield %select_n3A_344, %select_n3A_341, %select_n3A_342, %add3A_345 : i32, i32, i32, i32
    }
    %scan3A_181 = arith.constant 128 : i32
    %broadcast_in_dim3A_182 = arith.constant 0 : i32
    %broadcast_in_dim3A_183 = vector.broadcast %broadcast_in_dim3A_182 : i32 to vector<16xi32>
    %shift_left3A_184 = arith.constant 21 : i32
    %shift_left3A_185 = arith.shli %scan3A_180#1, %shift_left3A_184 : i32
    %xor3A_186 = arith.constant -2147483648 : i32
    %xor3A_187 = arith.xori %shift_left3A_185, %xor3A_186 : i32
    %add3A_188 = vector.broadcast %xor3A_187 : i32 to vector<16xi32>
    %add3A_189 = arith.addi %broadcast_in_dim3A_183, %add3A_188 : vector<16xi32>
    %xor3A_190 = arith.constant -2147483648 : i32
    %xor3A_191 = vector.broadcast %xor3A_190 : i32 to vector<16xi32>
    %xor3A_192 = arith.xori %add3A_189, %xor3A_191 : vector<16xi32>
    %shift_right_arithmetic3A_193 = arith.constant 31 : i32
    %shift_right_arithmetic3A_194 = vector.broadcast %shift_right_arithmetic3A_193 : i32 to vector<16xi32>
    %shift_right_arithmetic3A_195 = arith.shrsi %xor3A_192, %shift_right_arithmetic3A_194 : vector<16xi32>
    %not3A_196 = arith.constant dense<-1> : vector<16xi32>
    %not3A_197 = arith.xori %shift_right_arithmetic3A_195, %not3A_196 : vector<16xi32>
    %or3A_198 = arith.constant -2147483648 : i32
    %or3A_199 = vector.broadcast %or3A_198 : i32 to vector<16xi32>
    %or3A_200 = arith.ori %not3A_197, %or3A_199 : vector<16xi32>
    %xor3A_201 = arith.xori %xor3A_192, %or3A_200 : vector<16xi32>
    %bitcast_convert_type3A_202 = tpu.bitcast %xor3A_201 : vector<16xi32> -> vector<16xf32>
    %iota3A_203 = tpu.iota {dimensions = array<i32: 0>} : vector<16xi32>
    %broadcast_in_dim3A_204 = arith.constant 0 : i32
    %broadcast_in_dim3A_205 = vector.broadcast %broadcast_in_dim3A_204 : i32 to vector<16xi32>
    %broadcast_in_dim3A_206 = arith.constant -1 : i32
    %broadcast_in_dim3A_207 = vector.broadcast %broadcast_in_dim3A_206 : i32 to vector<16xi32>
    %scan3A_208 = arith.constant 0 : i32
    %scan3A_209 = arith.constant 256 : i32
    %scan3A_210 = arith.addi %scan3A_208, %scan3A_209 : i32
    %scan3A_211 = arith.constant 1 : i32
    %scan3A_212 = scf.for %scan3A_292 = %scan3A_208 to %scan3A_210 step %scan3A_211 iter_args(%scan3A_293 = %broadcast_in_dim3A_207) -> (vector<16xi32>)  : i32 {
      %mul3A_294 = arith.constant 8 : i32
      %mul3A_295 = arith.muli %scan3A_292, %mul3A_294 : i32
      %add3A_296 = arith.constant 0 : i32
      %add3A_297 = arith.addi %mul3A_295, %add3A_296 : i32
      %mul3A_298 = arith.constant 16 : i32
      %mul3A_299 = arith.muli %add3A_297, %mul3A_298 : i32
      %get3A = arith.index_cast %mul3A_299 : i32 to index
      %get3A_300 = tpu.vector_load %arg4[%get3A] {strides = array<i32>} : memref<32768xf32, #tpu.memory_space<vmem>>, vector<16xf32>,
      %ge3A = arith.cmpf oge, %get3A_300, %bitcast_convert_type3A_202 : vector<16xf32>
      %jit3A = arith.constant 1 : i32
      %jit3A_301 = arith.constant 0 : i32
      %broadcast_in_dim3A_302 = vector.broadcast %jit3A : i32 to vector<16xi32>
      %broadcast_in_dim3A_303 = vector.broadcast %jit3A_301 : i32 to vector<16xi32>
      %select_n3A = arith.select %ge3A, %broadcast_in_dim3A_302, %broadcast_in_dim3A_303 : vector<16xi1>, vector<16xi32>
      %broadcast_in_dim3A_304 = arith.constant true
      %broadcast_in_dim3A_305 = vector.broadcast %broadcast_in_dim3A_304 : i1 to vector<16xi1>
      %masked_cumsum3A = tpu.scan <sum>, %select_n3A masked %broadcast_in_dim3A_305 : vector<16xi32>, vector<16xi1> -> vector<16xi32>
      %add3A_306 = arith.addi %scan3A_293, %masked_cumsum3A : vector<16xi32>
      %mul3A_307 = arith.constant 16 : i32
      %mul3A_308 = arith.muli %add3A_297, %mul3A_307 : i32
      %add3A_309 = vector.broadcast %mul3A_308 : i32 to vector<16xi32>
      %add3A_310 = arith.addi %add3A_309, %iota3A_203 : vector<16xi32>
      tpu.vector_store_idx %arg6[%add3A_306], %add3A_310 masked %ge3A : memref<32768xi32, #tpu.memory_space<vmem>>[vector<16xi32>], vector<16xi32>, vector<16xi1>
      %all_reduce_population_count3A = tpu.all_reduce %ge3A {dim = 0 : i64, kind = #tpu.reduction_kind<sum>} : vector<16xi1> -> vector<16xi32>
      %add3A_311 = arith.addi %scan3A_293, %all_reduce_population_count3A : vector<16xi32>
      %and3A_312 = arith.constant 1023 : i32
      %and3A_313 = arith.andi %add3A_297, %and3A_312 : i32
      %mul3A_314 = arith.constant 16 : i32
      %mul3A_315 = arith.muli %and3A_313, %mul3A_314 : i32
      %swap3A = arith.index_cast %mul3A_315 : i32 to index
      %swap3A_316 = tpu.vector_load %arg7[%swap3A] {strides = array<i32>} : memref<16384xi32, #tpu.memory_space<vmem>>, vector<16xi32>,
      tpu.vector_store %arg7[%swap3A], %broadcast_in_dim3A_205 {strides = array<i32>} : memref<16384xi32, #tpu.memory_space<vmem>>, vector<16xi32>,
      %mul3A_317 = arith.constant 8 : i32
      %mul3A_318 = arith.muli %scan3A_292, %mul3A_317 : i32
      %add3A_319 = arith.constant 1 : i32
      %add3A_320 = arith.addi %mul3A_318, %add3A_319 : i32
      %mul3A_321 = arith.constant 16 : i32
      %mul3A_322 = arith.muli %add3A_320, %mul3A_321 : i32
      %get3A_323 = arith.index_cast %mul3A_322 : i32 to index
      %get3A_324 = tpu.vector_load %arg4[%get3A_323] {strides = array<i32>} : memref<32768xf32, #tpu.memory_space<vmem>>, vector<16xf32>,
      %ge3A_325 = arith.cmpf oge, %get3A_324, %bitcast_convert_type3A_202 : vector<16xf32>
      %jit3A_326 = arith.constant 1 : i32
      %jit3A_327 = arith.constant 0 : i32
      %broadcast_in_dim3A_328 = vector.broadcast %jit3A_326 : i32 to vector<16xi32>
      %broadcast_in_dim3A_329 = vector.broadcast %jit3A_327 : i32 to vector<16xi32>
      %select_n3A_330 = arith.select %ge3A_325, %broadcast_in_dim3A_328, %broadcast_in_dim3A_329 : vector<16xi1>, vector<16xi32>
      %broadcast_in_dim3A_331 = arith.constant true
      %broadcast_in_dim3A_332 = vector.broadcast %broadcast_in_dim3A_331 : i1 to vector<16xi1>
      %masked_cumsum3A_333 = tpu.scan <sum>, %select_n3A_330 masked %broadcast_in_dim3A_332 : vector<16xi32>, vector<16xi1> -> vector<16xi32>
      %add3A_334 = arith.addi %add3A_311, %masked_cumsum3A_333 : vector<16xi32>
      %mul3A_335 = arith.constant 16 : i32
      %mul3A_336 = arith.muli %add3A_320, %mul3A_335 : i32
      %add3A_337 = vector.broadcast %mul3A_336 : i32 to vector<16xi32>
      %add3A_338 = arith.addi %add3A_337, %iota3A_203 : vector<16xi32>
      tpu.vector_store_idx %arg6[%add3A_334], %add3A_338 masked %ge3A_325 : memref<32768xi32, #tpu.memory_space<vmem>>[vector<16xi32>], vector<16xi32>, vector<16xi1>
      %all_reduce_population_count3A_339 = tpu.all_reduce %ge3A_325 {dim = 0 : i64, kind = #tpu.reduction_kind<sum>} : vector<16xi1> -> vector<16xi32>
      %add3A_340 = arith.addi %add3A_311, %all_reduce_population_count3A_339 : vector<16xi32>
      %and3A_341 = arith.constant 1023 : i32
      %and3A_342 = arith.andi %add3A_320, %and3A_341 : i32
      %mul3A_343 = arith.constant 16 : i32
      %mul3A_344 = arith.muli %and3A_342, %mul3A_343 : i32
      %swap3A_345 = arith.index_cast %mul3A_344 : i32 to index
      %swap3A_346 = tpu.vector_load %arg7[%swap3A_345] {strides = array<i32>} : memref<16384xi32, #tpu.memory_space<vmem>>, vector<16xi32>,
      tpu.vector_store %arg7[%swap3A_345], %broadcast_in_dim3A_205 {strides = array<i32>} : memref<16384xi32, #tpu.memory_space<vmem>>, vector<16xi32>,
      %mul3A_347 = arith.constant 8 : i32
      %mul3A_348 = arith.muli %scan3A_292, %mul3A_347 : i32
      %add3A_349 = arith.constant 2 : i32
      %add3A_350 = arith.addi %mul3A_348, %add3A_349 : i32
      %mul3A_351 = arith.constant 16 : i32
      %mul3A_352 = arith.muli %add3A_350, %mul3A_351 : i32
      %get3A_353 = arith.index_cast %mul3A_352 : i32 to index
      %get3A_354 = tpu.vector_load %arg4[%get3A_353] {strides = array<i32>} : memref<32768xf32, #tpu.memory_space<vmem>>, vector<16xf32>,
      %ge3A_355 = arith.cmpf oge, %get3A_354, %bitcast_convert_type3A_202 : vector<16xf32>
      %jit3A_356 = arith.constant 1 : i32
      %jit3A_357 = arith.constant 0 : i32
      %broadcast_in_dim3A_358 = vector.broadcast %jit3A_356 : i32 to vector<16xi32>
      %broadcast_in_dim3A_359 = vector.broadcast %jit3A_357 : i32 to vector<16xi32>
      %select_n3A_360 = arith.select %ge3A_355, %broadcast_in_dim3A_358, %broadcast_in_dim3A_359 : vector<16xi1>, vector<16xi32>
      %broadcast_in_dim3A_361 = arith.constant true
      %broadcast_in_dim3A_362 = vector.broadcast %broadcast_in_dim3A_361 : i1 to vector<16xi1>
      %masked_cumsum3A_363 = tpu.scan <sum>, %select_n3A_360 masked %broadcast_in_dim3A_362 : vector<16xi32>, vector<16xi1> -> vector<16xi32>
      %add3A_364 = arith.addi %add3A_340, %masked_cumsum3A_363 : vector<16xi32>
      %mul3A_365 = arith.constant 16 : i32
      %mul3A_366 = arith.muli %add3A_350, %mul3A_365 : i32
      %add3A_367 = vector.broadcast %mul3A_366 : i32 to vector<16xi32>
      %add3A_368 = arith.addi %add3A_367, %iota3A_203 : vector<16xi32>
      tpu.vector_store_idx %arg6[%add3A_364], %add3A_368 masked %ge3A_355 : memref<32768xi32, #tpu.memory_space<vmem>>[vector<16xi32>], vector<16xi32>, vector<16xi1>
      %all_reduce_population_count3A_369 = tpu.all_reduce %ge3A_355 {dim = 0 : i64, kind = #tpu.reduction_kind<sum>} : vector<16xi1> -> vector<16xi32>
      %add3A_370 = arith.addi %add3A_340, %all_reduce_population_count3A_369 : vector<16xi32>
      %and3A_371 = arith.constant 1023 : i32
      %and3A_372 = arith.andi %add3A_350, %and3A_371 : i32
      %mul3A_373 = arith.constant 16 : i32
      %mul3A_374 = arith.muli %and3A_372, %mul3A_373 : i32
      %swap3A_375 = arith.index_cast %mul3A_374 : i32 to index
      %swap3A_376 = tpu.vector_load %arg7[%swap3A_375] {strides = array<i32>} : memref<16384xi32, #tpu.memory_space<vmem>>, vector<16xi32>,
      tpu.vector_store %arg7[%swap3A_375], %broadcast_in_dim3A_205 {strides = array<i32>} : memref<16384xi32, #tpu.memory_space<vmem>>, vector<16xi32>,
      %mul3A_377 = arith.constant 8 : i32
      %mul3A_378 = arith.muli %scan3A_292, %mul3A_377 : i32
      %add3A_379 = arith.constant 3 : i32
      %add3A_380 = arith.addi %mul3A_378, %add3A_379 : i32
      %mul3A_381 = arith.constant 16 : i32
      %mul3A_382 = arith.muli %add3A_380, %mul3A_381 : i32
      %get3A_383 = arith.index_cast %mul3A_382 : i32 to index
      %get3A_384 = tpu.vector_load %arg4[%get3A_383] {strides = array<i32>} : memref<32768xf32, #tpu.memory_space<vmem>>, vector<16xf32>,
      %ge3A_385 = arith.cmpf oge, %get3A_384, %bitcast_convert_type3A_202 : vector<16xf32>
      %jit3A_386 = arith.constant 1 : i32
      %jit3A_387 = arith.constant 0 : i32
      %broadcast_in_dim3A_388 = vector.broadcast %jit3A_386 : i32 to vector<16xi32>
      %broadcast_in_dim3A_389 = vector.broadcast %jit3A_387 : i32 to vector<16xi32>
      %select_n3A_390 = arith.select %ge3A_385, %broadcast_in_dim3A_388, %broadcast_in_dim3A_389 : vector<16xi1>, vector<16xi32>
      %broadcast_in_dim3A_391 = arith.constant true
      %broadcast_in_dim3A_392 = vector.broadcast %broadcast_in_dim3A_391 : i1 to vector<16xi1>
      %masked_cumsum3A_393 = tpu.scan <sum>, %select_n3A_390 masked %broadcast_in_dim3A_392 : vector<16xi32>, vector<16xi1> -> vector<16xi32>
      %add3A_394 = arith.addi %add3A_370, %masked_cumsum3A_393 : vector<16xi32>
      %mul3A_395 = arith.constant 16 : i32
      %mul3A_396 = arith.muli %add3A_380, %mul3A_395 : i32
      %add3A_397 = vector.broadcast %mul3A_396 : i32 to vector<16xi32>
      %add3A_398 = arith.addi %add3A_397, %iota3A_203 : vector<16xi32>
      tpu.vector_store_idx %arg6[%add3A_394], %add3A_398 masked %ge3A_385 : memref<32768xi32, #tpu.memory_space<vmem>>[vector<16xi32>], vector<16xi32>, vector<16xi1>
      %all_reduce_population_count3A_399 = tpu.all_reduce %ge3A_385 {dim = 0 : i64, kind = #tpu.reduction_kind<sum>} : vector<16xi1> -> vector<16xi32>
      %add3A_400 = arith.addi %add3A_370, %all_reduce_population_count3A_399 : vector<16xi32>
      %and3A_401 = arith.constant 1023 : i32
      %and3A_402 = arith.andi %add3A_380, %and3A_401 : i32
      %mul3A_403 = arith.constant 16 : i32
      %mul3A_404 = arith.muli %and3A_402, %mul3A_403 : i32
      %swap3A_405 = arith.index_cast %mul3A_404 : i32 to index
      %swap3A_406 = tpu.vector_load %arg7[%swap3A_405] {strides = array<i32>} : memref<16384xi32, #tpu.memory_space<vmem>>, vector<16xi32>,
      tpu.vector_store %arg7[%swap3A_405], %broadcast_in_dim3A_205 {strides = array<i32>} : memref<16384xi32, #tpu.memory_space<vmem>>, vector<16xi32>,
      %mul3A_407 = arith.constant 8 : i32
      %mul3A_408 = arith.muli %scan3A_292, %mul3A_407 : i32
      %add3A_409 = arith.constant 4 : i32
      %add3A_410 = arith.addi %mul3A_408, %add3A_409 : i32
      %mul3A_411 = arith.constant 16 : i32
      %mul3A_412 = arith.muli %add3A_410, %mul3A_411 : i32
      %get3A_413 = arith.index_cast %mul3A_412 : i32 to index
      %get3A_414 = tpu.vector_load %arg4[%get3A_413] {strides = array<i32>} : memref<32768xf32, #tpu.memory_space<vmem>>, vector<16xf32>,
      %ge3A_415 = arith.cmpf oge, %get3A_414, %bitcast_convert_type3A_202 : vector<16xf32>
      %jit3A_416 = arith.constant 1 : i32
      %jit3A_417 = arith.constant 0 : i32
      %broadcast_in_dim3A_418 = vector.broadcast %jit3A_416 : i32 to vector<16xi32>
      %broadcast_in_dim3A_419 = vector.broadcast %jit3A_417 : i32 to vector<16xi32>
      %select_n3A_420 = arith.select %ge3A_415, %broadcast_in_dim3A_418, %broadcast_in_dim3A_419 : vector<16xi1>, vector<16xi32>
      %broadcast_in_dim3A_421 = arith.constant true
      %broadcast_in_dim3A_422 = vector.broadcast %broadcast_in_dim3A_421 : i1 to vector<16xi1>
      %masked_cumsum3A_423 = tpu.scan <sum>, %select_n3A_420 masked %broadcast_in_dim3A_422 : vector<16xi32>, vector<16xi1> -> vector<16xi32>
      %add3A_424 = arith.addi %add3A_400, %masked_cumsum3A_423 : vector<16xi32>
      %mul3A_425 = arith.constant 16 : i32
      %mul3A_426 = arith.muli %add3A_410, %mul3A_425 : i32
      %add3A_427 = vector.broadcast %mul3A_426 : i32 to vector<16xi32>
      %add3A_428 = arith.addi %add3A_427, %iota3A_203 : vector<16xi32>
      tpu.vector_store_idx %arg6[%add3A_424], %add3A_428 masked %ge3A_415 : memref<32768xi32, #tpu.memory_space<vmem>>[vector<16xi32>], vector<16xi32>, vector<16xi1>
      %all_reduce_population_count3A_429 = tpu.all_reduce %ge3A_415 {dim = 0 : i64, kind = #tpu.reduction_kind<sum>} : vector<16xi1> -> vector<16xi32>
      %add3A_430 = arith.addi %add3A_400, %all_reduce_population_count3A_429 : vector<16xi32>
      %and3A_431 = arith.constant 1023 : i32
      %and3A_432 = arith.andi %add3A_410, %and3A_431 : i32
      %mul3A_433 = arith.constant 16 : i32
      %mul3A_434 = arith.muli %and3A_432, %mul3A_433 : i32
      %swap3A_435 = arith.index_cast %mul3A_434 : i32 to index
      %swap3A_436 = tpu.vector_load %arg7[%swap3A_435] {strides = array<i32>} : memref<16384xi32, #tpu.memory_space<vmem>>, vector<16xi32>,
      tpu.vector_store %arg7[%swap3A_435], %broadcast_in_dim3A_205 {strides = array<i32>} : memref<16384xi32, #tpu.memory_space<vmem>>, vector<16xi32>,
      %mul3A_437 = arith.constant 8 : i32
      %mul3A_438 = arith.muli %scan3A_292, %mul3A_437 : i32
      %add3A_439 = arith.constant 5 : i32
      %add3A_440 = arith.addi %mul3A_438, %add3A_439 : i32
      %mul3A_441 = arith.constant 16 : i32
      %mul3A_442 = arith.muli %add3A_440, %mul3A_441 : i32
      %get3A_443 = arith.index_cast %mul3A_442 : i32 to index
      %get3A_444 = tpu.vector_load %arg4[%get3A_443] {strides = array<i32>} : memref<32768xf32, #tpu.memory_space<vmem>>, vector<16xf32>,
      %ge3A_445 = arith.cmpf oge, %get3A_444, %bitcast_convert_type3A_202 : vector<16xf32>
      %jit3A_446 = arith.constant 1 : i32
      %jit3A_447 = arith.constant 0 : i32
      %broadcast_in_dim3A_448 = vector.broadcast %jit3A_446 : i32 to vector<16xi32>
      %broadcast_in_dim3A_449 = vector.broadcast %jit3A_447 : i32 to vector<16xi32>
      %select_n3A_450 = arith.select %ge3A_445, %broadcast_in_dim3A_448, %broadcast_in_dim3A_449 : vector<16xi1>, vector<16xi32>
      %broadcast_in_dim3A_451 = arith.constant true
      %broadcast_in_dim3A_452 = vector.broadcast %broadcast_in_dim3A_451 : i1 to vector<16xi1>
      %masked_cumsum3A_453 = tpu.scan <sum>, %select_n3A_450 masked %broadcast_in_dim3A_452 : vector<16xi32>, vector<16xi1> -> vector<16xi32>
      %add3A_454 = arith.addi %add3A_430, %masked_cumsum3A_453 : vector<16xi32>
      %mul3A_455 = arith.constant 16 : i32
      %mul3A_456 = arith.muli %add3A_440, %mul3A_455 : i32
      %add3A_457 = vector.broadcast %mul3A_456 : i32 to vector<16xi32>
      %add3A_458 = arith.addi %add3A_457, %iota3A_203 : vector<16xi32>
      tpu.vector_store_idx %arg6[%add3A_454], %add3A_458 masked %ge3A_445 : memref<32768xi32, #tpu.memory_space<vmem>>[vector<16xi32>], vector<16xi32>, vector<16xi1>
      %all_reduce_population_count3A_459 = tpu.all_reduce %ge3A_445 {dim = 0 : i64, kind = #tpu.reduction_kind<sum>} : vector<16xi1> -> vector<16xi32>
      %add3A_460 = arith.addi %add3A_430, %all_reduce_population_count3A_459 : vector<16xi32>
      %and3A_461 = arith.constant 1023 : i32
      %and3A_462 = arith.andi %add3A_440, %and3A_461 : i32
      %mul3A_463 = arith.constant 16 : i32
      %mul3A_464 = arith.muli %and3A_462, %mul3A_463 : i32
      %swap3A_465 = arith.index_cast %mul3A_464 : i32 to index
      %swap3A_466 = tpu.vector_load %arg7[%swap3A_465] {strides = array<i32>} : memref<16384xi32, #tpu.memory_space<vmem>>, vector<16xi32>,
      tpu.vector_store %arg7[%swap3A_465], %broadcast_in_dim3A_205 {strides = array<i32>} : memref<16384xi32, #tpu.memory_space<vmem>>, vector<16xi32>,
      %mul3A_467 = arith.constant 8 : i32
      %mul3A_468 = arith.muli %scan3A_292, %mul3A_467 : i32
      %add3A_469 = arith.constant 6 : i32
      %add3A_470 = arith.addi %mul3A_468, %add3A_469 : i32
      %mul3A_471 = arith.constant 16 : i32
      %mul3A_472 = arith.muli %add3A_470, %mul3A_471 : i32
      %get3A_473 = arith.index_cast %mul3A_472 : i32 to index
      %get3A_474 = tpu.vector_load %arg4[%get3A_473] {strides = array<i32>} : memref<32768xf32, #tpu.memory_space<vmem>>, vector<16xf32>,
      %ge3A_475 = arith.cmpf oge, %get3A_474, %bitcast_convert_type3A_202 : vector<16xf32>
      %jit3A_476 = arith.constant 1 : i32
      %jit3A_477 = arith.constant 0 : i32
      %broadcast_in_dim3A_478 = vector.broadcast %jit3A_476 : i32 to vector<16xi32>
      %broadcast_in_dim3A_479 = vector.broadcast %jit3A_477 : i32 to vector<16xi32>
      %select_n3A_480 = arith.select %ge3A_475, %broadcast_in_dim3A_478, %broadcast_in_dim3A_479 : vector<16xi1>, vector<16xi32>
      %broadcast_in_dim3A_481 = arith.constant true
      %broadcast_in_dim3A_482 = vector.broadcast %broadcast_in_dim3A_481 : i1 to vector<16xi1>
      %masked_cumsum3A_483 = tpu.scan <sum>, %select_n3A_480 masked %broadcast_in_dim3A_482 : vector<16xi32>, vector<16xi1> -> vector<16xi32>
      %add3A_484 = arith.addi %add3A_460, %masked_cumsum3A_483 : vector<16xi32>
      %mul3A_485 = arith.constant 16 : i32
      %mul3A_486 = arith.muli %add3A_470, %mul3A_485 : i32
      %add3A_487 = vector.broadcast %mul3A_486 : i32 to vector<16xi32>
      %add3A_488 = arith.addi %add3A_487, %iota3A_203 : vector<16xi32>
      tpu.vector_store_idx %arg6[%add3A_484], %add3A_488 masked %ge3A_475 : memref<32768xi32, #tpu.memory_space<vmem>>[vector<16xi32>], vector<16xi32>, vector<16xi1>
      %all_reduce_population_count3A_489 = tpu.all_reduce %ge3A_475 {dim = 0 : i64, kind = #tpu.reduction_kind<sum>} : vector<16xi1> -> vector<16xi32>
      %add3A_490 = arith.addi %add3A_460, %all_reduce_population_count3A_489 : vector<16xi32>
      %and3A_491 = arith.constant 1023 : i32
      %and3A_492 = arith.andi %add3A_470, %and3A_491 : i32
      %mul3A_493 = arith.constant 16 : i32
      %mul3A_494 = arith.muli %and3A_492, %mul3A_493 : i32
      %swap3A_495 = arith.index_cast %mul3A_494 : i32 to index
      %swap3A_496 = tpu.vector_load %arg7[%swap3A_495] {strides = array<i32>} : memref<16384xi32, #tpu.memory_space<vmem>>, vector<16xi32>,
      tpu.vector_store %arg7[%swap3A_495], %broadcast_in_dim3A_205 {strides = array<i32>} : memref<16384xi32, #tpu.memory_space<vmem>>, vector<16xi32>,
      %mul3A_497 = arith.constant 8 : i32
      %mul3A_498 = arith.muli %scan3A_292, %mul3A_497 : i32
      %add3A_499 = arith.constant 7 : i32
      %add3A_500 = arith.addi %mul3A_498, %add3A_499 : i32
      %mul3A_501 = arith.constant 16 : i32
      %mul3A_502 = arith.muli %add3A_500, %mul3A_501 : i32
      %get3A_503 = arith.index_cast %mul3A_502 : i32 to index
      %get3A_504 = tpu.vector_load %arg4[%get3A_503] {strides = array<i32>} : memref<32768xf32, #tpu.memory_space<vmem>>, vector<16xf32>,
      %ge3A_505 = arith.cmpf oge, %get3A_504, %bitcast_convert_type3A_202 : vector<16xf32>
      %jit3A_506 = arith.constant 1 : i32
      %jit3A_507 = arith.constant 0 : i32
      %broadcast_in_dim3A_508 = vector.broadcast %jit3A_506 : i32 to vector<16xi32>
      %broadcast_in_dim3A_509 = vector.broadcast %jit3A_507 : i32 to vector<16xi32>
      %select_n3A_510 = arith.select %ge3A_505, %broadcast_in_dim3A_508, %broadcast_in_dim3A_509 : vector<16xi1>, vector<16xi32>
      %broadcast_in_dim3A_511 = arith.constant true
      %broadcast_in_dim3A_512 = vector.broadcast %broadcast_in_dim3A_511 : i1 to vector<16xi1>
      %masked_cumsum3A_513 = tpu.scan <sum>, %select_n3A_510 masked %broadcast_in_dim3A_512 : vector<16xi32>, vector<16xi1> -> vector<16xi32>
      %add3A_514 = arith.addi %add3A_490, %masked_cumsum3A_513 : vector<16xi32>
      %mul3A_515 = arith.constant 16 : i32
      %mul3A_516 = arith.muli %add3A_500, %mul3A_515 : i32
      %add3A_517 = vector.broadcast %mul3A_516 : i32 to vector<16xi32>
      %add3A_518 = arith.addi %add3A_517, %iota3A_203 : vector<16xi32>
      tpu.vector_store_idx %arg6[%add3A_514], %add3A_518 masked %ge3A_505 : memref<32768xi32, #tpu.memory_space<vmem>>[vector<16xi32>], vector<16xi32>, vector<16xi1>
      %all_reduce_population_count3A_519 = tpu.all_reduce %ge3A_505 {dim = 0 : i64, kind = #tpu.reduction_kind<sum>} : vector<16xi1> -> vector<16xi32>
      %add3A_520 = arith.addi %add3A_490, %all_reduce_population_count3A_519 : vector<16xi32>
      %and3A_521 = arith.constant 1023 : i32
      %and3A_522 = arith.andi %add3A_500, %and3A_521 : i32
      %mul3A_523 = arith.constant 16 : i32
      %mul3A_524 = arith.muli %and3A_522, %mul3A_523 : i32
      %swap3A_525 = arith.index_cast %mul3A_524 : i32 to index
      %swap3A_526 = tpu.vector_load %arg7[%swap3A_525] {strides = array<i32>} : memref<16384xi32, #tpu.memory_space<vmem>>, vector<16xi32>,
      tpu.vector_store %arg7[%swap3A_525], %broadcast_in_dim3A_205 {strides = array<i32>} : memref<16384xi32, #tpu.memory_space<vmem>>, vector<16xi32>,
      scf.yield %add3A_520 : vector<16xi32>
    }
    %scan3A_213 = arith.constant 256 : i32
    %add3A_214 = arith.constant 1 : i32
    %add3A_215 = vector.broadcast %add3A_214 : i32 to vector<16xi32>
    %add3A_216 = arith.addi %scan3A_212, %add3A_215 : vector<16xi32>
    %reduce_max3A_217 = arith.constant true
    %reduce_max3A_218 = vector.broadcast %reduce_max3A_217 : i1 to vector<16xi1>
    %reduce_max3A_219 = arith.constant -2147483648 : i32
    %reduce_max3A_220 = vector.broadcast %reduce_max3A_219 : i32 to vector<16xi32>
    %reduce_max3A_221 = arith.xori %add3A_216, %reduce_max3A_220 : vector<16xi32>
    %reduce_max3A_222 = tpu.scan <max>, %reduce_max3A_221 masked %reduce_max3A_218 : vector<16xi32>, vector<16xi1> -> vector<16xi32>
    %reduce_max3A_223 = arith.xori %reduce_max3A_222, %reduce_max3A_220 : vector<16xi32>
    %reduce_max3A_224 = vector.extract %reduce_max3A_223[15] : i32 from vector<16xi32>
    %add3A_225 = arith.constant 15 : i32
    %add3A_226 = arith.addi %reduce_max3A_224, %add3A_225 : i32
    %shift_right_arithmetic3A_227 = arith.constant 4 : i32
    %shift_right_arithmetic3A_228 = arith.shrsi %add3A_226, %shift_right_arithmetic3A_227 : i32
    %shift_left3A_229 = arith.constant 21 : i32
    %shift_left3A_230 = arith.shli %scan3A_180#1, %shift_left3A_229 : i32
    %xor3A_231 = arith.constant -2147483648 : i32
    %xor3A_232 = arith.xori %shift_left3A_230, %xor3A_231 : i32
    %broadcast_in_dim3A_233 = arith.constant 0 : i32
    %broadcast_in_dim3A_234 = vector.broadcast %broadcast_in_dim3A_233 : i32 to vector<16xi32>
    %add3A_235 = vector.broadcast %xor3A_232 : i32 to vector<16xi32>
    %add3A_236 = arith.addi %broadcast_in_dim3A_234, %add3A_235 : vector<16xi32>
    %broadcast_in_dim3A_237 = arith.constant 2097151 : i32
    %broadcast_in_dim3A_238 = vector.broadcast %broadcast_in_dim3A_237 : i32 to vector<16xi32>
    %add3A_239 = arith.addi %add3A_236, %broadcast_in_dim3A_238 : vector<16xi32>
    %broadcast_in_dim3A_240 = arith.constant 128 : i32
    %broadcast_in_dim3A_241 = vector.broadcast %broadcast_in_dim3A_240 : i32 to vector<16xi32>
    %scan3A_242 = arith.constant 0 : i32
    %scan3A_243 = arith.constant 21 : i32
    %scan3A_244 = arith.addi %scan3A_242, %scan3A_243 : i32
    %scan3A_245 = arith.constant 1 : i32
    %scan3A_246:2 = scf.for %scan3A_292 = %scan3A_242 to %scan3A_244 step %scan3A_245 iter_args(%scan3A_293 = %add3A_236, %scan3A_294 = %add3A_239) -> (vector<16xi32>, vector<16xi32>)  : i32 {
      %sub3A_295 = arith.subi %scan3A_294, %scan3A_293 : vector<16xi32>
      %add3A_296 = arith.constant 1 : i32
      %add3A_297 = vector.broadcast %add3A_296 : i32 to vector<16xi32>
      %add3A_298 = arith.addi %sub3A_295, %add3A_297 : vector<16xi32>
      %shift_right_arithmetic3A_299 = arith.constant 1 : i32
      %shift_right_arithmetic3A_300 = vector.broadcast %shift_right_arithmetic3A_299 : i32 to vector<16xi32>
      %shift_right_arithmetic3A_301 = arith.shrsi %add3A_298, %shift_right_arithmetic3A_300 : vector<16xi32>
      %add3A_302 = arith.addi %scan3A_293, %shift_right_arithmetic3A_301 : vector<16xi32>
      %xor3A_303 = arith.constant -2147483648 : i32
      %xor3A_304 = vector.broadcast %xor3A_303 : i32 to vector<16xi32>
      %xor3A_305 = arith.xori %add3A_302, %xor3A_304 : vector<16xi32>
      %shift_right_arithmetic3A_306 = arith.constant 31 : i32
      %shift_right_arithmetic3A_307 = vector.broadcast %shift_right_arithmetic3A_306 : i32 to vector<16xi32>
      %shift_right_arithmetic3A_308 = arith.shrsi %xor3A_305, %shift_right_arithmetic3A_307 : vector<16xi32>
      %not3A_309 = arith.constant dense<-1> : vector<16xi32>
      %not3A_310 = arith.xori %shift_right_arithmetic3A_308, %not3A_309 : vector<16xi32>
      %or3A_311 = arith.constant -2147483648 : i32
      %or3A_312 = vector.broadcast %or3A_311 : i32 to vector<16xi32>
      %or3A_313 = arith.ori %not3A_310, %or3A_312 : vector<16xi32>
      %xor3A_314 = arith.xori %xor3A_305, %or3A_313 : vector<16xi32>
      %bitcast_convert_type3A_315 = tpu.bitcast %xor3A_314 : vector<16xi32> -> vector<16xf32>
      %iota3A_316 = tpu.iota {dimensions = array<i32: 0>} : vector<16xi32>
      %broadcast_in_dim3A_317 = arith.constant 0 : i32
      %broadcast_in_dim3A_318 = vector.broadcast %broadcast_in_dim3A_317 : i32 to vector<16xi32>
      %while3A_319 = arith.constant 0 : i32
      %while3A_320 = arith.subi %shift_right_arithmetic3A_228, %while3A_319 : i32
      %while3A_321 = arith.addi %while3A_319, %while3A_320 : i32
      %while3A_322 = arith.constant 1 : i32
      %while3A_323 = arith.divsi %while3A_320, %while3A_322 : i32
      %while3A_324 = arith.muli %while3A_323, %while3A_322 : i32
      %while3A_325 = arith.addi %while3A_319, %while3A_324 : i32
      %while3A_326 = arith.constant 1 : i32
      %while3A_327 = scf.for %while3A_334 = %while3A_319 to %while3A_325 step %while3A_326 iter_args(%while3A_335 = %broadcast_in_dim3A_318) -> (vector<16xi32>)  : i32 {
        %mul3A_336 = arith.constant 16 : i32
        %mul3A_337 = arith.muli %while3A_334, %mul3A_336 : i32
        %add3A_338 = vector.broadcast %mul3A_337 : i32 to vector<16xi32>
        %add3A_339 = arith.addi %add3A_338, %iota3A_316 : vector<16xi32>
        %lt3A = arith.cmpi slt, %add3A_339, %add3A_216 : vector<16xi32>
        %mul3A_340 = arith.constant 16 : i32
        %mul3A_341 = arith.muli %while3A_334, %mul3A_340 : i32
        %get3A = arith.index_cast %mul3A_341 : i32 to index
        %get3A_342 = tpu.vector_load %arg6[%get3A] {strides = array<i32>} : memref<32768xi32, #tpu.memory_space<vmem>>, vector<16xi32>,
        %jit3A = arith.constant 0 : i32
        %broadcast_in_dim3A_343 = vector.broadcast %jit3A : i32 to vector<16xi32>
        %select_n3A_344 = arith.select %lt3A, %get3A_342, %broadcast_in_dim3A_343 : vector<16xi1>, vector<16xi32>
        %gather3A = tpu.vector_load_idx %arg4[%select_n3A_344] : memref<32768xf32, #tpu.memory_space<vmem>>[vector<16xi32>], vector<16xf32>,
        %ge3A_345 = arith.cmpf oge, %gather3A, %bitcast_convert_type3A_315 : vector<16xf32>
        %and3A_346 = arith.andi %lt3A, %ge3A_345 : vector<16xi1>
        %all_reduce_population_count3A = tpu.all_reduce %and3A_346 {dim = 0 : i64, kind = #tpu.reduction_kind<sum>} : vector<16xi1> -> vector<16xi32>
        %add3A_347 = arith.addi %while3A_335, %all_reduce_population_count3A : vector<16xi32>
        scf.yield %add3A_347 : vector<16xi32>
      }
      %while3A_328 = arith.constant 1 : i32
      %while3A_329 = scf.for %while3A_334 = %while3A_325 to %while3A_321 step %while3A_328 iter_args(%while3A_335 = %while3A_327) -> (vector<16xi32>)  : i32 {
        %mul3A_336 = arith.constant 16 : i32
        %mul3A_337 = arith.muli %while3A_334, %mul3A_336 : i32
        %add3A_338 = vector.broadcast %mul3A_337 : i32 to vector<16xi32>
        %add3A_339 = arith.addi %add3A_338, %iota3A_316 : vector<16xi32>
        %lt3A = arith.cmpi slt, %add3A_339, %add3A_216 : vector<16xi32>
        %mul3A_340 = arith.constant 16 : i32
        %mul3A_341 = arith.muli %while3A_334, %mul3A_340 : i32
        %get3A = arith.index_cast %mul3A_341 : i32 to index
        %get3A_342 = tpu.vector_load %arg6[%get3A] {strides = array<i32>} : memref<32768xi32, #tpu.memory_space<vmem>>, vector<16xi32>,
        %jit3A = arith.constant 0 : i32
        %broadcast_in_dim3A_343 = vector.broadcast %jit3A : i32 to vector<16xi32>
        %select_n3A_344 = arith.select %lt3A, %get3A_342, %broadcast_in_dim3A_343 : vector<16xi1>, vector<16xi32>
        %gather3A = tpu.vector_load_idx %arg4[%select_n3A_344] : memref<32768xf32, #tpu.memory_space<vmem>>[vector<16xi32>], vector<16xf32>,
        %ge3A_345 = arith.cmpf oge, %gather3A, %bitcast_convert_type3A_315 : vector<16xf32>
        %and3A_346 = arith.andi %lt3A, %ge3A_345 : vector<16xi1>
        %all_reduce_population_count3A = tpu.all_reduce %and3A_346 {dim = 0 : i64, kind = #tpu.reduction_kind<sum>} : vector<16xi1> -> vector<16xi32>
        %add3A_347 = arith.addi %while3A_335, %all_reduce_population_count3A : vector<16xi32>
        scf.yield %add3A_347 : vector<16xi32>
      }
      %ge3A = arith.cmpi sge, %while3A_329, %broadcast_in_dim3A_241 : vector<16xi32>
      %select_n3A = arith.select %ge3A, %add3A_302, %scan3A_293 : vector<16xi1>, vector<16xi32>
      %sub3A_330 = arith.constant 1 : i32
      %sub3A_331 = vector.broadcast %sub3A_330 : i32 to vector<16xi32>
      %sub3A_332 = arith.subi %add3A_302, %sub3A_331 : vector<16xi32>
      %select_n3A_333 = arith.select %ge3A, %scan3A_294, %sub3A_332 : vector<16xi1>, vector<16xi32>
      scf.yield %select_n3A, %select_n3A_333 : vector<16xi32>, vector<16xi32>
    }
    %scan3A_247 = arith.constant 21 : i32
    %xor3A_248 = arith.constant -2147483648 : i32
    %xor3A_249 = vector.broadcast %xor3A_248 : i32 to vector<16xi32>
    %xor3A_250 = arith.xori %scan3A_246#0, %xor3A_249 : vector<16xi32>
    %shift_right_arithmetic3A_251 = arith.constant 31 : i32
    %shift_right_arithmetic3A_252 = vector.broadcast %shift_right_arithmetic3A_251 : i32 to vector<16xi32>
    %shift_right_arithmetic3A_253 = arith.shrsi %xor3A_250, %shift_right_arithmetic3A_252 : vector<16xi32>
    %not3A_254 = arith.constant dense<-1> : vector<16xi32>
    %not3A_255 = arith.xori %shift_right_arithmetic3A_253, %not3A_254 : vector<16xi32>
    %or3A_256 = arith.constant -2147483648 : i32
    %or3A_257 = vector.broadcast %or3A_256 : i32 to vector<16xi32>
    %or3A_258 = arith.ori %not3A_255, %or3A_257 : vector<16xi32>
    %xor3A_259 = arith.xori %xor3A_250, %or3A_258 : vector<16xi32>
    %bitcast_convert_type3A_260 = tpu.bitcast %xor3A_259 : vector<16xi32> -> vector<16xf32>
    %iota3A_261 = tpu.iota {dimensions = array<i32: 0>} : vector<16xi32>
    %broadcast_in_dim3A_262 = arith.constant 0 : i32
    %broadcast_in_dim3A_263 = vector.broadcast %broadcast_in_dim3A_262 : i32 to vector<16xi32>
    %while3A_264 = arith.constant 0 : i32
    %while3A_265 = arith.subi %shift_right_arithmetic3A_228, %while3A_264 : i32
    %while3A_266 = arith.addi %while3A_264, %while3A_265 : i32
    %while3A_267 = arith.constant 1 : i32
    %while3A_268 = arith.divsi %while3A_265, %while3A_267 : i32
    %while3A_269 = arith.muli %while3A_268, %while3A_267 : i32
    %while3A_270 = arith.addi %while3A_264, %while3A_269 : i32
    %while3A_271 = arith.constant 1 : i32
    %while3A_272 = scf.for %while3A_292 = %while3A_264 to %while3A_270 step %while3A_271 iter_args(%while3A_293 = %broadcast_in_dim3A_263) -> (vector<16xi32>)  : i32 {
      %mul3A_294 = arith.constant 16 : i32
      %mul3A_295 = arith.muli %while3A_292, %mul3A_294 : i32
      %add3A_296 = vector.broadcast %mul3A_295 : i32 to vector<16xi32>
      %add3A_297 = arith.addi %add3A_296, %iota3A_261 : vector<16xi32>
      %lt3A = arith.cmpi slt, %add3A_297, %add3A_216 : vector<16xi32>
      %mul3A_298 = arith.constant 16 : i32
      %mul3A_299 = arith.muli %while3A_292, %mul3A_298 : i32
      %get3A = arith.index_cast %mul3A_299 : i32 to index
      %get3A_300 = tpu.vector_load %arg6[%get3A] {strides = array<i32>} : memref<32768xi32, #tpu.memory_space<vmem>>, vector<16xi32>,
      %jit3A = arith.constant 0 : i32
      %broadcast_in_dim3A_301 = vector.broadcast %jit3A : i32 to vector<16xi32>
      %select_n3A = arith.select %lt3A, %get3A_300, %broadcast_in_dim3A_301 : vector<16xi1>, vector<16xi32>
      %gather3A = tpu.vector_load_idx %arg4[%select_n3A] : memref<32768xf32, #tpu.memory_space<vmem>>[vector<16xi32>], vector<16xf32>,
      %gt3A = arith.cmpf ogt, %gather3A, %bitcast_convert_type3A_260 : vector<16xf32>
      %and3A_302 = arith.andi %lt3A, %gt3A : vector<16xi1>
      %all_reduce_population_count3A = tpu.all_reduce %and3A_302 {dim = 0 : i64, kind = #tpu.reduction_kind<sum>} : vector<16xi1> -> vector<16xi32>
      %add3A_303 = arith.addi %while3A_293, %all_reduce_population_count3A : vector<16xi32>
      scf.yield %add3A_303 : vector<16xi32>
    }
    %while3A_273 = arith.constant 1 : i32
    %while3A_274 = scf.for %while3A_292 = %while3A_270 to %while3A_266 step %while3A_273 iter_args(%while3A_293 = %while3A_272) -> (vector<16xi32>)  : i32 {
      %mul3A_294 = arith.constant 16 : i32
      %mul3A_295 = arith.muli %while3A_292, %mul3A_294 : i32
      %add3A_296 = vector.broadcast %mul3A_295 : i32 to vector<16xi32>
      %add3A_297 = arith.addi %add3A_296, %iota3A_261 : vector<16xi32>
      %lt3A = arith.cmpi slt, %add3A_297, %add3A_216 : vector<16xi32>
      %mul3A_298 = arith.constant 16 : i32
      %mul3A_299 = arith.muli %while3A_292, %mul3A_298 : i32
      %get3A = arith.index_cast %mul3A_299 : i32 to index
      %get3A_300 = tpu.vector_load %arg6[%get3A] {strides = array<i32>} : memref<32768xi32, #tpu.memory_space<vmem>>, vector<16xi32>,
      %jit3A = arith.constant 0 : i32
      %broadcast_in_dim3A_301 = vector.broadcast %jit3A : i32 to vector<16xi32>
      %select_n3A = arith.select %lt3A, %get3A_300, %broadcast_in_dim3A_301 : vector<16xi1>, vector<16xi32>
      %gather3A = tpu.vector_load_idx %arg4[%select_n3A] : memref<32768xf32, #tpu.memory_space<vmem>>[vector<16xi32>], vector<16xf32>,
      %gt3A = arith.cmpf ogt, %gather3A, %bitcast_convert_type3A_260 : vector<16xf32>
      %and3A_302 = arith.andi %lt3A, %gt3A : vector<16xi1>
      %all_reduce_population_count3A = tpu.all_reduce %and3A_302 {dim = 0 : i64, kind = #tpu.reduction_kind<sum>} : vector<16xi1> -> vector<16xi32>
      %add3A_303 = arith.addi %while3A_293, %all_reduce_population_count3A : vector<16xi32>
      scf.yield %add3A_303 : vector<16xi32>
    }
    %broadcast_in_dim3A_275 = arith.constant 128 : i32
    %broadcast_in_dim3A_276 = vector.broadcast %broadcast_in_dim3A_275 : i32 to vector<16xi32>
    %sub3A_277 = arith.subi %broadcast_in_dim3A_276, %while3A_274 : vector<16xi32>
    %iota3A_278 = tpu.iota {dimensions = array<i32: 0>} : vector<16xi32>
    %broadcast_in_dim3A_279 = arith.constant 0 : i32
    %broadcast_in_dim3A_280 = vector.broadcast %broadcast_in_dim3A_279 : i32 to vector<16xi32>
    %while3A_281 = arith.constant 0 : i32
    %while3A_282 = arith.subi %shift_right_arithmetic3A_228, %while3A_281 : i32
    %while3A_283 = arith.addi %while3A_281, %while3A_282 : i32
    %while3A_284 = arith.constant 1 : i32
    %while3A_285 = arith.divsi %while3A_282, %while3A_284 : i32
    %while3A_286 = arith.muli %while3A_285, %while3A_284 : i32
    %while3A_287 = arith.addi %while3A_281, %while3A_286 : i32
    %while3A_288 = arith.constant 1 : i32
    %while3A_289 = scf.for %while3A_292 = %while3A_281 to %while3A_287 step %while3A_288 iter_args(%while3A_293 = %broadcast_in_dim3A_280) -> (vector<16xi32>)  : i32 {
      %mul3A_294 = arith.constant 16 : i32
      %mul3A_295 = arith.muli %while3A_292, %mul3A_294 : i32
      %add3A_296 = vector.broadcast %mul3A_295 : i32 to vector<16xi32>
      %add3A_297 = arith.addi %add3A_296, %iota3A_278 : vector<16xi32>
      %lt3A = arith.cmpi slt, %add3A_297, %add3A_216 : vector<16xi32>
      %mul3A_298 = arith.constant 16 : i32
      %mul3A_299 = arith.muli %while3A_292, %mul3A_298 : i32
      %get3A = arith.index_cast %mul3A_299 : i32 to index
      %get3A_300 = tpu.vector_load %arg6[%get3A] {strides = array<i32>} : memref<32768xi32, #tpu.memory_space<vmem>>, vector<16xi32>,
      %jit3A = arith.constant 0 : i32
      %broadcast_in_dim3A_301 = vector.broadcast %jit3A : i32 to vector<16xi32>
      %select_n3A = arith.select %lt3A, %get3A_300, %broadcast_in_dim3A_301 : vector<16xi1>, vector<16xi32>
      %gather3A = tpu.vector_load_idx %arg4[%select_n3A] : memref<32768xf32, #tpu.memory_space<vmem>>[vector<16xi32>], vector<16xf32>,
      %gt3A = arith.cmpf ogt, %gather3A, %bitcast_convert_type3A_260 : vector<16xf32>
      %and3A_302 = arith.andi %lt3A, %gt3A : vector<16xi1>
      %eq3A = arith.cmpf oeq, %gather3A, %bitcast_convert_type3A_260 : vector<16xf32>
      %and3A_303 = arith.andi %lt3A, %eq3A : vector<16xi1>
      %jit3A_304 = arith.constant 1 : i32
      %jit3A_305 = arith.constant 0 : i32
      %broadcast_in_dim3A_306 = vector.broadcast %jit3A_304 : i32 to vector<16xi32>
      %broadcast_in_dim3A_307 = vector.broadcast %jit3A_305 : i32 to vector<16xi32>
      %select_n3A_308 = arith.select %and3A_303, %broadcast_in_dim3A_306, %broadcast_in_dim3A_307 : vector<16xi1>, vector<16xi32>
      %broadcast_in_dim3A_309 = arith.constant true
      %broadcast_in_dim3A_310 = vector.broadcast %broadcast_in_dim3A_309 : i1 to vector<16xi1>
      %masked_cumsum3A = tpu.scan <sum>, %select_n3A_308 masked %broadcast_in_dim3A_310 : vector<16xi32>, vector<16xi1> -> vector<16xi32>
      %add3A_311 = arith.addi %while3A_293, %masked_cumsum3A : vector<16xi32>
      %le3A = arith.cmpi sle, %add3A_311, %sub3A_277 : vector<16xi32>
      %and3A_312 = arith.andi %and3A_303, %le3A : vector<16xi1>
      %or3A_313 = arith.ori %and3A_302, %and3A_312 : vector<16xi1>
      %max3A = arith.constant 0.000000e+00 : f32
      %max3A_314 = vector.broadcast %max3A : f32 to vector<16xf32>
      %max3A_315 = arith.maximumf %gather3A, %max3A_314 : vector<16xf32>
      tpu.vector_store_idx %arg5[%get3A_300], %max3A_315 masked %or3A_313 : memref<32768xf32, #tpu.memory_space<vmem>>[vector<16xi32>], vector<16xf32>, vector<16xi1>
      %all_reduce_population_count3A = tpu.all_reduce %and3A_303 {dim = 0 : i64, kind = #tpu.reduction_kind<sum>} : vector<16xi1> -> vector<16xi32>
      %add3A_316 = arith.addi %while3A_293, %all_reduce_population_count3A : vector<16xi32>
      scf.yield %add3A_316 : vector<16xi32>
    }
    %while3A_290 = arith.constant 1 : i32
    %while3A_291 = scf.for %while3A_292 = %while3A_287 to %while3A_283 step %while3A_290 iter_args(%while3A_293 = %while3A_289) -> (vector<16xi32>)  : i32 {
      %mul3A_294 = arith.constant 16 : i32
      %mul3A_295 = arith.muli %while3A_292, %mul3A_294 : i32
      %add3A_296 = vector.broadcast %mul3A_295 : i32 to vector<16xi32>
      %add3A_297 = arith.addi %add3A_296, %iota3A_278 : vector<16xi32>
      %lt3A = arith.cmpi slt, %add3A_297, %add3A_216 : vector<16xi32>
      %mul3A_298 = arith.constant 16 : i32
      %mul3A_299 = arith.muli %while3A_292, %mul3A_298 : i32
      %get3A = arith.index_cast %mul3A_299 : i32 to index
      %get3A_300 = tpu.vector_load %arg6[%get3A] {strides = array<i32>} : memref<32768xi32, #tpu.memory_space<vmem>>, vector<16xi32>,
      %jit3A = arith.constant 0 : i32
      %broadcast_in_dim3A_301 = vector.broadcast %jit3A : i32 to vector<16xi32>
      %select_n3A = arith.select %lt3A, %get3A_300, %broadcast_in_dim3A_301 : vector<16xi1>, vector<16xi32>
      %gather3A = tpu.vector_load_idx %arg4[%select_n3A] : memref<32768xf32, #tpu.memory_space<vmem>>[vector<16xi32>], vector<16xf32>,
      %gt3A = arith.cmpf ogt, %gather3A, %bitcast_convert_type3A_260 : vector<16xf32>
      %and3A_302 = arith.andi %lt3A, %gt3A : vector<16xi1>
      %eq3A = arith.cmpf oeq, %gather3A, %bitcast_convert_type3A_260 : vector<16xf32>
      %and3A_303 = arith.andi %lt3A, %eq3A : vector<16xi1>
      %jit3A_304 = arith.constant 1 : i32
      %jit3A_305 = arith.constant 0 : i32
      %broadcast_in_dim3A_306 = vector.broadcast %jit3A_304 : i32 to vector<16xi32>
      %broadcast_in_dim3A_307 = vector.broadcast %jit3A_305 : i32 to vector<16xi32>
      %select_n3A_308 = arith.select %and3A_303, %broadcast_in_dim3A_306, %broadcast_in_dim3A_307 : vector<16xi1>, vector<16xi32>
      %broadcast_in_dim3A_309 = arith.constant true
      %broadcast_in_dim3A_310 = vector.broadcast %broadcast_in_dim3A_309 : i1 to vector<16xi1>
      %masked_cumsum3A = tpu.scan <sum>, %select_n3A_308 masked %broadcast_in_dim3A_310 : vector<16xi32>, vector<16xi1> -> vector<16xi32>
      %add3A_311 = arith.addi %while3A_293, %masked_cumsum3A : vector<16xi32>
      %le3A = arith.cmpi sle, %add3A_311, %sub3A_277 : vector<16xi32>
      %and3A_312 = arith.andi %and3A_303, %le3A : vector<16xi1>
      %or3A_313 = arith.ori %and3A_302, %and3A_312 : vector<16xi1>
      %max3A = arith.constant 0.000000e+00 : f32
      %max3A_314 = vector.broadcast %max3A : f32 to vector<16xf32>
      %max3A_315 = arith.maximumf %gather3A, %max3A_314 : vector<16xf32>
      tpu.vector_store_idx %arg5[%get3A_300], %max3A_315 masked %or3A_313 : memref<32768xf32, #tpu.memory_space<vmem>>[vector<16xi32>], vector<16xf32>, vector<16xi1>
      %all_reduce_population_count3A = tpu.all_reduce %and3A_303 {dim = 0 : i64, kind = #tpu.reduction_kind<sum>} : vector<16xi1> -> vector<16xi32>
      %add3A_316 = arith.addi %while3A_293, %all_reduce_population_count3A : vector<16xi32>
      scf.yield %add3A_316 : vector<16xi32>
    }
    "tpu.region"() ({
      %run_scoped3A = tpu.sem_alloc : memref<!tpu.dma_semaphore, #tpu.memory_space<semaphore_mem>>
      %dma_start3A = arith.constant 0 : i32
      %dma_start3A_292 = tpu.memref_slice %arg3[%add3A_147, %dma_start3A] : memref<64x32768xf32, #tpu.memory_space<hbm>> -> memref<1x32768xf32, #tpu.memory_space<hbm>>
      %dma_start3A_293 = tpu.memref_squeeze %dma_start3A_292 : memref<1x32768xf32, #tpu.memory_space<hbm>> -> memref<32768xf32, #tpu.memory_space<hbm>>
      %dma_start3A_294 = arith.constant 0 : i32
      %dma_start3A_295 = tpu.memref_slice %arg3[%add3A_147, %dma_start3A_294] : memref<64x32768xf32, #tpu.memory_space<hbm>> -> memref<1x32768xf32, #tpu.memory_space<hbm>>
      %dma_start3A_296 = tpu.memref_squeeze %dma_start3A_295 : memref<1x32768xf32, #tpu.memory_space<hbm>> -> memref<32768xf32, #tpu.memory_space<hbm>>
      tpu.enqueue_dma source(%arg5 : memref<32768xf32, #tpu.memory_space<vmem>>) target(%dma_start3A_296 : memref<32768xf32, #tpu.memory_space<hbm>>) target_semaphore(%run_scoped3A : memref<!tpu.dma_semaphore, #tpu.memory_space<semaphore_mem>>)
      %dma_wait3A = arith.constant 0 : i32
      %dma_wait3A_297 = tpu.memref_slice %arg3[%add3A_147, %dma_wait3A] : memref<64x32768xf32, #tpu.memory_space<hbm>> -> memref<1x32768xf32, #tpu.memory_space<hbm>>
      %dma_wait3A_298 = tpu.memref_squeeze %dma_wait3A_297 : memref<1x32768xf32, #tpu.memory_space<hbm>> -> memref<32768xf32, #tpu.memory_space<hbm>>
      %dma_wait3A_299 = arith.constant 0 : i32
      %dma_wait3A_300 = tpu.memref_slice %arg3[%add3A_147, %dma_wait3A_299] : memref<64x32768xf32, #tpu.memory_space<hbm>> -> memref<1x32768xf32, #tpu.memory_space<hbm>>
      %dma_wait3A_301 = tpu.memref_squeeze %dma_wait3A_300 : memref<1x32768xf32, #tpu.memory_space<hbm>> -> memref<32768xf32, #tpu.memory_space<hbm>>
      tpu.wait_dma2 semaphore(%run_scoped3A : memref<!tpu.dma_semaphore, #tpu.memory_space<semaphore_mem>>) src(%arg5 : memref<32768xf32, #tpu.memory_space<vmem>>) dst(%dma_wait3A_301 : memref<32768xf32, #tpu.memory_space<hbm>>)
      tpu.yield
    }) : () -> ()
    return
  }
}

</mosaic_0001>

<sc_bundles>
// kernel: kernel.3.cloned.1.call-start
scs
__scs_entry_jumppad:
0x0: {  	(pc) =	sbr.rel $0x88, $3  }
0x1: {  	(tag) =	ssettag $0x0;
	lr =	simm.s32 $0x1  }
0x2: {  	[smem:$0x3FA0] =	sst lr;
	_ =	strace $0xD0000000  }
0x3: {  	_ = 	snop  }
0x4: {  	_ = 	snop  }
0x5: {  	_ = 	snop  }
0x6: {  	_ = 	snop  }
0x7: {  	_ = 	snop  }
__scs_overlays_trampoline_lowered:
0x8: {  	[smem:$0x3FAF] =	sst s0  }
0x9: {  	[smem:$0x3FB0] =	sst s1  }
0xa: {  	[smem:$0x3FB1] =	sst s2  }
0xb: {  	[smem:$0x3FB2] =	sst s3  }
0xc: {  	[smem:$0x3FB3] =	sst s4  }
0xd: {  	[smem:$0x3FB4] =	sst s5  }
0xe: {  	[smem:$0x3FB5] =	sst s6  }
0xf: {  	[smem:$0x3FB6] =	sst s7  }
0x10: {  	[smem:$0x3FB7] =	sst s8  }
0x11: {  	[smem:$0x3FB8] =	sst s9;
	s0 =	simm.s32 @!p0 $0x0  }
0x12: {  	s1 =	sld [smem:$0x3F9E];
	s0 =	simm.s32 @p0 $0x1  }
0x13: {  	[smem:$0x3FB9] =	sst s0;
	s0 =	simm.s32 @!p1 $0x0  }
0x14: {  	s2 =	sld [smem:$0x3F9D];
	s0 =	simm.s32 @p1 $0x1  }
0x15: {  	[smem:$0x3FBA] =	sst s0;
	s0 =	simm.s32 @!p2 $0x0  }
0x16: {  	s3 =	sld [smem:$0x3FDB];
	s0 =	simm.s32 @p2 $0x1  }
0x17: {  	s4 =	simm.s32 $0x1BF5;
	[smem:$0x3FBC] =	sst s0  }
0x18: {  	s0 =	sld [smem:$0x3F9F];
	_ =	swait.ge [sflag:s4], $0x0  }
0x19: {  	s7 =	sld [smem:$0x3FA0]  }
0x1a: {  	s8 =	sadd.s32 $0xFFFFE003, lr  }
0x1b: {  	s9 =	sadd.s32 $0xFFFFFEF7, lr;
	s5 =	simm.s32 $0xFFFFFFFF;
	p2 =	slt.u32 s8, $0xFFFFF086  }
0x1c: {  	p1 =	slt.u32 s9, $0xF7A;
	s5 =	simm.s32 @!p2 $0x0  }
0x1d: {  	s5 =	simm.s32 @p1 $0x1;
	p0 =	seq.s32 s7, s2  }
0x1e: {  	s7 =	smul.u32 @!p0 $0xF7A, s2;
	p2 =	seq.s32 @!p0 s5, $0x0  }
0x1f: {  	s9 =	smul.u32 $0xF7A, s1;
	s8 =	simm.s32 @!p0 $0x1BF5;
	p2 =	por !p2, p0  }
0x20: {  	[sflag:s8] =	ssyncset.s32 @!p0 $0xFFFFF086;
	s6 =	sadd.s32 @!p0 s3, s7;
	s7 =	simm.s32 @!p0 $0x108  }
0x21: {  	s3 =	sadd.s32 s3, s9;
	s6 =	sadd.s32 @!p0 $0x88, s6;
	s7 =	simm.s32 @p2 $0x1082  }
0x22: {  	[simem:s7], [sflag:s8] =	dma.local @!p0 [hbm:s6], $0xF7A  }
0x23: {  	s9 =	sor.u32 $0xD0000000, s2;
	s6 =	simm.s32 $0x108;
	_ =	swait.ge @!p0 [sflag:s8], $0x0  }
0x24: {  	s3 =	sadd.s32 $0x88, s3;
	s6 =	simm.s32 @!p1 $0x1082;
	[sflag:s4] =	ssyncset.s32 $0xFFFFF086  }
0x25: {  	[simem:s6], [sflag:s4] =	dma.local [hbm:s3], $0xF7A  }
0x26: {  	[smem:$0x3FA0] =	sst s1;
	(tag) =	ssettag s2;
	_ =	strace s9  }
0x27: {  	s1 =	sld [smem:$0x3FB0]  }
0x28: {  	s2 =	sld [smem:$0x3FB1]  }
0x29: {  	s4 =	sld [smem:$0x3FB3]  }
0x2a: {  	p0 =	seq.s32 s5, $0x0;
	s5 =	sld [smem:$0x3FB4]  }
0x2b: {  	s6 =	sld [smem:$0x3FB5]  }
0x2c: {  	s7 =	sld [smem:$0x3FB6]  }
0x2d: {  	s3 =	simm.s32 $0x108;
	s8 =	sld [smem:$0x3FB7]  }
0x2e: {  	s3 =	simm.s32 @!p0 $0x1082;
	s9 =	sld [smem:$0x3FB8]  }
0x2f: {  	lr =	sadd.s32 s0, s3;
	s0 =	sld [smem:$0x3FAF]  }
0x30: {  	s3 =	sld [smem:$0x3FB2]  }
0x31: {  	[smem:$0x3FBB] =	sst s10  }
0x32: {  	s10 =	sld [smem:$0x3FB9];
	_ =	sdelay $0x3  }
0x33: {  	p0 =	seq.s32 s10, $0x1;
	s10 =	sld [smem:$0x3FBB];
	_ =	sdelay $0x3  }
0x34: {  	[smem:$0x3FBB] =	sst s10  }
0x35: {  	s10 =	sld [smem:$0x3FBA];
	_ =	sdelay $0x3  }
0x36: {  	p1 =	seq.s32 s10, $0x1;
	s10 =	sld [smem:$0x3FBB];
	_ =	sdelay $0x3  }
0x37: {  	[smem:$0x3FBB] =	sst s10  }
0x38: {  	s10 =	sld [smem:$0x3FBC]  }
0x39: {  	_ = 	snop;
	(pc) =	sbr.ind lr, $3  }
0x3a: {  	_ = 	snop  }
0x3b: {  	_ = 	snop  }
0x3c: {  	p2 =	seq.s32 s10, $0x1;
	s10 =	sld [smem:$0x3FBB]  }
0x3d: {  	_ =	shalt  }
0x3e: {  	_ =	shalt  }
0x3f: {  	_ =	shalt  }
0x40: {  	_ =	shalt  }
0x41: {  	_ =	shalt  }
0x42: {  	_ =	shalt  }
0x43: {  	_ =	shalt  }
0x44: {  	_ =	shalt  }
0x45: {  	_ =	shalt  }
0x46: {  	_ =	shalt  }
0x47: {  	_ =	shalt  }
0x48: {  	_ =	shalt  }
0x49: {  	_ =	shalt  }
0x4a: {  	_ =	shalt  }
0x4b: {  	_ =	shalt  }
0x4c: {  	_ =	shalt  }
0x4d: {  	_ =	shalt  }
0x4e: {  	_ =	shalt  }
0x4f: {  	_ =	shalt  }
0x50: {  	_ =	shalt  }
0x51: {  	_ =	shalt  }
0x52: {  	_ =	shalt  }
0x53: {  	_ =	shalt  }
0x54: {  	_ =	shalt  }
0x55: {  	_ =	shalt  }
0x56: {  	_ =	shalt  }
0x57: {  	_ =	shalt  }
0x58: {  	_ =	shalt  }
0x59: {  	_ =	shalt  }
0x5a: {  	_ =	shalt  }
0x5b: {  	_ =	shalt  }
0x5c: {  	_ =	shalt  }
0x5d: {  	_ =	shalt  }
0x5e: {  	_ =	shalt  }
0x5f: {  	_ =	shalt  }
0x60: {  	_ =	shalt  }
0x61: {  	_ =	shalt  }
0x62: {  	_ =	shalt  }
0x63: {  	_ =	shalt  }
0x64: {  	_ =	shalt  }
0x65: {  	_ =	shalt  }
0x66: {  	_ =	shalt  }
0x67: {  	_ =	shalt  }
0x68: {  	_ =	shalt  }
0x69: {  	_ =	shalt  }
0x6a: {  	_ =	shalt  }
0x6b: {  	_ =	shalt  }
0x6c: {  	_ =	shalt  }
0x6d: {  	_ =	shalt  }
0x6e: {  	_ =	shalt  }
0x6f: {  	_ =	shalt  }
0x70: {  	_ =	shalt  }
0x71: {  	_ =	shalt  }
0x72: {  	_ =	shalt  }
0x73: {  	_ =	shalt  }
0x74: {  	_ =	shalt  }
0x75: {  	_ =	shalt  }
0x76: {  	_ =	shalt  }
0x77: {  	_ =	shalt  }
0x78: {  	_ =	shalt  }
0x79: {  	_ =	shalt  }
0x7a: {  	_ =	shalt  }
0x7b: {  	_ =	shalt  }
0x7c: {  	_ =	shalt  }
0x7d: {  	_ =	shalt  }
0x7e: {  	_ =	shalt  }
0x7f: {  	_ =	shalt  }
0x80: {  	_ =	shalt  }
0x81: {  	_ =	shalt  }
0x82: {  	_ =	shalt  }
0x83: {  	_ =	shalt  }
0x84: {  	_ =	shalt  }
0x85: {  	_ =	shalt  }
0x86: {  	_ =	shalt  }
0x87: {  	_ =	shalt  }
.Lfunc_end0:
.L_simem_size_0:
called_computation_lowered:
.L_overlay_start_0:
0x88: {  	s2 =	sld [smem:$0x3FD9]  }
0x89: {  	s3 =	sld [smem:$0x3FFE];
	_ =	sdelay $0x1  }
0x8a: {  	s1 =	srdreg.scid  }
0x8b: {  	s0 =	sand.u32 $0x1, s1  }
0x8c: {  	s18 =	sshll.u32 s0, $0xA;
	s2 =	sadd.s32 s3, s2  }
0x8d: {  	s2 =	sadd.s32 s2, s18  }
0x8e: {  	[smem:$0x3FC7] =	sst s2  }
0x8f: {  	_ = 	snop  }
0x90: {  	s2 =	sld [smem:$0x3FC9]  }
0x91: {  	s19 =	sld [smem:$0x3FD0];
	(tm) =	ssettm $0x1  }
0x92: {  	s4 =	sld [smem:$0x3FFB];
	_ =	sdelay $0x3  }
0x93: {  	_ =	strace s4  }
0x94: {  	s4 =	sld [smem:$0x3FFC];
	_ =	sdelay $0x3  }
0x95: {  	_ =	strace s4  }
0x96: {  	s4 =	sld [smem:$0x3FFD];
	_ =	sdelay $0x3  }
0x97: {  	_ =	strace s4  }
0x98: {  	_ =	strace $0x8FFFFFFF  }
0x99: {  	s20 =	sld [smem:$0x3FDB];
	_ =	sdelay $0x1  }
0x9a: {  	s5 =	simm.s32 $_scs_section_size  }
0x9b: {  	s6 =	simm.s32 $_size__tile_overlayer_lowered;
	s7 =	simm.s32 $_tile_overlayer_lowered  }
0x9c: {  	s23 =	simm.s32 $0x1BFF;
	s22 =	sshll.u32 s7, $0x1;
	s4 =	sadd.s32 s5, s20  }
0x9d: {  	s8 =	simm.s32 $0x0;
	s21 =	sshll.u32 s6, $0x1;
	s6 =	sadd.s32 s22, s4  }
0x9e: {  	[timem:s8], [sflag:s23] =	dma.local [hbm:s6], s21  }
0x9f: {  	_ =	swait.ge [sflag:s23], s21  }
0xa0: {  	s5 =	ssub.s32 $0x0, s21;
	[sflag:s23] =	ssyncset.done $0x0  }
0xa1: {  	[sflag:s23] =	ssyncadd.s32 s5;
	_ =	sdelay $0x1  }
0xa2: {  	s24 =	simm.s32 $0x1B8B  }
0xa3: {  	_ =	swait.ge [sflag:s24], $0x1  }
0xa4: {  	[sflag:s24] =	ssyncset.done $0x0  }
0xa5: {  	s25 =	simm.s32 $0x1B8E;
	[sflag:s24] =	ssyncadd.s32 $0xFFFFFFFF  }
0xa6: {  	s26 =	simm.s32 $execute0_lowered;
	[smem:$0x3FD2] =	sst s25  }
0xa7: {  	s5 =	sshll.u32 s26, $0x1;
	_ =	strace $0x80000046;
	[dreg:$0x1] =	wrdreg $0xFFFFFFFF  }
0xa8: {  	s28 =	simm.s32 $_size_execute0_lowered;
	s4 =	sadd.s32 s4, s5;
	[dreg:$0x0] =	wrdreg $0x0  }
0xa9: {  	s5 =	sshll.u32 s28, $0x1;
	[dreg:$0x2] =	wrdreg s4  }
0xaa: {  	[dreg:$0x3] =	wrdreg s5  }
0xab: {  	[dreg:$0x4] =	wrdreg $0xC0  }
0xac: {  	_ =	task [dreg:s8], $0x5FFFF  }
0xad: {  	[dreg:$0x1] =	wrdreg $0xFFFFFFFF  }
0xae: {  	[dreg:$0x0] =	wrdreg $0x60  }
0xaf: {  	[dreg:$0x2] =	wrdreg s2  }
0xb0: {  	[dreg:$0x3] =	wrdreg s19  }
0xb1: {  	[dreg:$0x4] =	wrdreg $0x9  }
0xb2: {  	_ =	task.clear_ibuf [dreg:s8], $0x5FFFF;
	_ =	strace $0x90000046  }
0xb3: {  	s29 =	simm.s32 $0x9;
	_ =	strace $0x80000048  }
0xb4: {  	_ =	swait.ge [sflag:s29], $0x1  }
0xb5: {  	[sflag:s29] =	ssyncadd.s32 $0xFFFFFFFF  }
0xb6: {  	_ =	strace $0x90000048  }
0xb7: {  	_ =	sfence  }
0xb8: {  	s30 =	sld [smem:$0x0];
	_ =	sdelay $0x2  }
0xb9: {  	s31 =	sshll.u32 s1, $0xD;
	s1 =	sshrl.u32 s1, $0x2  }
0xba: {  	s3 =	sand.u32 $0x4000, s31;
	s1 =	sadd.s32 s1, s30  }
0xbb: {  	s0 =	sor.u32 s3, s0;
	s1 =	sshll.u32 s1, $0x11  }
0xbc: {  	s0 =	sor.u32 s1, s0  }
0xbd: {  	s0 =	sadd.s32 $0x8F2B, s0  }
0xbe: {  	[sflag:s0] =	ssyncadd.remote.s32 $0x1  }
0xbf: {  	_ =	sfence.sel $0xFFFF  }
0xc0: {  	[dreg:$0x0] =	wrdreg $0xFFFFFFFF;
	(pc) =	sbr.abs _section_cstart, $3  }
0xc1: {  	[dreg:$0x1] =	wrdreg $0xFFFFFFFF  }
0xc2: {  	_ =	task.clear_ibuf [dreg:s8], $0x2FFFF;
	_ =	strace $0x9FFFFFFF  }
0xc3: {  	(tm) =	ssettm $0x7FFFFFFF  }
tec
execute0_lowered:
.L_overlay_start_1:
0x0: {  	(tag) =	ssettag $0x1  }
0x1: {  	s5 =	rddreg [dreg:$0x0]  }
0x2: {  	s6 =	rddreg [dreg:$0x1]  }
0x3: {  	s3 =	srdreg.scid;
	s2 =	simm.s32 $0x0;
	s0 =	stileid.u32  }
0x4: {  	s10 =	simm.s32 $0x1;
	s11 =	simm.s32 $0x10000;
	s12 =	simm.s32 $0x8000  }
0x5: {  	s13 =	simm.s32 $0x0;
	s3 =	sand.u32 $0x1, s3;
	[smem:$0x7FF] =	sst s2  }
0x6: {  	s7 =	sshll.u32 s0, $0x6;
	s8 =	sshll.u32 s0, $0xE;
	s4 =	ssub.s32 $0x2, s3  }
0x7: {  	s3 =	sshll.u32 s3, $0x5;
	s7 =	sand.u32 $0x40, s7;
	s8 =	sand.u32 $0x38000, s8  }
.Ltmp0:
0x8: {  	s9 =	sshrl.u32 s4, $0x1;
	s3 =	sor.u32 s3, s7;
	(pc) =	sbr.rel .LBB2_1-.Ltmp0, $4  }
0x9: {  	_ =	strace $0x80000047;
	s30 =	ssub.s32 s4, s9;
	s8 =	sor.u32 s8, s3  }
0xa: {  	v0 =	vlaneseq.u32;
	s9 =	simm.s32 $0x400;
	s31 =	sadd.s32 s5, s8;
	s4 =	sadd.s32 s6, s8  }
0xb: {  	v1 =	vimm.s32 $0x0;
	v3 =	vimm.s32 $0x1;
	v2 =	vand.u32 $0x7, v0;
	s8 =	sor.u32 $0x10, s8;
	s7 =	smax.u32 s30, $0x1;
	[dreg:$0x3] =	wrdreg s31  }
0xc: {  	v4 =	vimm.f32 $0.0e+00;
	vm0 =	vmxor vm0, vm0;
	v2 =	vmul.u32 $0x800, v2;
	s5 =	sadd.s32 s5, s8;
	s6 =	sadd.s32 s6, s8;
	s8 =	simm.s32 $0x80  }
.LBB2_61:
0xd: {  	s13 =	sadd.s32 $0x1, s13  }
0xe: {  	p0 =	sne.s32 s13, s7  }
.Ltmp1:
0xf: {  	_ = 	snop;
	(pc) =	sbr.rel @!p0 .LBB2_62-.Ltmp1, $4  }
0x10: {  	[hbm4b:s6+s8] =	stream.strided.scatter [tilespmem:s12], [sflag:$0x1], $0x8000, s9, s8, $0x38;
	[tilespmem:$0x1C000] =	vst v63  }
0x11: {  	_ =	swait.ge [sflag:s10], $0x8000  }
0x12: {  	[sflag:s10] =	ssyncset.done $0x0  }
0x13: {  	[sflag:s10] =	ssyncadd.s32 $0xFFFF8000  }
.LBB2_1:
0x14: {  	s14 =	simm.s32 $0x40;
	s15 =	simm.s32 $0x0  }
.LBB2_2:
0x15: {  	p0 =	sne.s32 s14, $0xFFC0;
	[tilespmem:s15+$0x18000] =	vst v1;
	s15 =	smov.u32 s14;
	s14 =	sadd.s32 $0x40, s14  }
.Ltmp2:
0x16: {  	(pc) =	sbr.rel @p0 .LBB2_2-.Ltmp2, $2  }
0x17: {  	_ =	sdelay $0x2  }
0x18: {  	s15 =	sshra.s32 s15, $0x2  }
0x19: {  	[tilespmem:s15+$0x18000] =	vst v1;
	s15 =	simm.s32 $0x0;
	s0 =	rddreg [dreg:$0x3]  }
0x1a: {  	[tilespmem:s15], [sflag:$0x1] =	stream.strided.gather [hbm4b:s0+s8], $0x8000, s9, s8, $0x38;
	[tilespmem:$0x1C000] =	vst v63  }
0x1b: {  	_ =	swait.ge [sflag:s10], $0x8000  }
0x1c: {  	[sflag:s10] =	ssyncset.done $0x0  }
0x1d: {  	s16 =	simm.s32 $0x0;
	[sflag:s10] =	ssyncadd.s32 $0xFFFF8000  }
.LBB2_4:
0x1e: {  	s17 =	sshra.s32 s16, $0x2  }
0x1f: {  	v5 =	vld [tilespmem:s17+$0x0];
	_ =	sdelay $0x4  }
0x20: {  	v6 =	vshra.s32 v5, $0x1F  }
0x21: {  	v6 =	vor.u32 $0x80000000, v6  }
0x22: {  	v5 =	vxor.u32 v5, v6  }
0x23: {  	v5 =	vshrl.u32 v5, $0x15  }
0x24: {  	v6 =	vand.u32 $0x780, v5  }
0x25: {  	v5 =	vand.u32 $0x7F, v5;
	v6 =	vor.u32 v2, v6  }
0x26: {  	v5 =	vor.u32 v5, v6;
	_ =	sdelay $0x3  }
0x27: {  	s14 =	simm.s32 $0x18000  }
0x28: {  	[tilespmem:v5+s14+$0x0] =	vst.idx.add.s32.msk $0xffff, v3  }
0x29: {  	v5 =	vld [tilespmem:s17+$0x10];
	_ =	sdelay $0x4  }
0x2a: {  	v6 =	vshra.s32 v5, $0x1F  }
0x2b: {  	v6 =	vor.u32 $0x80000000, v6  }
0x2c: {  	v5 =	vxor.u32 v5, v6  }
0x2d: {  	v5 =	vshrl.u32 v5, $0x15  }
0x2e: {  	v6 =	vand.u32 $0x780, v5  }
0x2f: {  	v5 =	vand.u32 $0x7F, v5;
	v6 =	vor.u32 v2, v6  }
0x30: {  	v5 =	vor.u32 v5, v6;
	_ =	sdelay $0x3  }
0x31: {  	[tilespmem:s17+$0x8000] =	vst v4  }
0x32: {  	[tilespmem:v5+s14+$0x0] =	vst.idx.add.s32.msk $0xffff, v3  }
0x33: {  	v5 =	vld [tilespmem:s17+$0x20];
	_ =	sdelay $0x4  }
0x34: {  	v6 =	vshra.s32 v5, $0x1F  }
0x35: {  	v6 =	vor.u32 $0x80000000, v6  }
0x36: {  	v5 =	vxor.u32 v5, v6  }
0x37: {  	v5 =	vshrl.u32 v5, $0x15  }
0x38: {  	v6 =	vand.u32 $0x780, v5  }
0x39: {  	v5 =	vand.u32 $0x7F, v5;
	v6 =	vor.u32 v2, v6  }
0x3a: {  	v5 =	vor.u32 v5, v6;
	_ =	sdelay $0x3  }
0x3b: {  	[tilespmem:s17+$0x8010] =	vst v4  }
0x3c: {  	[tilespmem:v5+s14+$0x0] =	vst.idx.add.s32.msk $0xffff, v3  }
0x3d: {  	v5 =	vld [tilespmem:s17+$0x30];
	_ =	sdelay $0x4  }
0x3e: {  	v6 =	vshra.s32 v5, $0x1F  }
0x3f: {  	v6 =	vor.u32 $0x80000000, v6  }
0x40: {  	v5 =	vxor.u32 v5, v6  }
0x41: {  	v5 =	vshrl.u32 v5, $0x15  }
0x42: {  	v6 =	vand.u32 $0x780, v5  }
0x43: {  	v5 =	vand.u32 $0x7F, v5;
	v6 =	vor.u32 v2, v6  }
0x44: {  	v5 =	vor.u32 v5, v6;
	_ =	sdelay $0x3  }
0x45: {  	[tilespmem:s17+$0x8020] =	vst v4  }
0x46: {  	[tilespmem:v5+s14+$0x0] =	vst.idx.add.s32.msk $0xffff, v3  }
0x47: {  	v5 =	vld [tilespmem:s17+$0x40];
	_ =	sdelay $0x4  }
0x48: {  	v6 =	vshra.s32 v5, $0x1F  }
0x49: {  	v6 =	vor.u32 $0x80000000, v6  }
0x4a: {  	v5 =	vxor.u32 v5, v6  }
0x4b: {  	v5 =	vshrl.u32 v5, $0x15  }
0x4c: {  	v6 =	vand.u32 $0x780, v5  }
0x4d: {  	v5 =	vand.u32 $0x7F, v5;
	v6 =	vor.u32 v2, v6  }
0x4e: {  	v5 =	vor.u32 v5, v6;
	_ =	sdelay $0x3  }
0x4f: {  	[tilespmem:s17+$0x8030] =	vst v4  }
0x50: {  	[tilespmem:v5+s14+$0x0] =	vst.idx.add.s32.msk $0xffff, v3  }
0x51: {  	v5 =	vld [tilespmem:s17+$0x50];
	_ =	sdelay $0x4  }
0x52: {  	v6 =	vshra.s32 v5, $0x1F  }
0x53: {  	v6 =	vor.u32 $0x80000000, v6  }
0x54: {  	v5 =	vxor.u32 v5, v6  }
0x55: {  	v5 =	vshrl.u32 v5, $0x15  }
0x56: {  	v6 =	vand.u32 $0x780, v5  }
0x57: {  	v5 =	vand.u32 $0x7F, v5;
	v6 =	vor.u32 v2, v6  }
0x58: {  	v5 =	vor.u32 v5, v6;
	_ =	sdelay $0x3  }
0x59: {  	[tilespmem:s17+$0x8040] =	vst v4  }
0x5a: {  	[tilespmem:v5+s14+$0x0] =	vst.idx.add.s32.msk $0xffff, v3  }
0x5b: {  	v5 =	vld [tilespmem:s17+$0x60];
	_ =	sdelay $0x4  }
0x5c: {  	v6 =	vshra.s32 v5, $0x1F  }
0x5d: {  	v6 =	vor.u32 $0x80000000, v6  }
0x5e: {  	v5 =	vxor.u32 v5, v6  }
0x5f: {  	v5 =	vshrl.u32 v5, $0x15  }
0x60: {  	v6 =	vand.u32 $0x780, v5  }
0x61: {  	v5 =	vand.u32 $0x7F, v5;
	v6 =	vor.u32 v2, v6  }
0x62: {  	v5 =	vor.u32 v5, v6;
	_ =	sdelay $0x3  }
0x63: {  	[tilespmem:s17+$0x8050] =	vst v4  }
0x64: {  	[tilespmem:v5+s14+$0x0] =	vst.idx.add.s32.msk $0xffff, v3  }
0x65: {  	v5 =	vld [tilespmem:s17+$0x70];
	_ =	sdelay $0x4  }
0x66: {  	v6 =	vshra.s32 v5, $0x1F  }
0x67: {  	v6 =	vor.u32 $0x80000000, v6  }
0x68: {  	v5 =	vxor.u32 v5, v6  }
0x69: {  	v5 =	vshrl.u32 v5, $0x15  }
0x6a: {  	v6 =	vand.u32 $0x780, v5  }
0x6b: {  	v5 =	vand.u32 $0x7F, v5;
	v6 =	vor.u32 v2, v6  }
0x6c: {  	v5 =	vor.u32 v5, v6  }
0x6d: {  	p0 =	sne.s32 s16, $0x1FE00  }
.Ltmp3:
0x6e: {  	_ = 	snop;
	(pc) =	sbr.rel @p0 .LBB2_4-.Ltmp3, $4  }
0x6f: {  	_ = 	snop  }
0x70: {  	[tilespmem:s17+$0x8060] =	vst v4  }
0x71: {  	[tilespmem:v5+s14+$0x0] =	vst.idx.add.s32.msk $0xffff, v3  }
0x72: {  	s16 =	sadd.s32 $0x200, s16;
	[tilespmem:s17+$0x8070] =	vst v4  }
0x73: {  	s16 =	sand.u32 $0x7F0, s15  }
0x74: {  	s15 =	sadd.s32 $0x10, s15;
	v5 =	vld [tilespmem:s16+$0x18800]  }
.LBB2_6:
0x75: {  	p0 =	sne.s32 s15, $0x7F0;
	v6 =	vld [tilespmem:s14+$0x0]  }
0x76: {  	v7 =	vld [tilespmem:s16+$0x19000]  }
0x77: {  	v8 =	vld [tilespmem:s16+$0x19800]  }
0x78: {  	v9 =	vld [tilespmem:s16+$0x1A000]  }
0x79: {  	v10 =	vld [tilespmem:s16+$0x1A800]  }
0x7a: {  	v5 =	vadd.s32 v6, v5;
	v6 =	vld [tilespmem:s16+$0x1B000]  }
0x7b: {  	v5 =	vadd.s32 v7, v5;
	v7 =	vld [tilespmem:s16+$0x1B800]  }
0x7c: {  	v5 =	vadd.s32 v8, v5  }
0x7d: {  	v5 =	vadd.s32 v9, v5  }
.Ltmp4:
0x7e: {  	v5 =	vadd.s32 v10, v5;
	(pc) =	sbr.rel @p0 .LBB2_6-.Ltmp4, $4  }
0x7f: {  	v5 =	vadd.s32 v6, v5  }
0x80: {  	v5 =	vadd.s32 v7, v5  }
0x81: {  	s16 =	sand.u32 $0x7F0, s15;
	[tilespmem:s14+$0x0] =	vst v5  }
0x82: {  	s15 =	sadd.s32 $0x10, s15;
	s14 =	sadd.s32 $0x10, s14;
	v5 =	vld [tilespmem:s16+$0x18800]  }
0x83: {  	v6 =	vld [tilespmem:s14+$0x0]  }
0x84: {  	v7 =	vld [tilespmem:s16+$0x19000]  }
0x85: {  	v8 =	vld [tilespmem:s16+$0x19800]  }
0x86: {  	v9 =	vld [tilespmem:s16+$0x1A000]  }
0x87: {  	v10 =	vld [tilespmem:s16+$0x1A800]  }
0x88: {  	v5 =	vadd.s32 v6, v5;
	v6 =	vld [tilespmem:s16+$0x1B000]  }
0x89: {  	v5 =	vadd.s32 v7, v5;
	v7 =	vld [tilespmem:s16+$0x1B800]  }
0x8a: {  	v5 =	vadd.s32 v8, v5  }
0x8b: {  	v5 =	vadd.s32 v9, v5  }
0x8c: {  	v5 =	vadd.s32 v10, v5  }
0x8d: {  	v5 =	vadd.s32 v6, v5  }
0x8e: {  	v5 =	vadd.s32 v7, v5  }
0x8f: {  	s21 =	simm.s32 $0x187F0;
	[tilespmem:s14+$0x0] =	vst v5  }
0x90: {  	v5 =	vld [tilespmem:s21+$0x0];
	_ =	sdelay $0x2  }
0x91: {  	s22 =	simm.s32 $0x187E0  }
0x92: {  	v7 =	vld [tilespmem:s22+$0x0]  }
0x93: {  	(xrf0) =	vadd.scan.msk.s32 $0xffff, v5;
	_ =	sdelay $0x1  }
0x94: {  	s23 =	simm.s32 $0x187D0  }
0x95: {  	v8 =	vld [tilespmem:s23+$0x0]  }
0x96: {  	(xrf0) =	vadd.scan.msk.s32 $0xffff, v7;
	_ =	sdelay $0x1  }
0x97: {  	v6, _, _ =	vpop (xrf0)  }
0x98: {  	(v2sf) =	vpush v6, $0xF  }
0x99: {  	(xrf0) =	vadd.scan.msk.s32 $0xffff, v8;
	_ =	sdelay $0x1  }
0x9a: {  	v9, _, _ =	vpop (xrf0)  }
0x9b: {  	(v2sf) =	vpush v9, $0xF;
	_ =	sdelay $0x2  }
0x9c: {  	v10, _, _ =	vpop (xrf0)  }
0x9d: {  	(v2sf) =	vpush v10, $0xF;
	_ =	sdelay $0x1  }
0x9e: {  	s15 =	simm.s32 $0x187C0  }
0x9f: {  	v11 =	vld [tilespmem:s15+$0x0];
	_ =	sdelay $0x1  }
0xa0: {  	s14 =	simm.s32 $0x0  }
0xa1: {  	v5 =	vadd.s32 s14, v5;
	v12 =	vbroadcast v6, $0xF  }
0xa2: {  	v5 =	vsub.s32 v5, v6;
	s25 =	spop (v2sf)  }
0xa3: {  	s24 =	simm.s32 $0x187B0;
	(xrf0) =	vadd.scan.msk.s32 $0xffff, v11;
	v5 =	vadd.s32 v12, v5;
	s26 =	sadd.s32 $0x0, s25  }
0xa4: {  	v6 =	vld [tilespmem:s24+$0x0];
	vm1 =	vgt.s32 v5, $0x7F;
	v7 =	vadd.s32 s26, v7  }
0xa5: {  	s29 =	simm.s32 $0x187A0;
	v13 =	vbroadcast v9, $0xF;
	v7 =	vsub.s32 v7, v9;
	v9 =	vsel vm1, $0x1, v1  }
0xa6: {  	v5 =	vld [tilespmem:s29+$0x0];
	s17 =	spop (v2sf);
	(xrf0) =	vadd.scan.msk.s32 $0xffff, v9  }
0xa7: {  	s30 =	sadd.s32 s26, s17;
	v7 =	vadd.s32 v13, v7  }
0xa8: {  	v8 =	vadd.s32 s30, v8;
	vm1 =	vgt.s32 v7, $0x7F  }
0xa9: {  	v7 =	vsub.s32 v8, v10;
	(xrf0) =	vadd.scan.msk.s32 $0xffff, v6;
	v8 =	vsel vm1, $0x1, v1;
	v9, _, _ =	vpop (xrf0)  }
0xaa: {  	s31 =	spop (v2sf);
	(xrf0) =	vadd.scan.msk.s32 $0xffff, v8;
	(v2sf) =	vpush v9, $0xF  }
0xab: {  	(xrf0) =	vadd.scan.msk.s32 $0xffff, v5  }
0xac: {  	v12 =	vbroadcast v10, $0xF;
	s25 =	sadd.s32 s30, s31;
	v10, _, _ =	vpop (xrf0)  }
0xad: {  	p0 =	por $0x1, $0x1;
	p1 =	sgt.s32 s26, $0x7F;
	v11 =	vadd.s32 s25, v11;
	(v2sf) =	vpush v10, $0xF  }
0xae: {  	p0 =	por !p0, !p1;
	v7 =	vadd.s32 v12, v7;
	v12 =	vbroadcast v9, $0xF;
	v9 =	vsub.s32 v11, v9  }
0xaf: {  	s15 =	simm.s32 $0x0;
	p0 =	por !p0, !p0;
	v8, _, _ =	vpop (xrf0)  }
0xb0: {  	s15 =	simm.s32 @p0 $0x1;
	vm1 =	vgt.s32 v7, $0x7F;
	(v2sf) =	vpush v8, $0xF;
	v11, _, _ =	vpop (xrf0)  }
0xb1: {  	s20 =	simm.s32 $0x7AF;
	p2 =	sgt.s32 s30, $0x7F;
	p4 =	seq.s32 s15, $0x0;
	v7 =	vsel vm1, $0x1, v1;
	v12 =	vadd.s32 v12, v9;
	(v2sf) =	vpush v11, $0xF;
	v9, _, _ =	vpop (xrf0)  }
0xb2: {  	s19 =	simm.s32 $0x79F;
	s26 =	simm.s32 $0x18790;
	p1 =	por !p4, !p2;
	(xrf0) =	vadd.scan.msk.s32 $0xffff, v7;
	(v2sf) =	vpush v9, $0xF  }
0xb3: {  	s18 =	simm.s32 $0x76F;
	s28 =	simm.s32 $0x75F;
	p3 =	por !p1, !p1;
	v7 =	vld [tilespmem:s26+$0x0]  }
0xb4: {  	s16 =	simm.s32 $0x78F;
	s23 =	simm.s32 $0x7DF;
	s15 =	simm.s32 @p3 $0x1  }
0xb5: {  	s21 =	simm.s32 $0x7CF;
	p6 =	sgt.s32 s25, $0x7F;
	p5 =	seq.s32 s15, $0x0  }
0xb6: {  	s22 =	simm.s32 $0x7BF;
	s24 =	simm.s32 $0x7EF;
	p2 =	por !p5, !p6  }
0xb7: {  	s17 =	simm.s32 $0x77F;
	p0 =	por p0, p0;
	vm1 =	vgt.s32 v12, $0x7F;
	p2 =	por !p2, !p2  }
0xb8: {  	p1 =	por p0, p0;
	p0 =	por p3, p3;
	v13 =	vsel vm1, $0x1, v1;
	v10 =	vbroadcast v8, $0xF;
	s15 =	simm.s32 @p2 $0x1;
	(xrf0) =	vadd.scan.msk.s32 $0xffff, v7;
	v11 =	vbroadcast v9, $0xF;
	v12, _, _ =	vpop (xrf0)  }
.LBB2_8:
0xb9: {  	p3 =	sne.s32 s28, $0xFFFFFFFF;
	s26 =	sadd.s32 $0xFFFFFFF0, s26;
	s29 =	spop (v2sf)  }
0xba: {  	s30 =	smov.u32 s17;
	s17 =	smov.u32 s18;
	s18 =	smov.u32 s28  }
0xbb: {  	(xrf0) =	vadd.scan.msk.s32 $0xffff, v13;
	p4 =	por p1, p1;
	p1 =	por p0, p0;
	p0 =	por p2, p2;
	(v2sf) =	vpush v12, $0xF;
	v12 =	vmov v7  }
0xbc: {  	p2 =	seq.s32 s15, $0x0;
	s25 =	sadd.s32 s25, s29;
	v7 =	vld [tilespmem:s26+$0x0];
	s29 =	spop (v2sf)  }
.Ltmp5:
0xbd: {  	v14 =	vadd.s32 s25, v6;
	p5 =	sgt.s32 s25, $0x7F;
	s24 =	sadd.s32 s24, s29;
	(pc) =	sbr.rel @p3 .LBB2_8-.Ltmp5, $4  }
0xbe: {  	v6 =	vmovc v5;
	v5 =	vmov v12;
	v13 =	vsub.s32 v14, v8;
	p2 =	por !p2, !p5;
	v8 =	vmov v9;
	s14 =	smov.u32 @p4 s24;
	s24 =	smov.u32 s23  }
0xbf: {  	v14 =	vadd.s32 v10, v13;
	p2 =	por !p2, !p2;
	v10 =	vmov v11;
	s23 =	smov.u32 s21;
	s21 =	smov.u32 s22  }
0xc0: {  	s22 =	smov.u32 s20;
	s20 =	smov.u32 s19;
	vm1 =	vgt.s32 v14, $0x7F;
	s15 =	simm.s32 @p2 $0x1;
	v9, _, _ =	vpop (xrf0)  }
0xc1: {  	s28 =	sadd.s32 $0xFFFFFFF0, s28;
	s19 =	smov.u32 s16;
	s16 =	smov.u32 s30;
	v13 =	vsel vm1, $0x1, v1;
	(xrf0) =	vadd.scan.msk.s32 $0xffff, v7;
	v11 =	vbroadcast v9, $0xF;
	(v2sf) =	vpush v9, $0xF;
	v12, _, _ =	vpop (xrf0)  }
0xc2: {  	s26 =	sadd.s32 $0xFFFFFFF0, s26  }
0xc3: {  	v14 =	vld [tilespmem:s26+$0x0];
	_ =	sdelay $0x3  }
0xc4: {  	(xrf0) =	vadd.scan.msk.s32 $0xffff, v13  }
0xc5: {  	(xrf0) =	vadd.scan.msk.s32 $0xffff, v14;
	_ =	sdelay $0x3  }
0xc6: {  	(v2sf) =	vpush v12, $0xF;
	v59, _, _ =	vpop (xrf0)  }
0xc7: {  	(v2sf) =	vpush v59, $0xF;
	v13, _, _ =	vpop (xrf0)  }
0xc8: {  	(v2sf) =	vpush v13, $0xF;
	v60, _, _ =	vpop (xrf0)  }
0xc9: {  	s28 =	spop (v2sf);
	(v2sf) =	vpush v60, $0xF  }
0xca: {  	s29 =	sadd.s32 s25, s28  }
0xcb: {  	v6 =	vadd.s32 s29, v6  }
0xcc: {  	v6 =	vsub.s32 v6, v8  }
0xcd: {  	s31 =	sadd.s32 $0xFFFFFFF0, s26;
	v6 =	vadd.s32 v10, v6  }
0xce: {  	vm1 =	vgt.s32 v6, $0x7F;
	v6 =	vld [tilespmem:s31+$0x0]  }
0xcf: {  	s30 =	spop (v2sf);
	v8 =	vsel vm1, $0x1, v1  }
0xd0: {  	s0 =	spop (v2sf);
	(xrf0) =	vadd.scan.msk.s32 $0xffff, v8  }
0xd1: {  	s0 =	sadd.s32 s29, s0  }
0xd2: {  	v5 =	vadd.s32 s0, v5;
	s31 =	spop (v2sf)  }
0xd3: {  	v5 =	vsub.s32 v5, v9;
	(xrf0) =	vadd.scan.msk.s32 $0xffff, v6;
	s1 =	spop (v2sf)  }
0xd4: {  	v5 =	vadd.s32 v11, v5;
	s1 =	sadd.s32 s0, s1  }
0xd5: {  	v8 =	vbroadcast v59, $0xF;
	vm1 =	vgt.s32 v5, $0x7F;
	s28 =	spop (v2sf);
	v7 =	vadd.s32 s1, v7  }
0xd6: {  	v61, _, _ =	vpop (xrf0);
	v5 =	vsub.s32 v7, v59;
	v7 =	vsel vm1, $0x1, v1;
	s3 =	spop (v2sf)  }
0xd7: {  	(v2sf) =	vpush v61, $0xF;
	v5 =	vadd.s32 v8, v5;
	s26 =	spop (v2sf);
	s3 =	sadd.s32 s1, s3  }
0xd8: {  	v8 =	vbroadcast v60, $0xF;
	vm1 =	vgt.s32 v5, $0x7F;
	v5 =	vadd.s32 s3, v14;
	s25 =	spop (v2sf)  }
0xd9: {  	(xrf0) =	vadd.scan.msk.s32 $0xffff, v7;
	v7, _, _ =	vpop (xrf0);
	v5 =	vsub.s32 v5, v60;
	s25 =	sadd.s32 s3, s25  }
0xda: {  	v62 =	vbroadcast v7, $0xF;
	v5 =	vadd.s32 v8, v5;
	v6 =	vadd.s32 s25, v6  }
0xdb: {  	p4 =	seq.s32 s15, $0x0;
	p3 =	sgt.s32 s29, $0x7F;
	v63 =	vsel vm1, $0x1, v1;
	vm1 =	vgt.s32 v5, $0x7F;
	v6 =	vsub.s32 v6, v7  }
0xdc: {  	p3 =	por !p4, !p3;
	v5 =	vadd.s32 v62, v6;
	v6 =	vsel vm1, $0x1, v1  }
0xdd: {  	p3 =	por !p3, !p3;
	(xrf0) =	vadd.scan.msk.s32 $0xffff, v63;
	vm1 =	vgt.s32 v5, $0x7F  }
0xde: {  	s15 =	simm.s32 @p3 $0x1;
	(xrf0) =	vadd.scan.msk.s32 $0xffff, v6;
	v5 =	vsel vm1, $0x1, v1  }
0xdf: {  	p1 =	por p1, p1;
	p6 =	sgt.s32 s0, $0x7F;
	p5 =	seq.s32 s15, $0x0;
	(v2sf) =	vpush v7, $0xF;
	v6, _, _ =	vpop (xrf0);
	(xrf0) =	vadd.scan.msk.s32 $0xffff, v5  }
0xe0: {  	p0 =	por p0, p0;
	s24 =	sadd.s32 s24, s30;
	p6 =	por !p5, !p6  }
0xe1: {  	p4 =	por p0, p0;
	p3 =	por p3, p3;
	p0 =	por !p6, !p6  }
0xe2: {  	s14 =	smov.u32 @p1 s24;
	p3 =	por p3, p3;
	s15 =	simm.s32 @p0 $0x1;
	(v2sf) =	vpush v6, $0xF  }
0xe3: {  	p0 =	por p0, p0;
	p5 =	seq.s32 s15, $0x0;
	s0 =	sadd.s32 s23, s31;
	v5, _, _ =	vpop (xrf0)  }
0xe4: {  	s14 =	smov.u32 @p4 s0;
	p4 =	por p2, p2;
	p6 =	sgt.s32 s1, $0x7F;
	(v2sf) =	vpush v5, $0xF;
	v5, _, _ =	vpop (xrf0)  }
0xe5: {  	p0 =	por p0, p0;
	p1 =	por p4, p4;
	p2 =	por !p5, !p6;
	(v2sf) =	vpush v5, $0xF;
	v5, _, _ =	vpop (xrf0)  }
0xe6: {  	p4 =	por p1, p1;
	p1 =	por !p2, !p2;
	s24 =	spop (v2sf);
	(v2sf) =	vpush v5, $0xF  }
0xe7: {  	p3 =	por p3, p3;
	p0 =	por p0, p0;
	s15 =	simm.s32 @p1 $0x1  }
0xe8: {  	s0 =	sadd.s32 s21, s28;
	p5 =	seq.s32 s15, $0x0;
	p6 =	sgt.s32 s3, $0x7F  }
0xe9: {  	s14 =	smov.u32 @p4 s0;
	p1 =	por p1, p1;
	p2 =	por !p5, !p6  }
0xea: {  	p1 =	por p1, p1;
	s0 =	sadd.s32 s22, s26;
	p2 =	por !p2, !p2  }
0xeb: {  	p1 =	por p1, p1;
	s14 =	smov.u32 @p3 s0;
	s15 =	simm.s32 @p2 $0x1  }
0xec: {  	p2 =	por p2, p2;
	p5 =	seq.s32 s15, $0x0;
	p6 =	sgt.s32 s25, $0x7F  }
0xed: {  	p2 =	por p2, p2;
	s0 =	sadd.s32 s20, s24;
	p3 =	por !p5, !p6  }
0xee: {  	s14 =	smov.u32 @p0 s0;
	p0 =	por !p3, !p3;
	s26 =	spop (v2sf)  }
0xef: {  	p2 =	por p2, p2;
	s15 =	simm.s32 @p0 $0x1;
	s0 =	sadd.s32 s25, s26  }
0xf0: {  	p0 =	por p0, p0;
	p4 =	seq.s32 s15, $0x0;
	p5 =	sgt.s32 s0, $0x7F  }
0xf1: {  	p0 =	por p0, p0;
	p3 =	por !p4, !p5;
	s28 =	spop (v2sf)  }
0xf2: {  	p0 =	por p0, p0;
	p6 =	por !p3, !p3;
	s0 =	sadd.s32 s19, s28  }
0xf3: {  	s14 =	smov.u32 @p1 s0;
	s29 =	spop (v2sf);
	p1 =	por p6, p6  }
0xf4: {  	s0 =	sadd.s32 s16, s29;
	p1 =	por p1, p1;
	s30 =	spop (v2sf)  }
0xf5: {  	s14 =	smov.u32 @p2 s0;
	s0 =	sadd.s32 s17, s30;
	s31 =	spop (v2sf)  }
0xf6: {  	s14 =	smov.u32 @p0 s0;
	p0 =	por p1, p1;
	s0 =	sadd.s32 s18, s31  }
0xf7: {  	s14 =	smov.u32 @p0 s0  }
0xf8: {  	s0 =	sshll.u32 s14, $0x15  }
0xf9: {  	s0 =	sxor.u32 $0x80000000, s0  }
0xfa: {  	v6 =	vmov s0  }
0xfb: {  	v5 =	vshra.s32 v6, $0x1F  }
0xfc: {  	v5 =	vand.u32 $0x7FFFFFFF, v5  }
0xfd: {  	v7 =	vimm.s32 $0xFFFFFFFF;
	s15 =	simm.s32 $0x40;
	s14 =	simm.s32 $0x70;
	v5 =	vxor.u32 s0, v5  }
.LBB2_10:
0xfe: {  	v8 =	vld [tilespmem:s15+$0xFFFFFFC0];
	_ =	sdelay $0x4  }
0xff: {  	vm1 =	vge.f32 v8, v5  }
0x100: {  	v8 =	vsel vm1, $0x1, v1  }
0x101: {  	(xrf0) =	vadd.scan.msk.s32 $0xffff, v8;
	_ =	sdelay $0x5  }
0x102: {  	v8, _, _ =	vpop (xrf0)  }
0x103: {  	v8 =	vadd.s32 v7, v8;
	_ =	sdelay $0x2  }
0x104: {  	s0 =	sadd.s32 $0xFFFFFF90, s14  }
0x105: {  	v9 =	vor.u32 s0, v0  }
0x106: {  	s16 =	sand.u32 $0x3F80, s0;
	[tilespmem:v8+s11+$0x0] =	vst.idx.msk vm1, v9  }
0x107: {  	[tilespmem:s16+$0x18000] =	vst v1  }
0x108: {  	v8 =	vld [tilespmem:s15+$0xFFFFFFD0];
	_ =	sdelay $0x4  }
0x109: {  	vm2 =	vge.f32 v8, v5  }
0x10a: {  	v8 =	vsel vm2, $0x1, v1  }
0x10b: {  	(xrf0) =	vadd.scan.msk.s32 $0xffff, v8;
	_ =	sdelay $0x1  }
0x10c: {  	v8 =	vmpcnt.ones.xlane vm1;
	_ =	sdelay $0x3  }
0x10d: {  	v7 =	vadd.s32 v7, v8;
	v8, _, _ =	vpop (xrf0)  }
0x10e: {  	v8 =	vadd.s32 v7, v8;
	_ =	sdelay $0x2  }
0x10f: {  	s25 =	sadd.s32 $0xFFFFFFA0, s14  }
0x110: {  	v57 =	vor.u32 s25, v0  }
0x111: {  	[tilespmem:v8+s11+$0x0] =	vst.idx.msk vm2, v57  }
0x112: {  	[tilespmem:s16+$0x18010] =	vst v1  }
0x113: {  	v8 =	vld [tilespmem:s15+$0xFFFFFFE0];
	_ =	sdelay $0x4  }
0x114: {  	vm1 =	vge.f32 v8, v5  }
0x115: {  	v8 =	vsel vm1, $0x1, v1  }
0x116: {  	(xrf0) =	vadd.scan.msk.s32 $0xffff, v8;
	_ =	sdelay $0x1  }
0x117: {  	v8 =	vmpcnt.ones.xlane vm2;
	_ =	sdelay $0x3  }
0x118: {  	v7 =	vadd.s32 v7, v8;
	v8, _, _ =	vpop (xrf0)  }
0x119: {  	v8 =	vadd.s32 v7, v8;
	_ =	sdelay $0x2  }
0x11a: {  	s26 =	sadd.s32 $0xFFFFFFB0, s14  }
0x11b: {  	v58 =	vor.u32 s26, v0  }
0x11c: {  	[tilespmem:v8+s11+$0x0] =	vst.idx.msk vm1, v58  }
0x11d: {  	[tilespmem:s16+$0x18020] =	vst v1  }
0x11e: {  	v8 =	vld [tilespmem:s15+$0xFFFFFFF0];
	_ =	sdelay $0x4  }
0x11f: {  	vm2 =	vge.f32 v8, v5  }
0x120: {  	v8 =	vsel vm2, $0x1, v1  }
0x121: {  	(xrf0) =	vadd.scan.msk.s32 $0xffff, v8;
	_ =	sdelay $0x1  }
0x122: {  	v8 =	vmpcnt.ones.xlane vm1;
	_ =	sdelay $0x3  }
0x123: {  	v7 =	vadd.s32 v7, v8;
	v8, _, _ =	vpop (xrf0)  }
0x124: {  	v8 =	vadd.s32 v7, v8;
	_ =	sdelay $0x2  }
0x125: {  	s28 =	sadd.s32 $0xFFFFFFC0, s14  }
0x126: {  	v59 =	vor.u32 s28, v0  }
0x127: {  	[tilespmem:v8+s11+$0x0] =	vst.idx.msk vm2, v59  }
0x128: {  	[tilespmem:s16+$0x18030] =	vst v1  }
0x129: {  	v8 =	vld [tilespmem:s15+$0x0];
	_ =	sdelay $0x4  }
0x12a: {  	vm1 =	vge.f32 v8, v5  }
0x12b: {  	v8 =	vsel vm1, $0x1, v1  }
0x12c: {  	(xrf0) =	vadd.scan.msk.s32 $0xffff, v8;
	_ =	sdelay $0x1  }
0x12d: {  	v8 =	vmpcnt.ones.xlane vm2;
	_ =	sdelay $0x3  }
0x12e: {  	v7 =	vadd.s32 v7, v8;
	v8, _, _ =	vpop (xrf0)  }
0x12f: {  	v8 =	vadd.s32 v7, v8;
	_ =	sdelay $0x2  }
0x130: {  	s29 =	sadd.s32 $0xFFFFFFD0, s14  }
0x131: {  	v60 =	vor.u32 s29, v0  }
0x132: {  	[tilespmem:v8+s11+$0x0] =	vst.idx.msk vm1, v60  }
0x133: {  	[tilespmem:s16+$0x18040] =	vst v1  }
0x134: {  	v8 =	vld [tilespmem:s15+$0x10];
	_ =	sdelay $0x4  }
0x135: {  	vm2 =	vge.f32 v8, v5  }
0x136: {  	v8 =	vsel vm2, $0x1, v1  }
0x137: {  	(xrf0) =	vadd.scan.msk.s32 $0xffff, v8;
	_ =	sdelay $0x1  }
0x138: {  	v8 =	vmpcnt.ones.xlane vm1;
	_ =	sdelay $0x3  }
0x139: {  	v7 =	vadd.s32 v7, v8;
	v8, _, _ =	vpop (xrf0)  }
0x13a: {  	v8 =	vadd.s32 v7, v8;
	_ =	sdelay $0x2  }
0x13b: {  	s30 =	sadd.s32 $0xFFFFFFE0, s14  }
0x13c: {  	v61 =	vor.u32 s30, v0  }
0x13d: {  	[tilespmem:v8+s11+$0x0] =	vst.idx.msk vm2, v61  }
0x13e: {  	[tilespmem:s16+$0x18050] =	vst v1  }
0x13f: {  	v8 =	vld [tilespmem:s15+$0x20];
	_ =	sdelay $0x4  }
0x140: {  	vm1 =	vge.f32 v8, v5  }
0x141: {  	v8 =	vsel vm1, $0x1, v1  }
0x142: {  	(xrf0) =	vadd.scan.msk.s32 $0xffff, v8;
	_ =	sdelay $0x1  }
0x143: {  	v8 =	vmpcnt.ones.xlane vm2;
	_ =	sdelay $0x3  }
0x144: {  	v7 =	vadd.s32 v7, v8;
	v8, _, _ =	vpop (xrf0)  }
0x145: {  	v8 =	vadd.s32 v7, v8;
	_ =	sdelay $0x2  }
0x146: {  	s31 =	sadd.s32 $0xFFFFFFF0, s14  }
0x147: {  	v62 =	vor.u32 s31, v0  }
0x148: {  	[tilespmem:v8+s11+$0x0] =	vst.idx.msk vm1, v62  }
0x149: {  	[tilespmem:s16+$0x18060] =	vst v1  }
0x14a: {  	v8 =	vld [tilespmem:s15+$0x30];
	_ =	sdelay $0x4  }
0x14b: {  	vm2 =	vge.f32 v8, v5  }
0x14c: {  	v8 =	vsel vm2, $0x1, v1  }
0x14d: {  	(xrf0) =	vadd.scan.msk.s32 $0xffff, v8;
	_ =	sdelay $0x1  }
0x14e: {  	v8 =	vmpcnt.ones.xlane vm1;
	_ =	sdelay $0x3  }
0x14f: {  	v7 =	vadd.s32 v7, v8;
	v8, _, _ =	vpop (xrf0)  }
0x150: {  	v8 =	vadd.s32 v7, v8  }
0x151: {  	p0 =	sne.s32 s14, $0x7FF0  }
.Ltmp6:
0x152: {  	_ = 	snop;
	(pc) =	sbr.rel @p0 .LBB2_10-.Ltmp6, $4  }
0x153: {  	_ = 	snop  }
0x154: {  	v63 =	vor.u32 s14, v0;
	v10 =	vmpcnt.ones.xlane vm2  }
0x155: {  	[tilespmem:v8+s11+$0x0] =	vst.idx.msk vm2, v63  }
0x156: {  	s14 =	sadd.s32 $0x80, s14;
	s15 =	sadd.s32 $0x80, s15;
	v7 =	vadd.s32 v7, v10;
	[tilespmem:s16+$0x18070] =	vst v1  }
0x157: {  	v5 =	vadd.s32 $0x80000001, v7  }
0x158: {  	(xrf0) =	vmax.scan.msk.u32 $0xffff, v5;
	_ =	sdelay $0x5  }
0x159: {  	v5, _, _ =	vpop (xrf0)  }
0x15a: {  	(v2sf) =	vpush v5, $0xF;
	_ =	sdelay $0xd  }
.Ltmp7:
0x15b: {  	_ = 	snop;
	(pc) =	sbr.rel .LBB2_12-.Ltmp7, $4  }
0x15c: {  	s0 =	spop (v2sf)  }
0x15d: {  	s0 =	sadd.s32 $0x8000000F, s0  }
0x15e: {  	s14 =	sshra.s32 s0, $0x4  }
0x15f: {  	s15 =	simm.s32 $0x0;
	s16 =	simm.s32 $0x0;
	v5 =	vadd.s32 $0x1, v7;
	v7 =	vor.u32 $0x1FFFFF, v6;
	p0 =	slt.s32 s14, $0x1  }
.LBB2_14:
0x160: {  	v12 =	vimm.s32 $0x0  }
.LBB2_20:
0x161: {  	_ =	sdelay $0x3  }
0x162: {  	v11 =	vld.idx.msk [tilespmem:v11+s2+$0x0], $0xffff;
	_ =	sdelay $0x1  }
0x163: {  	v14 =	vmpcnt.ones.xlane @p2 vm3;
	vm3 =	vge.f32 @p1 v13, v10  }
0x164: {  	vm1 =	vmmov vm1;
	vm2 =	vmand @p1 vm2, vm3  }
0x165: {  	vm1 =	vmmov vm1;
	vm2 =	vmmov @p1 vm2  }
0x166: {  	v12 =	vadd.s32 @p2 v12, v14;
	v13 =	vmpcnt.ones.xlane @p1 vm2;
	vm2 =	vge.f32 v11, v10  }
0x167: {  	v10 =	vpsel p2, v12, v9;
	vm1 =	vmand vm1, vm2  }
0x168: {  	v10 =	vadd.s32 @p1 v10, v13;
	v11 =	vmpcnt.ones.xlane vm1  }
0x169: {  	v9 =	vpsel p1, v10, v9  }
0x16a: {  	v9 =	vadd.s32 v9, v11  }
0x16b: {  	vm1 =	vgt.s32 v9, $0x7F  }
.LBB2_21:
0x16c: {  	s16 =	sadd.s32 $0x1, s16  }
0x16d: {  	p1 =	sne.s32 s16, $0x15  }
.Ltmp8:
0x16e: {  	_ = 	snop;
	(pc) =	sbr.rel @!p1 .LBB2_22-.Ltmp8, $3  }
0x16f: {  	_ =	sdelay $0x1  }
0x170: {  	v9 =	vadd.s32 $0xFFFFFFFF, v8  }
0x171: {  	v6 =	vsel vm1, v8, v6;
	v7 =	vsel vm1, v7, v9  }
.LBB2_12:
.Ltmp9:
0x172: {  	(pc) =	sbr.rel @p0 .LBB2_21-.Ltmp9, $4  }
0x173: {  	v8 =	vsub.s32 v7, v6  }
0x174: {  	v8 =	vadd.s32 $0x1, v8  }
0x175: {  	v8 =	vshra.s32 v8, $0x1  }
0x176: {  	vm1 =	vmmov vm0;
	v8 =	vadd.s32 v6, v8  }
0x177: {  	s0 =	simm.s32 $0x10000  }
0x178: {  	p3 =	sne.s32 s14, $0x1;
	v11 =	vld [tilespmem:s0+$0x0]  }
.Ltmp10:
0x179: {  	_ = 	snop;
	(pc) =	sbr.rel @!p3 .LBB2_14-.Ltmp10, $4  }
0x17a: {  	_ = 	snop  }
0x17b: {  	v9 =	vshra.s32 v8, $0x1F;
	v10 =	vor.u32 s15, v0  }
0x17c: {  	s17 =	sadd.s32 $0xFFFFFFFF, s14;
	v12 =	vand.u32 $0x7FFFFFFF, v9;
	vm1 =	vlt.s32 v10, v5  }
0x17d: {  	s18 =	simm.s32 $0x10010;
	p1 =	por $0x0, $0x0;
	p2 =	por $0x0, $0x0;
	v9 =	vimm.s32 $0x0;
	v10 =	vxor.u32 v8, v12;
	v11 =	vnsel vm1, $0x0, v11  }
0x17e: {  	v12 =	vld [tilespmem:s18+$0x0];
	p3 =	sne.s32 s17, $0x1  }
.Ltmp11:
0x17f: {  	_ = 	snop;
	(pc) =	sbr.rel @!p3 .LBB2_16-.Ltmp11, $4  }
0x180: {  	s0 =	simm.s32 $0x10  }
0x181: {  	v13 =	vor.u32 s0, v0  }
0x182: {  	vm2 =	vmmov vm1;
	vm1 =	vlt.s32 v13, v5  }
0x183: {  	s18 =	sadd.s32 $0xFFFFFFFF, s17;
	s17 =	simm.s32 $0x10020;
	p1 =	por $0x1, $0x1;
	vm2 =	vmmov vm2;
	v13 =	vld.idx.msk [tilespmem:v11+s2+$0x0], $0xffff;
	v11 =	vnsel vm1, $0x0, v12  }
0x184: {  	_ = 	snop  }
0x185: {  	v12 =	vld [tilespmem:s17+$0x0];
	p3 =	sne.s32 s18, $0x1  }
.Ltmp12:
0x186: {  	_ = 	snop;
	(pc) =	sbr.rel @!p3 .LBB2_18-.Ltmp12, $4  }
0x187: {  	s17 =	simm.s32 $0x20  }
0x188: {  	v14 =	vor.u32 s17, v0;
	vm3 =	vge.f32 v13, v10  }
0x189: {  	vm4 =	vmmov vm1;
	vm1 =	vlt.s32 v14, v5;
	vm3 =	vmand vm2, vm3  }
0x18a: {  	s18 =	sadd.s32 $0xFFFFFFFF, s18;
	s19 =	simm.s32 $0x10030;
	p2 =	por $0x1, $0x1;
	v13 =	vld.idx.msk [tilespmem:v11+s2+$0x0], $0xffff;
	v11 =	vnsel vm1, $0x0, v12;
	vm2 =	vmmov vm4;
	v12 =	vimm.s32 $0x0  }
.LBB2_19:
0x18b: {  	v14 =	vld [tilespmem:s19+$0x0];
	p3 =	sne.s32 s18, $0x1;
	s18 =	sadd.s32 $0xFFFFFFFF, s18;
	v15 =	vmpcnt.ones.xlane vm3;
	vm4 =	vmmov vm1  }
.Ltmp13:
0x18c: {  	(pc) =	sbr.rel @p3 .LBB2_19-.Ltmp13, $4  }
0x18d: {  	s17 =	sadd.s32 $0x10, s17;
	v12 =	vadd.s32 v12, v15  }
0x18e: {  	v15 =	vor.u32 s17, v0  }
0x18f: {  	vm3 =	vge.f32 v13, v10;
	vm1 =	vlt.s32 v15, v5;
	v13 =	vld.idx.msk [tilespmem:v11+s2+$0x0], $0xffff  }
0x190: {  	s19 =	sadd.s32 $0x10, s19;
	vm3 =	vmand vm2, vm3;
	vm2 =	vmmov vm4;
	v11 =	vnsel vm1, $0x0, v14  }
.Ltmp14:
0x191: {  	_ = 	snop;
	(pc) =	sbr.rel .LBB2_20-.Ltmp14, $1  }
0x192: {  	_ =	sdelay $0x3  }
.LBB2_16:
.Ltmp15:
0x193: {  	(pc) =	sbr.rel .LBB2_20-.Ltmp15, $2  }
0x194: {  	_ =	sdelay $0x2  }
0x195: {  	v12 =	vimm.s32 $0x0  }
.LBB2_18:
.Ltmp16:
0x196: {  	(pc) =	sbr.rel .LBB2_20-.Ltmp16, $2  }
0x197: {  	_ =	sdelay $0x2  }
0x198: {  	v12 =	vimm.s32 $0x0  }
.LBB2_22:
.Ltmp17:
0x199: {  	(pc) =	sbr.rel @p0 .LBB2_32-.Ltmp17, $1  }
0x19a: {  	_ =	sdelay $0x3  }
0x19b: {  	s15 =	simm.s32 $0x10000  }
0x19c: {  	p2 =	sne.s32 s14, $0x1;
	v8 =	vld [tilespmem:s15+$0x0]  }
.Ltmp18:
0x19d: {  	_ = 	snop;
	(pc) =	sbr.rel @!p2 .LBB2_24-.Ltmp18, $4  }
0x19e: {  	s16 =	simm.s32 $0x0  }
0x19f: {  	v7 =	vshra.s32 v6, $0x1F;
	v9 =	vor.u32 s16, v0  }
0x1a0: {  	s17 =	sadd.s32 $0xFFFFFFFF, s14;
	v10 =	vand.u32 $0x7FFFFFFF, v7;
	vm1 =	vlt.s32 v9, v5  }
0x1a1: {  	s18 =	simm.s32 $0x10010;
	p0 =	por $0x0, $0x0;
	p1 =	por $0x0, $0x0;
	v7 =	vimm.s32 $0x0;
	v6 =	vxor.u32 v6, v10;
	v8 =	vnsel vm1, $0x0, v8  }
0x1a2: {  	v9 =	vld [tilespmem:s18+$0x0];
	p2 =	sne.s32 s17, $0x1  }
.Ltmp19:
0x1a3: {  	_ = 	snop;
	(pc) =	sbr.rel @!p2 .LBB2_26-.Ltmp19, $4  }
0x1a4: {  	s0 =	simm.s32 $0x10  }
0x1a5: {  	v10 =	vor.u32 s0, v0  }
0x1a6: {  	vm2 =	vmmov vm1;
	vm1 =	vlt.s32 v10, v5  }
0x1a7: {  	s18 =	sadd.s32 $0xFFFFFFFF, s17;
	s17 =	simm.s32 $0x10020;
	p0 =	por $0x1, $0x1;
	vm2 =	vmmov vm2;
	v10 =	vld.idx.msk [tilespmem:v8+s2+$0x0], $0xffff;
	v8 =	vnsel vm1, $0x0, v9  }
0x1a8: {  	_ = 	snop  }
0x1a9: {  	v9 =	vld [tilespmem:s17+$0x0];
	p2 =	sne.s32 s18, $0x1  }
.Ltmp20:
0x1aa: {  	_ = 	snop;
	(pc) =	sbr.rel @!p2 .LBB2_28-.Ltmp20, $4  }
0x1ab: {  	s17 =	simm.s32 $0x20  }
0x1ac: {  	v11 =	vor.u32 s17, v0;
	vm3 =	vgt.f32 v10, v6  }
0x1ad: {  	vm4 =	vmmov vm1;
	vm1 =	vlt.s32 v11, v5;
	vm3 =	vmand vm2, vm3  }
0x1ae: {  	s18 =	sadd.s32 $0xFFFFFFFF, s18;
	s19 =	simm.s32 $0x10030;
	p1 =	por $0x1, $0x1;
	v10 =	vld.idx.msk [tilespmem:v8+s2+$0x0], $0xffff;
	v8 =	vnsel vm1, $0x0, v9;
	vm2 =	vmmov vm4;
	v9 =	vimm.s32 $0x0  }
.LBB2_29:
0x1af: {  	v11 =	vld [tilespmem:s19+$0x0];
	p2 =	sne.s32 s18, $0x1;
	s18 =	sadd.s32 $0xFFFFFFFF, s18;
	v12 =	vmpcnt.ones.xlane vm3;
	vm4 =	vmmov vm1  }
.Ltmp21:
0x1b0: {  	(pc) =	sbr.rel @p2 .LBB2_29-.Ltmp21, $4  }
0x1b1: {  	s17 =	sadd.s32 $0x10, s17;
	v9 =	vadd.s32 v9, v12  }
0x1b2: {  	v12 =	vor.u32 s17, v0  }
0x1b3: {  	vm1 =	vlt.s32 v12, v5;
	vm3 =	vgt.f32 v10, v6;
	v10 =	vld.idx.msk [tilespmem:v8+s2+$0x0], $0xffff  }
0x1b4: {  	s19 =	sadd.s32 $0x10, s19;
	vm3 =	vmand vm2, vm3;
	vm2 =	vmmov vm4;
	v8 =	vnsel vm1, $0x0, v11  }
.LBB2_30:
0x1b5: {  	_ =	sdelay $0x3  }
0x1b6: {  	v8 =	vld.idx.msk [tilespmem:v8+s2+$0x0], $0xffff;
	_ =	sdelay $0x1  }
0x1b7: {  	v11 =	vmpcnt.ones.xlane @p1 vm3;
	vm3 =	vgt.f32 @p0 v10, v6  }
0x1b8: {  	vm1 =	vmmov vm1;
	vm2 =	vmand @p0 vm2, vm3  }
0x1b9: {  	vm1 =	vmmov vm1;
	vm2 =	vmmov @p0 vm2  }
0x1ba: {  	v9 =	vadd.s32 @p1 v9, v11;
	v10 =	vmpcnt.ones.xlane @p0 vm2;
	vm2 =	vgt.f32 v8, v6  }
0x1bb: {  	v8 =	vpsel p1, v9, v7;
	vm1 =	vmand vm1, vm2  }
0x1bc: {  	v8 =	vadd.s32 @p0 v8, v10;
	v9 =	vmpcnt.ones.xlane vm1  }
0x1bd: {  	v8 =	vpsel p0, v8, v7  }
0x1be: {  	v8 =	vadd.s32 v8, v9  }
0x1bf: {  	v8 =	vsub.s32 $0x80, v8  }
.LBB2_31:
0x1c0: {  	v9 =	vld [tilespmem:s15+$0x0];
	_ =	sdelay $0x2  }
0x1c1: {  	v10 =	vor.u32 s16, v0  }
0x1c2: {  	vm1 =	vlt.s32 v10, v5  }
0x1c3: {  	v10 =	vnsel vm1, $0x0, v9;
	_ =	sdelay $0x4  }
0x1c4: {  	v10 =	vld.idx.msk [tilespmem:v10+s2+$0x0], $0xffff;
	_ =	sdelay $0x4  }
0x1c5: {  	vm2 =	veq.f32 v10, v6  }
0x1c6: {  	vm2 =	vmand vm1, vm2  }
0x1c7: {  	v11 =	vsel vm2, $0x1, v1  }
0x1c8: {  	(xrf0) =	vadd.scan.msk.s32 $0xffff, v11;
	_ =	sdelay $0x5  }
0x1c9: {  	v11, _, _ =	vpop (xrf0)  }
0x1ca: {  	v11 =	vadd.s32 v7, v11  }
0x1cb: {  	vm3 =	vgt.f32 v10, v6;
	vm4 =	vle.s32 v11, v8  }
0x1cc: {  	vm1 =	vmand vm1, vm3;
	vm3 =	vmand vm2, vm4  }
0x1cd: {  	vm1 =	vmor vm1, vm3  }
0x1ce: {  	p0 =	sne.s32 s14, $0x1  }
.Ltmp22:
0x1cf: {  	_ = 	snop;
	(pc) =	sbr.rel @p0 .LBB2_31-.Ltmp22, $4  }
0x1d0: {  	_ = 	snop  }
0x1d1: {  	v11 =	vmpcnt.ones.xlane vm2  }
0x1d2: {  	v10 =	vmax.f32 v10, $0.0e+00  }
0x1d3: {  	s15 =	sadd.s32 $0x10, s15;
	s16 =	sadd.s32 $0x10, s16;
	s14 =	sadd.s32 $0xFFFFFFFF, s14;
	v7 =	vadd.s32 v7, v11;
	[tilespmem:v9+s12+$0x0] =	vst.idx.msk vm1, v10  }
.LBB2_32:
0x1d4: {  	[hbm4b:s4+s8] =	stream.strided.scatter [tilespmem:s12], [sflag:$0x1], $0x8000, s9, s8, $0x38;
	[tilespmem:$0x1C000] =	vst v63  }
0x1d5: {  	_ =	swait.ge [sflag:s10], $0x8000  }
0x1d6: {  	[sflag:s10] =	ssyncset.done $0x0  }
0x1d7: {  	s15 =	simm.s32 $0x0;
	[sflag:s10] =	ssyncadd.s32 $0xFFFF8000  }
0x1d8: {  	[tilespmem:s15], [sflag:$0x1] =	stream.strided.gather [hbm4b:s5+s8], $0x8000, s9, s8, $0x38;
	[tilespmem:$0x1C000] =	vst v63  }
0x1d9: {  	_ =	swait.ge [sflag:s10], $0x8000  }
0x1da: {  	[sflag:s10] =	ssyncset.done $0x0  }
0x1db: {  	s16 =	simm.s32 $0x0;
	[sflag:s10] =	ssyncadd.s32 $0xFFFF8000  }
.LBB2_33:
0x1dc: {  	s17 =	sshra.s32 s16, $0x2  }
0x1dd: {  	v5 =	vld [tilespmem:s17+$0x0];
	_ =	sdelay $0x4  }
0x1de: {  	v6 =	vshra.s32 v5, $0x1F  }
0x1df: {  	v6 =	vor.u32 $0x80000000, v6  }
0x1e0: {  	v5 =	vxor.u32 v5, v6  }
0x1e1: {  	v5 =	vshrl.u32 v5, $0x15  }
0x1e2: {  	v6 =	vand.u32 $0x780, v5  }
0x1e3: {  	v5 =	vand.u32 $0x7F, v5;
	v6 =	vor.u32 v2, v6  }
0x1e4: {  	v5 =	vor.u32 v5, v6;
	_ =	sdelay $0x3  }
0x1e5: {  	s14 =	simm.s32 $0x18000  }
0x1e6: {  	[tilespmem:v5+s14+$0x0] =	vst.idx.add.s32.msk $0xffff, v3  }
0x1e7: {  	v5 =	vld [tilespmem:s17+$0x10];
	_ =	sdelay $0x4  }
0x1e8: {  	v6 =	vshra.s32 v5, $0x1F  }
0x1e9: {  	v6 =	vor.u32 $0x80000000, v6  }
0x1ea: {  	v5 =	vxor.u32 v5, v6  }
0x1eb: {  	v5 =	vshrl.u32 v5, $0x15  }
0x1ec: {  	v6 =	vand.u32 $0x780, v5  }
0x1ed: {  	v5 =	vand.u32 $0x7F, v5;
	v6 =	vor.u32 v2, v6  }
0x1ee: {  	v5 =	vor.u32 v5, v6;
	_ =	sdelay $0x3  }
0x1ef: {  	[tilespmem:s17+$0x8000] =	vst v4  }
0x1f0: {  	[tilespmem:v5+s14+$0x0] =	vst.idx.add.s32.msk $0xffff, v3  }
0x1f1: {  	v5 =	vld [tilespmem:s17+$0x20];
	_ =	sdelay $0x4  }
0x1f2: {  	v6 =	vshra.s32 v5, $0x1F  }
0x1f3: {  	v6 =	vor.u32 $0x80000000, v6  }
0x1f4: {  	v5 =	vxor.u32 v5, v6  }
0x1f5: {  	v5 =	vshrl.u32 v5, $0x15  }
0x1f6: {  	v6 =	vand.u32 $0x780, v5  }
0x1f7: {  	v5 =	vand.u32 $0x7F, v5;
	v6 =	vor.u32 v2, v6  }
0x1f8: {  	v5 =	vor.u32 v5, v6;
	_ =	sdelay $0x3  }
0x1f9: {  	[tilespmem:s17+$0x8010] =	vst v4  }
0x1fa: {  	[tilespmem:v5+s14+$0x0] =	vst.idx.add.s32.msk $0xffff, v3  }
0x1fb: {  	v5 =	vld [tilespmem:s17+$0x30];
	_ =	sdelay $0x4  }
0x1fc: {  	v6 =	vshra.s32 v5, $0x1F  }
0x1fd: {  	v6 =	vor.u32 $0x80000000, v6  }
0x1fe: {  	v5 =	vxor.u32 v5, v6  }
0x1ff: {  	v5 =	vshrl.u32 v5, $0x15  }
0x200: {  	v6 =	vand.u32 $0x780, v5  }
0x201: {  	v5 =	vand.u32 $0x7F, v5;
	v6 =	vor.u32 v2, v6  }
0x202: {  	v5 =	vor.u32 v5, v6;
	_ =	sdelay $0x3  }
0x203: {  	[tilespmem:s17+$0x8020] =	vst v4  }
0x204: {  	[tilespmem:v5+s14+$0x0] =	vst.idx.add.s32.msk $0xffff, v3  }
0x205: {  	v5 =	vld [tilespmem:s17+$0x40];
	_ =	sdelay $0x4  }
0x206: {  	v6 =	vshra.s32 v5, $0x1F  }
0x207: {  	v6 =	vor.u32 $0x80000000, v6  }
0x208: {  	v5 =	vxor.u32 v5, v6  }
0x209: {  	v5 =	vshrl.u32 v5, $0x15  }
0x20a: {  	v6 =	vand.u32 $0x780, v5  }
0x20b: {  	v5 =	vand.u32 $0x7F, v5;
	v6 =	vor.u32 v2, v6  }
0x20c: {  	v5 =	vor.u32 v5, v6;
	_ =	sdelay $0x3  }
0x20d: {  	[tilespmem:s17+$0x8030] =	vst v4  }
0x20e: {  	[tilespmem:v5+s14+$0x0] =	vst.idx.add.s32.msk $0xffff, v3  }
0x20f: {  	v5 =	vld [tilespmem:s17+$0x50];
	_ =	sdelay $0x4  }
0x210: {  	v6 =	vshra.s32 v5, $0x1F  }
0x211: {  	v6 =	vor.u32 $0x80000000, v6  }
0x212: {  	v5 =	vxor.u32 v5, v6  }
0x213: {  	v5 =	vshrl.u32 v5, $0x15  }
0x214: {  	v6 =	vand.u32 $0x780, v5  }
0x215: {  	v5 =	vand.u32 $0x7F, v5;
	v6 =	vor.u32 v2, v6  }
0x216: {  	v5 =	vor.u32 v5, v6;
	_ =	sdelay $0x3  }
0x217: {  	[tilespmem:s17+$0x8040] =	vst v4  }
0x218: {  	[tilespmem:v5+s14+$0x0] =	vst.idx.add.s32.msk $0xffff, v3  }
0x219: {  	v5 =	vld [tilespmem:s17+$0x60];
	_ =	sdelay $0x4  }
0x21a: {  	v6 =	vshra.s32 v5, $0x1F  }
0x21b: {  	v6 =	vor.u32 $0x80000000, v6  }
0x21c: {  	v5 =	vxor.u32 v5, v6  }
0x21d: {  	v5 =	vshrl.u32 v5, $0x15  }
0x21e: {  	v6 =	vand.u32 $0x780, v5  }
0x21f: {  	v5 =	vand.u32 $0x7F, v5;
	v6 =	vor.u32 v2, v6  }
0x220: {  	v5 =	vor.u32 v5, v6;
	_ =	sdelay $0x3  }
0x221: {  	[tilespmem:s17+$0x8050] =	vst v4  }
0x222: {  	[tilespmem:v5+s14+$0x0] =	vst.idx.add.s32.msk $0xffff, v3  }
0x223: {  	v5 =	vld [tilespmem:s17+$0x70];
	_ =	sdelay $0x4  }
0x224: {  	v6 =	vshra.s32 v5, $0x1F  }
0x225: {  	v6 =	vor.u32 $0x80000000, v6  }
0x226: {  	v5 =	vxor.u32 v5, v6  }
0x227: {  	v5 =	vshrl.u32 v5, $0x15  }
0x228: {  	v6 =	vand.u32 $0x780, v5  }
0x229: {  	v5 =	vand.u32 $0x7F, v5;
	v6 =	vor.u32 v2, v6  }
0x22a: {  	v5 =	vor.u32 v5, v6  }
0x22b: {  	p0 =	sne.s32 s16, $0x1FE00  }
.Ltmp23:
0x22c: {  	_ = 	snop;
	(pc) =	sbr.rel @p0 .LBB2_33-.Ltmp23, $4  }
0x22d: {  	_ = 	snop  }
0x22e: {  	[tilespmem:s17+$0x8060] =	vst v4  }
0x22f: {  	[tilespmem:v5+s14+$0x0] =	vst.idx.add.s32.msk $0xffff, v3  }
0x230: {  	s16 =	sadd.s32 $0x200, s16;
	[tilespmem:s17+$0x8070] =	vst v4  }
0x231: {  	s16 =	sand.u32 $0x7F0, s15  }
0x232: {  	s15 =	sadd.s32 $0x10, s15;
	v5 =	vld [tilespmem:s16+$0x18800]  }
.LBB2_35:
0x233: {  	p0 =	sne.s32 s15, $0x7F0;
	v6 =	vld [tilespmem:s14+$0x0]  }
0x234: {  	v7 =	vld [tilespmem:s16+$0x19000]  }
0x235: {  	v8 =	vld [tilespmem:s16+$0x19800]  }
0x236: {  	v9 =	vld [tilespmem:s16+$0x1A000]  }
0x237: {  	v10 =	vld [tilespmem:s16+$0x1A800]  }
0x238: {  	v5 =	vadd.s32 v6, v5;
	v6 =	vld [tilespmem:s16+$0x1B000]  }
0x239: {  	v5 =	vadd.s32 v7, v5;
	v7 =	vld [tilespmem:s16+$0x1B800]  }
0x23a: {  	v5 =	vadd.s32 v8, v5  }
0x23b: {  	v5 =	vadd.s32 v9, v5  }
.Ltmp24:
0x23c: {  	v5 =	vadd.s32 v10, v5;
	(pc) =	sbr.rel @p0 .LBB2_35-.Ltmp24, $4  }
0x23d: {  	v5 =	vadd.s32 v6, v5  }
0x23e: {  	v5 =	vadd.s32 v7, v5  }
0x23f: {  	s16 =	sand.u32 $0x7F0, s15;
	[tilespmem:s14+$0x0] =	vst v5  }
0x240: {  	s15 =	sadd.s32 $0x10, s15;
	s14 =	sadd.s32 $0x10, s14;
	v5 =	vld [tilespmem:s16+$0x18800]  }
0x241: {  	v6 =	vld [tilespmem:s14+$0x0]  }
0x242: {  	v7 =	vld [tilespmem:s16+$0x19000]  }
0x243: {  	v8 =	vld [tilespmem:s16+$0x19800]  }
0x244: {  	v9 =	vld [tilespmem:s16+$0x1A000]  }
0x245: {  	v10 =	vld [tilespmem:s16+$0x1A800]  }
0x246: {  	v5 =	vadd.s32 v6, v5;
	v6 =	vld [tilespmem:s16+$0x1B000]  }
0x247: {  	v5 =	vadd.s32 v7, v5;
	v7 =	vld [tilespmem:s16+$0x1B800]  }
0x248: {  	v5 =	vadd.s32 v8, v5  }
0x249: {  	v5 =	vadd.s32 v9, v5  }
0x24a: {  	v5 =	vadd.s32 v10, v5  }
0x24b: {  	v5 =	vadd.s32 v6, v5  }
0x24c: {  	v5 =	vadd.s32 v7, v5  }
0x24d: {  	s0 =	simm.s32 $0x187F0;
	[tilespmem:s14+$0x0] =	vst v5  }
0x24e: {  	v5 =	vld [tilespmem:s0+$0x0];
	_ =	sdelay $0x2  }
0x24f: {  	s22 =	simm.s32 $0x187E0  }
0x250: {  	v7 =	vld [tilespmem:s22+$0x0]  }
0x251: {  	(xrf0) =	vadd.scan.msk.s32 $0xffff, v5;
	_ =	sdelay $0x1  }
0x252: {  	s23 =	simm.s32 $0x187D0  }
0x253: {  	v8 =	vld [tilespmem:s23+$0x0]  }
0x254: {  	(xrf0) =	vadd.scan.msk.s32 $0xffff, v7;
	_ =	sdelay $0x1  }
0x255: {  	v6, _, _ =	vpop (xrf0)  }
0x256: {  	(v2sf) =	vpush v6, $0xF  }
0x257: {  	(xrf0) =	vadd.scan.msk.s32 $0xffff, v8;
	_ =	sdelay $0x1  }
0x258: {  	v9, _, _ =	vpop (xrf0)  }
0x259: {  	(v2sf) =	vpush v9, $0xF;
	_ =	sdelay $0x2  }
0x25a: {  	v10, _, _ =	vpop (xrf0)  }
0x25b: {  	(v2sf) =	vpush v10, $0xF;
	_ =	sdelay $0x1  }
0x25c: {  	s24 =	simm.s32 $0x187C0  }
0x25d: {  	v11 =	vld [tilespmem:s24+$0x0];
	_ =	sdelay $0x1  }
0x25e: {  	s14 =	simm.s32 $0x0  }
0x25f: {  	v5 =	vadd.s32 s14, v5;
	v12 =	vbroadcast v6, $0xF  }
0x260: {  	v5 =	vsub.s32 v5, v6;
	s1 =	spop (v2sf)  }
0x261: {  	s25 =	simm.s32 $0x187B0;
	(xrf0) =	vadd.scan.msk.s32 $0xffff, v11;
	v5 =	vadd.s32 v12, v5;
	s26 =	sadd.s32 $0x0, s1  }
0x262: {  	v6 =	vld [tilespmem:s25+$0x0];
	vm1 =	vgt.s32 v5, $0x7F;
	v7 =	vadd.s32 s26, v7  }
0x263: {  	s29 =	simm.s32 $0x187A0;
	v13 =	vbroadcast v9, $0xF;
	v7 =	vsub.s32 v7, v9;
	v9 =	vsel vm1, $0x1, v1  }
0x264: {  	v5 =	vld [tilespmem:s29+$0x0];
	s3 =	spop (v2sf);
	(xrf0) =	vadd.scan.msk.s32 $0xffff, v9  }
0x265: {  	s30 =	sadd.s32 s26, s3;
	v7 =	vadd.s32 v13, v7  }
0x266: {  	v8 =	vadd.s32 s30, v8;
	vm1 =	vgt.s32 v7, $0x7F  }
0x267: {  	v7 =	vsub.s32 v8, v10;
	(xrf0) =	vadd.scan.msk.s32 $0xffff, v6;
	v8 =	vsel vm1, $0x1, v1;
	v9, _, _ =	vpop (xrf0)  }
0x268: {  	s31 =	spop (v2sf);
	(xrf0) =	vadd.scan.msk.s32 $0xffff, v8;
	(v2sf) =	vpush v9, $0xF  }
0x269: {  	(xrf0) =	vadd.scan.msk.s32 $0xffff, v5  }
0x26a: {  	v12 =	vbroadcast v10, $0xF;
	s25 =	sadd.s32 s30, s31;
	v10, _, _ =	vpop (xrf0)  }
0x26b: {  	p0 =	por $0x1, $0x1;
	p1 =	sgt.s32 s26, $0x7F;
	v11 =	vadd.s32 s25, v11;
	(v2sf) =	vpush v10, $0xF  }
0x26c: {  	p0 =	por !p0, !p1;
	v7 =	vadd.s32 v12, v7;
	v12 =	vbroadcast v9, $0xF;
	v9 =	vsub.s32 v11, v9  }
0x26d: {  	s15 =	simm.s32 $0x0;
	p0 =	por !p0, !p0;
	v8, _, _ =	vpop (xrf0)  }
0x26e: {  	s15 =	simm.s32 @p0 $0x1;
	vm1 =	vgt.s32 v7, $0x7F;
	(v2sf) =	vpush v8, $0xF;
	v11, _, _ =	vpop (xrf0)  }
0x26f: {  	s21 =	simm.s32 $0x7CF;
	p2 =	sgt.s32 s30, $0x7F;
	p4 =	seq.s32 s15, $0x0;
	v7 =	vsel vm1, $0x1, v1;
	v12 =	vadd.s32 v12, v9;
	(v2sf) =	vpush v11, $0xF;
	v9, _, _ =	vpop (xrf0)  }
0x270: {  	s20 =	simm.s32 $0x7AF;
	s26 =	simm.s32 $0x18790;
	p1 =	por !p4, !p2;
	(xrf0) =	vadd.scan.msk.s32 $0xffff, v7;
	(v2sf) =	vpush v9, $0xF  }
0x271: {  	s19 =	simm.s32 $0x79F;
	s17 =	simm.s32 $0x77F;
	p3 =	por !p1, !p1;
	v7 =	vld [tilespmem:s26+$0x0]  }
0x272: {  	s18 =	simm.s32 $0x76F;
	s28 =	simm.s32 $0x75F;
	s15 =	simm.s32 @p3 $0x1  }
0x273: {  	s16 =	simm.s32 $0x78F;
	p6 =	sgt.s32 s25, $0x7F;
	p5 =	seq.s32 s15, $0x0  }
0x274: {  	s24 =	simm.s32 $0x7EF;
	s23 =	simm.s32 $0x7DF;
	p2 =	por !p5, !p6  }
0x275: {  	s22 =	simm.s32 $0x7BF;
	p0 =	por p0, p0;
	vm1 =	vgt.s32 v12, $0x7F;
	p2 =	por !p2, !p2  }
0x276: {  	p1 =	por p0, p0;
	p0 =	por p3, p3;
	v13 =	vsel vm1, $0x1, v1;
	v10 =	vbroadcast v8, $0xF;
	s15 =	simm.s32 @p2 $0x1;
	(xrf0) =	vadd.scan.msk.s32 $0xffff, v7;
	v11 =	vbroadcast v9, $0xF;
	v12, _, _ =	vpop (xrf0)  }
.LBB2_37:
0x277: {  	p3 =	sne.s32 s28, $0xFFFFFFFF;
	s26 =	sadd.s32 $0xFFFFFFF0, s26;
	s0 =	spop (v2sf)  }
0x278: {  	s1 =	smov.u32 s17;
	s17 =	smov.u32 s18;
	s18 =	smov.u32 s28  }
0x279: {  	(xrf0) =	vadd.scan.msk.s32 $0xffff, v13;
	p4 =	por p1, p1;
	p1 =	por p0, p0;
	p0 =	por p2, p2;
	(v2sf) =	vpush v12, $0xF;
	v12 =	vmov v7  }
0x27a: {  	p2 =	seq.s32 s15, $0x0;
	s25 =	sadd.s32 s25, s0;
	v7 =	vld [tilespmem:s26+$0x0];
	s0 =	spop (v2sf)  }
.Ltmp25:
0x27b: {  	v14 =	vadd.s32 s25, v6;
	p5 =	sgt.s32 s25, $0x7F;
	s0 =	sadd.s32 s24, s0;
	(pc) =	sbr.rel @p3 .LBB2_37-.Ltmp25, $4  }
0x27c: {  	v6 =	vmovc v5;
	v5 =	vmov v12;
	v13 =	vsub.s32 v14, v8;
	p2 =	por !p2, !p5;
	v8 =	vmov v9;
	s24 =	smov.u32 s23;
	s14 =	smov.u32 @p4 s0  }
0x27d: {  	s23 =	smov.u32 s21;
	s21 =	smov.u32 s22;
	v14 =	vadd.s32 v10, v13;
	p2 =	por !p2, !p2;
	v10 =	vmov v11  }
0x27e: {  	s22 =	smov.u32 s20;
	s20 =	smov.u32 s19;
	vm1 =	vgt.s32 v14, $0x7F;
	s15 =	simm.s32 @p2 $0x1;
	v9, _, _ =	vpop (xrf0)  }
0x27f: {  	s28 =	sadd.s32 $0xFFFFFFF0, s28;
	s19 =	smov.u32 s16;
	s16 =	smov.u32 s1;
	v13 =	vsel vm1, $0x1, v1;
	(xrf0) =	vadd.scan.msk.s32 $0xffff, v7;
	v11 =	vbroadcast v9, $0xF;
	(v2sf) =	vpush v9, $0xF;
	v12, _, _ =	vpop (xrf0)  }
0x280: {  	s0 =	sadd.s32 $0xFFFFFFF0, s26  }
0x281: {  	v14 =	vld [tilespmem:s0+$0x0];
	_ =	sdelay $0x3  }
0x282: {  	(xrf0) =	vadd.scan.msk.s32 $0xffff, v13  }
0x283: {  	(xrf0) =	vadd.scan.msk.s32 $0xffff, v14;
	_ =	sdelay $0x3  }
0x284: {  	(v2sf) =	vpush v12, $0xF;
	v59, _, _ =	vpop (xrf0)  }
0x285: {  	(v2sf) =	vpush v59, $0xF;
	v13, _, _ =	vpop (xrf0)  }
0x286: {  	(v2sf) =	vpush v13, $0xF;
	v60, _, _ =	vpop (xrf0)  }
0x287: {  	s1 =	spop (v2sf);
	(v2sf) =	vpush v60, $0xF  }
0x288: {  	s1 =	sadd.s32 s25, s1  }
0x289: {  	v6 =	vadd.s32 s1, v6  }
0x28a: {  	v6 =	vsub.s32 v6, v8  }
0x28b: {  	s0 =	sadd.s32 $0xFFFFFFF0, s0;
	v6 =	vadd.s32 v10, v6  }
0x28c: {  	vm1 =	vgt.s32 v6, $0x7F;
	v6 =	vld [tilespmem:s0+$0x0]  }
0x28d: {  	s0 =	spop (v2sf);
	v8 =	vsel vm1, $0x1, v1  }
0x28e: {  	s3 =	spop (v2sf);
	(xrf0) =	vadd.scan.msk.s32 $0xffff, v8  }
0x28f: {  	s3 =	sadd.s32 s1, s3  }
0x290: {  	s29 =	spop (v2sf);
	v5 =	vadd.s32 s3, v5  }
0x291: {  	v5 =	vsub.s32 v5, v9;
	(xrf0) =	vadd.scan.msk.s32 $0xffff, v6;
	s30 =	spop (v2sf)  }
0x292: {  	v5 =	vadd.s32 v11, v5;
	s30 =	sadd.s32 s3, s30  }
0x293: {  	v8 =	vbroadcast v59, $0xF;
	vm1 =	vgt.s32 v5, $0x7F;
	s28 =	spop (v2sf);
	v7 =	vadd.s32 s30, v7  }
0x294: {  	v61, _, _ =	vpop (xrf0);
	v5 =	vsub.s32 v7, v59;
	v7 =	vsel vm1, $0x1, v1;
	s31 =	spop (v2sf)  }
0x295: {  	(v2sf) =	vpush v61, $0xF;
	v5 =	vadd.s32 v8, v5;
	s26 =	spop (v2sf);
	s31 =	sadd.s32 s30, s31  }
0x296: {  	v8 =	vbroadcast v60, $0xF;
	vm1 =	vgt.s32 v5, $0x7F;
	v5 =	vadd.s32 s31, v14;
	s25 =	spop (v2sf)  }
0x297: {  	(xrf0) =	vadd.scan.msk.s32 $0xffff, v7;
	v7, _, _ =	vpop (xrf0);
	v5 =	vsub.s32 v5, v60;
	s25 =	sadd.s32 s31, s25  }
0x298: {  	v62 =	vbroadcast v7, $0xF;
	v5 =	vadd.s32 v8, v5;
	v6 =	vadd.s32 s25, v6  }
0x299: {  	v63 =	vsel vm1, $0x1, v1;
	vm1 =	vgt.s32 v5, $0x7F;
	v6 =	vsub.s32 v6, v7  }
0x29a: {  	p4 =	seq.s32 s15, $0x0;
	p3 =	sgt.s32 s1, $0x7F;
	v5 =	vadd.s32 v62, v6;
	v6 =	vsel vm1, $0x1, v1  }
0x29b: {  	p3 =	por !p4, !p3;
	(xrf0) =	vadd.scan.msk.s32 $0xffff, v63;
	vm1 =	vgt.s32 v5, $0x7F  }
0x29c: {  	p0 =	por p0, p0;
	p3 =	por !p3, !p3;
	(xrf0) =	vadd.scan.msk.s32 $0xffff, v6;
	v5 =	vsel vm1, $0x1, v1  }
0x29d: {  	p1 =	por p1, p1;
	p4 =	por p0, p0;
	s15 =	simm.s32 @p3 $0x1;
	(v2sf) =	vpush v7, $0xF;
	v6, _, _ =	vpop (xrf0);
	(xrf0) =	vadd.scan.msk.s32 $0xffff, v5  }
0x29e: {  	p3 =	por p3, p3;
	p5 =	seq.s32 s15, $0x0;
	p6 =	sgt.s32 s3, $0x7F  }
0x29f: {  	s0 =	sadd.s32 s24, s0;
	p3 =	por p3, p3;
	p6 =	por !p5, !p6  }
0x2a0: {  	s14 =	smov.u32 @p1 s0;
	s0 =	sadd.s32 s23, s29;
	p0 =	por !p6, !p6;
	(v2sf) =	vpush v6, $0xF  }
0x2a1: {  	s14 =	smov.u32 @p4 s0;
	p4 =	por p2, p2;
	s15 =	simm.s32 @p0 $0x1;
	v5, _, _ =	vpop (xrf0)  }
0x2a2: {  	p1 =	por p4, p4;
	p5 =	seq.s32 s15, $0x0;
	p6 =	sgt.s32 s30, $0x7F;
	(v2sf) =	vpush v5, $0xF;
	v5, _, _ =	vpop (xrf0)  }
0x2a3: {  	p0 =	por p0, p0;
	p4 =	por p1, p1;
	p2 =	por !p5, !p6;
	(v2sf) =	vpush v5, $0xF;
	v5, _, _ =	vpop (xrf0)  }
0x2a4: {  	p0 =	por p0, p0;
	p1 =	por !p2, !p2;
	s24 =	spop (v2sf);
	(v2sf) =	vpush v5, $0xF  }
0x2a5: {  	p3 =	por p3, p3;
	p0 =	por p0, p0;
	s15 =	simm.s32 @p1 $0x1  }
0x2a6: {  	s0 =	sadd.s32 s21, s28;
	p5 =	seq.s32 s15, $0x0;
	p6 =	sgt.s32 s31, $0x7F  }
0x2a7: {  	s14 =	smov.u32 @p4 s0;
	p1 =	por p1, p1;
	p2 =	por !p5, !p6  }
0x2a8: {  	p1 =	por p1, p1;
	s0 =	sadd.s32 s22, s26;
	p2 =	por !p2, !p2  }
0x2a9: {  	p1 =	por p1, p1;
	s14 =	smov.u32 @p3 s0;
	s15 =	simm.s32 @p2 $0x1  }
0x2aa: {  	p2 =	por p2, p2;
	p5 =	seq.s32 s15, $0x0;
	p6 =	sgt.s32 s25, $0x7F  }
0x2ab: {  	p2 =	por p2, p2;
	s0 =	sadd.s32 s20, s24;
	p3 =	por !p5, !p6  }
0x2ac: {  	s14 =	smov.u32 @p0 s0;
	p0 =	por !p3, !p3;
	s26 =	spop (v2sf)  }
0x2ad: {  	p2 =	por p2, p2;
	s15 =	simm.s32 @p0 $0x1;
	s0 =	sadd.s32 s25, s26  }
0x2ae: {  	p0 =	por p0, p0;
	p4 =	seq.s32 s15, $0x0;
	p5 =	sgt.s32 s0, $0x7F  }
0x2af: {  	p0 =	por p0, p0;
	p3 =	por !p4, !p5;
	s28 =	spop (v2sf)  }
0x2b0: {  	p0 =	por p0, p0;
	p6 =	por !p3, !p3;
	s0 =	sadd.s32 s19, s28  }
0x2b1: {  	s14 =	smov.u32 @p1 s0;
	s29 =	spop (v2sf);
	p1 =	por p6, p6  }
0x2b2: {  	s0 =	sadd.s32 s16, s29;
	p1 =	por p1, p1;
	s30 =	spop (v2sf)  }
0x2b3: {  	s14 =	smov.u32 @p2 s0;
	s0 =	sadd.s32 s17, s30;
	s31 =	spop (v2sf)  }
0x2b4: {  	s14 =	smov.u32 @p0 s0;
	p0 =	por p1, p1;
	s0 =	sadd.s32 s18, s31  }
0x2b5: {  	s14 =	smov.u32 @p0 s0  }
0x2b6: {  	s0 =	sshll.u32 s14, $0x15  }
0x2b7: {  	s0 =	sxor.u32 $0x80000000, s0  }
0x2b8: {  	v6 =	vmov s0  }
0x2b9: {  	v5 =	vshra.s32 v6, $0x1F  }
0x2ba: {  	v5 =	vand.u32 $0x7FFFFFFF, v5  }
0x2bb: {  	v7 =	vimm.s32 $0xFFFFFFFF;
	s15 =	simm.s32 $0x40;
	s14 =	simm.s32 $0x70;
	v5 =	vxor.u32 s0, v5  }
.LBB2_39:
0x2bc: {  	v8 =	vld [tilespmem:s15+$0xFFFFFFC0];
	_ =	sdelay $0x4  }
0x2bd: {  	vm1 =	vge.f32 v8, v5  }
0x2be: {  	v8 =	vsel vm1, $0x1, v1  }
0x2bf: {  	(xrf0) =	vadd.scan.msk.s32 $0xffff, v8;
	_ =	sdelay $0x5  }
0x2c0: {  	v8, _, _ =	vpop (xrf0)  }
0x2c1: {  	v8 =	vadd.s32 v7, v8;
	_ =	sdelay $0x2  }
0x2c2: {  	s0 =	sadd.s32 $0xFFFFFF90, s14  }
0x2c3: {  	v9 =	vor.u32 s0, v0  }
0x2c4: {  	s16 =	sand.u32 $0x3F80, s0;
	[tilespmem:v8+s11+$0x0] =	vst.idx.msk vm1, v9  }
0x2c5: {  	[tilespmem:s16+$0x18000] =	vst v1  }
0x2c6: {  	v8 =	vld [tilespmem:s15+$0xFFFFFFD0];
	_ =	sdelay $0x4  }
0x2c7: {  	vm2 =	vge.f32 v8, v5  }
0x2c8: {  	v8 =	vsel vm2, $0x1, v1  }
0x2c9: {  	(xrf0) =	vadd.scan.msk.s32 $0xffff, v8;
	_ =	sdelay $0x1  }
0x2ca: {  	v8 =	vmpcnt.ones.xlane vm1;
	_ =	sdelay $0x3  }
0x2cb: {  	v7 =	vadd.s32 v7, v8;
	v8, _, _ =	vpop (xrf0)  }
0x2cc: {  	v8 =	vadd.s32 v7, v8;
	_ =	sdelay $0x2  }
0x2cd: {  	s25 =	sadd.s32 $0xFFFFFFA0, s14  }
0x2ce: {  	v57 =	vor.u32 s25, v0  }
0x2cf: {  	[tilespmem:v8+s11+$0x0] =	vst.idx.msk vm2, v57  }
0x2d0: {  	[tilespmem:s16+$0x18010] =	vst v1  }
0x2d1: {  	v8 =	vld [tilespmem:s15+$0xFFFFFFE0];
	_ =	sdelay $0x4  }
0x2d2: {  	vm1 =	vge.f32 v8, v5  }
0x2d3: {  	v8 =	vsel vm1, $0x1, v1  }
0x2d4: {  	(xrf0) =	vadd.scan.msk.s32 $0xffff, v8;
	_ =	sdelay $0x1  }
0x2d5: {  	v8 =	vmpcnt.ones.xlane vm2;
	_ =	sdelay $0x3  }
0x2d6: {  	v7 =	vadd.s32 v7, v8;
	v8, _, _ =	vpop (xrf0)  }
0x2d7: {  	v8 =	vadd.s32 v7, v8;
	_ =	sdelay $0x2  }
0x2d8: {  	s26 =	sadd.s32 $0xFFFFFFB0, s14  }
0x2d9: {  	v58 =	vor.u32 s26, v0  }
0x2da: {  	[tilespmem:v8+s11+$0x0] =	vst.idx.msk vm1, v58  }
0x2db: {  	[tilespmem:s16+$0x18020] =	vst v1  }
0x2dc: {  	v8 =	vld [tilespmem:s15+$0xFFFFFFF0];
	_ =	sdelay $0x4  }
0x2dd: {  	vm2 =	vge.f32 v8, v5  }
0x2de: {  	v8 =	vsel vm2, $0x1, v1  }
0x2df: {  	(xrf0) =	vadd.scan.msk.s32 $0xffff, v8;
	_ =	sdelay $0x1  }
0x2e0: {  	v8 =	vmpcnt.ones.xlane vm1;
	_ =	sdelay $0x3  }
0x2e1: {  	v7 =	vadd.s32 v7, v8;
	v8, _, _ =	vpop (xrf0)  }
0x2e2: {  	v8 =	vadd.s32 v7, v8;
	_ =	sdelay $0x2  }
0x2e3: {  	s28 =	sadd.s32 $0xFFFFFFC0, s14  }
0x2e4: {  	v59 =	vor.u32 s28, v0  }
0x2e5: {  	[tilespmem:v8+s11+$0x0] =	vst.idx.msk vm2, v59  }
0x2e6: {  	[tilespmem:s16+$0x18030] =	vst v1  }
0x2e7: {  	v8 =	vld [tilespmem:s15+$0x0];
	_ =	sdelay $0x4  }
0x2e8: {  	vm1 =	vge.f32 v8, v5  }
0x2e9: {  	v8 =	vsel vm1, $0x1, v1  }
0x2ea: {  	(xrf0) =	vadd.scan.msk.s32 $0xffff, v8;
	_ =	sdelay $0x1  }
0x2eb: {  	v8 =	vmpcnt.ones.xlane vm2;
	_ =	sdelay $0x3  }
0x2ec: {  	v7 =	vadd.s32 v7, v8;
	v8, _, _ =	vpop (xrf0)  }
0x2ed: {  	v8 =	vadd.s32 v7, v8;
	_ =	sdelay $0x2  }
0x2ee: {  	s29 =	sadd.s32 $0xFFFFFFD0, s14  }
0x2ef: {  	v60 =	vor.u32 s29, v0  }
0x2f0: {  	[tilespmem:v8+s11+$0x0] =	vst.idx.msk vm1, v60  }
0x2f1: {  	[tilespmem:s16+$0x18040] =	vst v1  }
0x2f2: {  	v8 =	vld [tilespmem:s15+$0x10];
	_ =	sdelay $0x4  }
0x2f3: {  	vm2 =	vge.f32 v8, v5  }
0x2f4: {  	v8 =	vsel vm2, $0x1, v1  }
0x2f5: {  	(xrf0) =	vadd.scan.msk.s32 $0xffff, v8;
	_ =	sdelay $0x1  }
0x2f6: {  	v8 =	vmpcnt.ones.xlane vm1;
	_ =	sdelay $0x3  }
0x2f7: {  	v7 =	vadd.s32 v7, v8;
	v8, _, _ =	vpop (xrf0)  }
0x2f8: {  	v8 =	vadd.s32 v7, v8;
	_ =	sdelay $0x2  }
0x2f9: {  	s30 =	sadd.s32 $0xFFFFFFE0, s14  }
0x2fa: {  	v61 =	vor.u32 s30, v0  }
0x2fb: {  	[tilespmem:v8+s11+$0x0] =	vst.idx.msk vm2, v61  }
0x2fc: {  	[tilespmem:s16+$0x18050] =	vst v1  }
0x2fd: {  	v8 =	vld [tilespmem:s15+$0x20];
	_ =	sdelay $0x4  }
0x2fe: {  	vm1 =	vge.f32 v8, v5  }
0x2ff: {  	v8 =	vsel vm1, $0x1, v1  }
0x300: {  	(xrf0) =	vadd.scan.msk.s32 $0xffff, v8;
	_ =	sdelay $0x1  }
0x301: {  	v8 =	vmpcnt.ones.xlane vm2;
	_ =	sdelay $0x3  }
0x302: {  	v7 =	vadd.s32 v7, v8;
	v8, _, _ =	vpop (xrf0)  }
0x303: {  	v8 =	vadd.s32 v7, v8;
	_ =	sdelay $0x2  }
0x304: {  	s31 =	sadd.s32 $0xFFFFFFF0, s14  }
0x305: {  	v62 =	vor.u32 s31, v0  }
0x306: {  	[tilespmem:v8+s11+$0x0] =	vst.idx.msk vm1, v62  }
0x307: {  	[tilespmem:s16+$0x18060] =	vst v1  }
0x308: {  	v8 =	vld [tilespmem:s15+$0x30];
	_ =	sdelay $0x4  }
0x309: {  	vm2 =	vge.f32 v8, v5  }
0x30a: {  	v8 =	vsel vm2, $0x1, v1  }
0x30b: {  	(xrf0) =	vadd.scan.msk.s32 $0xffff, v8;
	_ =	sdelay $0x1  }
0x30c: {  	v8 =	vmpcnt.ones.xlane vm1;
	_ =	sdelay $0x3  }
0x30d: {  	v7 =	vadd.s32 v7, v8;
	v8, _, _ =	vpop (xrf0)  }
0x30e: {  	v8 =	vadd.s32 v7, v8  }
0x30f: {  	p0 =	sne.s32 s14, $0x7FF0  }
.Ltmp26:
0x310: {  	_ = 	snop;
	(pc) =	sbr.rel @p0 .LBB2_39-.Ltmp26, $4  }
0x311: {  	_ = 	snop  }
0x312: {  	v63 =	vor.u32 s14, v0;
	v10 =	vmpcnt.ones.xlane vm2  }
0x313: {  	[tilespmem:v8+s11+$0x0] =	vst.idx.msk vm2, v63  }
0x314: {  	s14 =	sadd.s32 $0x80, s14;
	s15 =	sadd.s32 $0x80, s15;
	v7 =	vadd.s32 v7, v10;
	[tilespmem:s16+$0x18070] =	vst v1  }
0x315: {  	v5 =	vadd.s32 $0x80000001, v7  }
0x316: {  	(xrf0) =	vmax.scan.msk.u32 $0xffff, v5;
	_ =	sdelay $0x5  }
0x317: {  	v5, _, _ =	vpop (xrf0)  }
0x318: {  	(v2sf) =	vpush v5, $0xF;
	_ =	sdelay $0xd  }
.Ltmp27:
0x319: {  	_ = 	snop;
	(pc) =	sbr.rel .LBB2_41-.Ltmp27, $4  }
0x31a: {  	s0 =	spop (v2sf)  }
0x31b: {  	s0 =	sadd.s32 $0x8000000F, s0  }
0x31c: {  	s14 =	sshra.s32 s0, $0x4  }
0x31d: {  	s15 =	simm.s32 $0x0;
	s16 =	simm.s32 $0x0;
	v5 =	vadd.s32 $0x1, v7;
	v7 =	vor.u32 $0x1FFFFF, v6;
	p0 =	slt.s32 s14, $0x1  }
.LBB2_43:
0x31e: {  	v12 =	vimm.s32 $0x0  }
.LBB2_49:
0x31f: {  	_ =	sdelay $0x3  }
0x320: {  	v11 =	vld.idx.msk [tilespmem:v11+s2+$0x0], $0xffff;
	_ =	sdelay $0x1  }
0x321: {  	v14 =	vmpcnt.ones.xlane @p2 vm3;
	vm3 =	vge.f32 @p1 v13, v10  }
0x322: {  	vm1 =	vmmov vm1;
	vm2 =	vmand @p1 vm2, vm3  }
0x323: {  	vm1 =	vmmov vm1;
	vm2 =	vmmov @p1 vm2  }
0x324: {  	v12 =	vadd.s32 @p2 v12, v14;
	v13 =	vmpcnt.ones.xlane @p1 vm2;
	vm2 =	vge.f32 v11, v10  }
0x325: {  	v10 =	vpsel p2, v12, v9;
	vm1 =	vmand vm1, vm2  }
0x326: {  	v10 =	vadd.s32 @p1 v10, v13;
	v11 =	vmpcnt.ones.xlane vm1  }
0x327: {  	v9 =	vpsel p1, v10, v9  }
0x328: {  	v9 =	vadd.s32 v9, v11  }
0x329: {  	vm1 =	vgt.s32 v9, $0x7F  }
.LBB2_50:
0x32a: {  	s16 =	sadd.s32 $0x1, s16  }
0x32b: {  	p1 =	sne.s32 s16, $0x15  }
.Ltmp28:
0x32c: {  	_ = 	snop;
	(pc) =	sbr.rel @!p1 .LBB2_51-.Ltmp28, $3  }
0x32d: {  	_ =	sdelay $0x1  }
0x32e: {  	v9 =	vadd.s32 $0xFFFFFFFF, v8  }
0x32f: {  	v6 =	vsel vm1, v8, v6;
	v7 =	vsel vm1, v7, v9  }
.LBB2_41:
.Ltmp29:
0x330: {  	(pc) =	sbr.rel @p0 .LBB2_50-.Ltmp29, $4  }
0x331: {  	v8 =	vsub.s32 v7, v6  }
0x332: {  	v8 =	vadd.s32 $0x1, v8  }
0x333: {  	v8 =	vshra.s32 v8, $0x1  }
0x334: {  	vm1 =	vmmov vm0;
	v8 =	vadd.s32 v6, v8  }
0x335: {  	s0 =	simm.s32 $0x10000  }
0x336: {  	p3 =	sne.s32 s14, $0x1;
	v11 =	vld [tilespmem:s0+$0x0]  }
.Ltmp30:
0x337: {  	_ = 	snop;
	(pc) =	sbr.rel @!p3 .LBB2_43-.Ltmp30, $4  }
0x338: {  	_ = 	snop  }
0x339: {  	v9 =	vshra.s32 v8, $0x1F;
	v10 =	vor.u32 s15, v0  }
0x33a: {  	s17 =	sadd.s32 $0xFFFFFFFF, s14;
	v12 =	vand.u32 $0x7FFFFFFF, v9;
	vm1 =	vlt.s32 v10, v5  }
0x33b: {  	s18 =	simm.s32 $0x10010;
	p1 =	por $0x0, $0x0;
	p2 =	por $0x0, $0x0;
	v9 =	vimm.s32 $0x0;
	v10 =	vxor.u32 v8, v12;
	v11 =	vnsel vm1, $0x0, v11  }
0x33c: {  	v12 =	vld [tilespmem:s18+$0x0];
	p3 =	sne.s32 s17, $0x1  }
.Ltmp31:
0x33d: {  	_ = 	snop;
	(pc) =	sbr.rel @!p3 .LBB2_45-.Ltmp31, $4  }
0x33e: {  	s0 =	simm.s32 $0x10  }
0x33f: {  	v13 =	vor.u32 s0, v0  }
0x340: {  	vm2 =	vmmov vm1;
	vm1 =	vlt.s32 v13, v5  }
0x341: {  	s18 =	sadd.s32 $0xFFFFFFFF, s17;
	s17 =	simm.s32 $0x10020;
	p1 =	por $0x1, $0x1;
	vm2 =	vmmov vm2;
	v13 =	vld.idx.msk [tilespmem:v11+s2+$0x0], $0xffff;
	v11 =	vnsel vm1, $0x0, v12  }
0x342: {  	_ = 	snop  }
0x343: {  	v12 =	vld [tilespmem:s17+$0x0];
	p3 =	sne.s32 s18, $0x1  }
.Ltmp32:
0x344: {  	_ = 	snop;
	(pc) =	sbr.rel @!p3 .LBB2_47-.Ltmp32, $4  }
0x345: {  	s17 =	simm.s32 $0x20  }
0x346: {  	v14 =	vor.u32 s17, v0;
	vm3 =	vge.f32 v13, v10  }
0x347: {  	vm4 =	vmmov vm1;
	vm1 =	vlt.s32 v14, v5;
	vm3 =	vmand vm2, vm3  }
0x348: {  	s18 =	sadd.s32 $0xFFFFFFFF, s18;
	s19 =	simm.s32 $0x10030;
	p2 =	por $0x1, $0x1;
	v13 =	vld.idx.msk [tilespmem:v11+s2+$0x0], $0xffff;
	v11 =	vnsel vm1, $0x0, v12;
	vm2 =	vmmov vm4;
	v12 =	vimm.s32 $0x0  }
.LBB2_48:
0x349: {  	v14 =	vld [tilespmem:s19+$0x0];
	p3 =	sne.s32 s18, $0x1;
	s18 =	sadd.s32 $0xFFFFFFFF, s18;
	v15 =	vmpcnt.ones.xlane vm3;
	vm4 =	vmmov vm1  }
.Ltmp33:
0x34a: {  	(pc) =	sbr.rel @p3 .LBB2_48-.Ltmp33, $4  }
0x34b: {  	s17 =	sadd.s32 $0x10, s17;
	v12 =	vadd.s32 v12, v15  }
0x34c: {  	v15 =	vor.u32 s17, v0  }
0x34d: {  	vm3 =	vge.f32 v13, v10;
	vm1 =	vlt.s32 v15, v5;
	v13 =	vld.idx.msk [tilespmem:v11+s2+$0x0], $0xffff  }
0x34e: {  	s19 =	sadd.s32 $0x10, s19;
	vm3 =	vmand vm2, vm3;
	vm2 =	vmmov vm4;
	v11 =	vnsel vm1, $0x0, v14  }
.Ltmp34:
0x34f: {  	_ = 	snop;
	(pc) =	sbr.rel .LBB2_49-.Ltmp34, $1  }
0x350: {  	_ =	sdelay $0x3  }
.LBB2_45:
.Ltmp35:
0x351: {  	(pc) =	sbr.rel .LBB2_49-.Ltmp35, $2  }
0x352: {  	_ =	sdelay $0x2  }
0x353: {  	v12 =	vimm.s32 $0x0  }
.LBB2_47:
.Ltmp36:
0x354: {  	(pc) =	sbr.rel .LBB2_49-.Ltmp36, $2  }
0x355: {  	_ =	sdelay $0x2  }
0x356: {  	v12 =	vimm.s32 $0x0  }
.LBB2_51:
.Ltmp37:
0x357: {  	(pc) =	sbr.rel @p0 .LBB2_61-.Ltmp37, $1  }
0x358: {  	_ =	sdelay $0x3  }
0x359: {  	s15 =	simm.s32 $0x10000  }
0x35a: {  	p2 =	sne.s32 s14, $0x1;
	v8 =	vld [tilespmem:s15+$0x0]  }
.Ltmp38:
0x35b: {  	_ = 	snop;
	(pc) =	sbr.rel @!p2 .LBB2_53-.Ltmp38, $4  }
0x35c: {  	s16 =	simm.s32 $0x0  }
0x35d: {  	v7 =	vshra.s32 v6, $0x1F;
	v9 =	vor.u32 s16, v0  }
0x35e: {  	s17 =	sadd.s32 $0xFFFFFFFF, s14;
	v10 =	vand.u32 $0x7FFFFFFF, v7;
	vm1 =	vlt.s32 v9, v5  }
0x35f: {  	s18 =	simm.s32 $0x10010;
	p0 =	por $0x0, $0x0;
	p1 =	por $0x0, $0x0;
	v7 =	vimm.s32 $0x0;
	v6 =	vxor.u32 v6, v10;
	v8 =	vnsel vm1, $0x0, v8  }
0x360: {  	v9 =	vld [tilespmem:s18+$0x0];
	p2 =	sne.s32 s17, $0x1  }
.Ltmp39:
0x361: {  	_ = 	snop;
	(pc) =	sbr.rel @!p2 .LBB2_55-.Ltmp39, $4  }
0x362: {  	s0 =	simm.s32 $0x10  }
0x363: {  	v10 =	vor.u32 s0, v0  }
0x364: {  	vm2 =	vmmov vm1;
	vm1 =	vlt.s32 v10, v5  }
0x365: {  	s18 =	sadd.s32 $0xFFFFFFFF, s17;
	s17 =	simm.s32 $0x10020;
	p0 =	por $0x1, $0x1;
	vm2 =	vmmov vm2;
	v10 =	vld.idx.msk [tilespmem:v8+s2+$0x0], $0xffff;
	v8 =	vnsel vm1, $0x0, v9  }
0x366: {  	_ = 	snop  }
0x367: {  	v9 =	vld [tilespmem:s17+$0x0];
	p2 =	sne.s32 s18, $0x1  }
.Ltmp40:
0x368: {  	_ = 	snop;
	(pc) =	sbr.rel @!p2 .LBB2_57-.Ltmp40, $4  }
0x369: {  	s17 =	simm.s32 $0x20  }
0x36a: {  	v11 =	vor.u32 s17, v0;
	vm3 =	vgt.f32 v10, v6  }
0x36b: {  	vm4 =	vmmov vm1;
	vm1 =	vlt.s32 v11, v5;
	vm3 =	vmand vm2, vm3  }
0x36c: {  	s18 =	sadd.s32 $0xFFFFFFFF, s18;
	s19 =	simm.s32 $0x10030;
	p1 =	por $0x1, $0x1;
	v10 =	vld.idx.msk [tilespmem:v8+s2+$0x0], $0xffff;
	v8 =	vnsel vm1, $0x0, v9;
	vm2 =	vmmov vm4;
	v9 =	vimm.s32 $0x0  }
.LBB2_58:
0x36d: {  	v11 =	vld [tilespmem:s19+$0x0];
	p2 =	sne.s32 s18, $0x1;
	s18 =	sadd.s32 $0xFFFFFFFF, s18;
	v12 =	vmpcnt.ones.xlane vm3;
	vm4 =	vmmov vm1  }
.Ltmp41:
0x36e: {  	(pc) =	sbr.rel @p2 .LBB2_58-.Ltmp41, $4  }
0x36f: {  	s17 =	sadd.s32 $0x10, s17;
	v9 =	vadd.s32 v9, v12  }
0x370: {  	v12 =	vor.u32 s17, v0  }
0x371: {  	vm1 =	vlt.s32 v12, v5;
	vm3 =	vgt.f32 v10, v6;
	v10 =	vld.idx.msk [tilespmem:v8+s2+$0x0], $0xffff  }
0x372: {  	s19 =	sadd.s32 $0x10, s19;
	vm3 =	vmand vm2, vm3;
	vm2 =	vmmov vm4;
	v8 =	vnsel vm1, $0x0, v11  }
.LBB2_59:
0x373: {  	_ =	sdelay $0x3  }
0x374: {  	v8 =	vld.idx.msk [tilespmem:v8+s2+$0x0], $0xffff;
	_ =	sdelay $0x1  }
0x375: {  	v11 =	vmpcnt.ones.xlane @p1 vm3;
	vm3 =	vgt.f32 @p0 v10, v6  }
0x376: {  	vm1 =	vmmov vm1;
	vm2 =	vmand @p0 vm2, vm3  }
0x377: {  	vm1 =	vmmov vm1;
	vm2 =	vmmov @p0 vm2  }
0x378: {  	v9 =	vadd.s32 @p1 v9, v11;
	v10 =	vmpcnt.ones.xlane @p0 vm2;
	vm2 =	vgt.f32 v8, v6  }
0x379: {  	v8 =	vpsel p1, v9, v7;
	vm1 =	vmand vm1, vm2  }
0x37a: {  	v8 =	vadd.s32 @p0 v8, v10;
	v9 =	vmpcnt.ones.xlane vm1  }
0x37b: {  	v8 =	vpsel p0, v8, v7  }
0x37c: {  	v8 =	vadd.s32 v8, v9  }
0x37d: {  	v8 =	vsub.s32 $0x80, v8  }
.LBB2_60:
0x37e: {  	v9 =	vld [tilespmem:s15+$0x0];
	_ =	sdelay $0x2  }
0x37f: {  	v10 =	vor.u32 s16, v0  }
0x380: {  	vm1 =	vlt.s32 v10, v5  }
0x381: {  	v10 =	vnsel vm1, $0x0, v9;
	_ =	sdelay $0x4  }
0x382: {  	v10 =	vld.idx.msk [tilespmem:v10+s2+$0x0], $0xffff;
	_ =	sdelay $0x4  }
0x383: {  	vm2 =	veq.f32 v10, v6  }
0x384: {  	vm2 =	vmand vm1, vm2  }
0x385: {  	v11 =	vsel vm2, $0x1, v1  }
0x386: {  	(xrf0) =	vadd.scan.msk.s32 $0xffff, v11;
	_ =	sdelay $0x5  }
0x387: {  	v11, _, _ =	vpop (xrf0)  }
0x388: {  	v11 =	vadd.s32 v7, v11  }
0x389: {  	vm3 =	vgt.f32 v10, v6;
	vm4 =	vle.s32 v11, v8  }
0x38a: {  	vm1 =	vmand vm1, vm3;
	vm3 =	vmand vm2, vm4  }
0x38b: {  	vm1 =	vmor vm1, vm3  }
0x38c: {  	p0 =	sne.s32 s14, $0x1  }
.Ltmp42:
0x38d: {  	_ = 	snop;
	(pc) =	sbr.rel @p0 .LBB2_60-.Ltmp42, $4  }
0x38e: {  	_ = 	snop  }
0x38f: {  	v11 =	vmpcnt.ones.xlane vm2  }
0x390: {  	v10 =	vmax.f32 v10, $0.0e+00  }
0x391: {  	s15 =	sadd.s32 $0x10, s15;
	s16 =	sadd.s32 $0x10, s16;
	s14 =	sadd.s32 $0xFFFFFFFF, s14;
	v7 =	vadd.s32 v7, v11;
	[tilespmem:v9+s12+$0x0] =	vst.idx.msk vm1, v10  }
.Ltmp43:
0x392: {  	_ = 	snop;
	(pc) =	sbr.rel .LBB2_61-.Ltmp43, $1  }
0x393: {  	_ =	sdelay $0x3  }
.LBB2_24:
.Ltmp44:
0x394: {  	(pc) =	sbr.rel .LBB2_30-.Ltmp44, $2  }
0x395: {  	_ =	sdelay $0x2  }
0x396: {  	v9 =	vimm.s32 $0x0  }
.LBB2_53:
.Ltmp45:
0x397: {  	(pc) =	sbr.rel .LBB2_59-.Ltmp45, $2  }
0x398: {  	_ =	sdelay $0x2  }
0x399: {  	v9 =	vimm.s32 $0x0  }
.LBB2_26:
.Ltmp46:
0x39a: {  	(pc) =	sbr.rel .LBB2_30-.Ltmp46, $2  }
0x39b: {  	_ =	sdelay $0x2  }
0x39c: {  	v9 =	vimm.s32 $0x0  }
.LBB2_55:
.Ltmp47:
0x39d: {  	(pc) =	sbr.rel .LBB2_59-.Ltmp47, $2  }
0x39e: {  	_ =	sdelay $0x2  }
0x39f: {  	v9 =	vimm.s32 $0x0  }
.LBB2_28:
.Ltmp48:
0x3a0: {  	(pc) =	sbr.rel .LBB2_30-.Ltmp48, $2  }
0x3a1: {  	_ =	sdelay $0x2  }
0x3a2: {  	v9 =	vimm.s32 $0x0  }
.LBB2_57:
.Ltmp49:
0x3a3: {  	(pc) =	sbr.rel .LBB2_59-.Ltmp49, $2  }
0x3a4: {  	_ =	sdelay $0x2  }
0x3a5: {  	v9 =	vimm.s32 $0x0  }
.LBB2_62:
0x3a6: {  	_ =	sfence.sel $0x180000  }
0x3a7: {  	[bflag:$0x0] =	sbarrier.arrive $0xFFFF  }
0x3a8: {  	_ =	strace $0x90000047  }
0x3a9: {  	s0 =	stileid.u32;
	[bflag:$0x2] =	sbarrier.arrive $0xFFFF  }
0x3aa: {  	p0 =	sne.s32 s0, $0x0;
	s0 =	rddreg [dreg:$0x2]  }
0x3ab: {  	s0 =	sadd.s32 @!p0 $0x100000, s0  }
0x3ac: {  	[sflag:s0] =	ssyncadd.tile.s32 @!p0 $0x1;
	_ =	shalt  }
.Lfunc_end2:
_tile_overlayer_lowered:
.L_overlay_start_2:
0x3ad: {  	(tag) =	ssettag $0x2  }
0x3ae: {  	s0 =	rddreg [dreg:$0x0];
	s2 =	stileid.u32  }
0x3af: {  	s1 =	rddreg [dreg:$0x1];
	p0 =	sne.s32 s2, $0x0  }
0x3b0: {  	s3 =	rddreg [dreg:$0x2];
	[bflag:$0x3] =	sbarrier.arrive $0xFFFF;
	s2 =	simm.s32 @!p0 $0x1C01  }
0x3b1: {  	[timem:s3], [sflag:s2] =	dma.local @!p0 [hbm:s0], s1  }
0x3b2: {  	s0 =	simm.s32 @!p0 $0x1  }
0x3b3: {  	_ =	swait.ge @!p0 [sflag:s0], s1  }
0x3b4: {  	s1 =	ssub.s32 @!p0 $0x0, s1;
	[sflag:s0] =	ssyncset.done @!p0 $0x0  }
0x3b5: {  	[sflag:s0] =	ssyncadd.s32 @!p0 s1  }
0x3b6: {  	[bflag:$0x3] =	sbarrier.arrive $0xFFFF  }
0x3b7: {  	_ =	shalt  }

</sc_bundles>
